<compile_context>
chip_gen: v7x
topology: tpu7x:2x2x1
jax: 0.10.2.dev20260603
libtpu: 0.0.44.dev20260713+nightly
codegen_flags: <defaults>
</compile_context>

<pallas_src>
import functools

import jax
import jax.numpy as jnp
from jax import lax
from jax.experimental import pallas as pl
from jax.experimental.pallas import tpu as pltpu
from jax.experimental.pallas import tpu_sc as plsc

WORD_DIM = 64
TAG_DIM = 32
OUT_DIM = WORD_DIM + TAG_DIM

R = 2
NBUF = 2
SLICE0 = 128
LANES = 16


def _build_kernel(B, L, num_cores, num_subcores):
  NW = num_cores * num_subcores
  rows_per_w = B // NW
  n_sb = rows_per_w // R
  n_body = n_sb // NBUF
  slice1 = L - SLICE0
  n_groups = (L + LANES - 1) // LANES

  mesh = plsc.VectorSubcoreMesh(core_axis_name="c", subcore_axis_name="s")

  @functools.partial(
      pl.kernel,
      mesh=mesh,
      out_type=jax.ShapeDtypeStruct((B, L, OUT_DIM), jnp.float32),
      compiler_params=pltpu.CompilerParams(
          use_tc_tiling_on_sc=False, needs_layout_passes=False),
      scratch_types=[
          pltpu.VMEM((NBUF * R, L), jnp.int32),
          pltpu.VMEM((NBUF * R, L), jnp.int32),
          pltpu.VMEM((NBUF, R, L, WORD_DIM), jnp.float32),
          pltpu.VMEM((NBUF, R, L, TAG_DIM), jnp.float32),
          pltpu.VMEM((64 * TAG_DIM,), jnp.float32),
          pltpu.SemaphoreType.DMA,
          pltpu.SemaphoreType.DMA,
          pltpu.SemaphoreType.DMA,
          pltpu.SemaphoreType.DMA,
      ],
  )
  def k(w_hbm, t_hbm, wt_hbm, tt_hbm, out_hbm,
        widx, tidx, wrows, trows, tagtab, g0, g1, o0, o1):
    c = lax.axis_index("c")
    s = lax.axis_index("s")
    wid = s * num_cores + c
    row_base = wid * rows_per_w
    gsem = (g0, g1)
    osem = (o0, o1)
    iota = lax.iota(jnp.int32, LANES)

    pltpu.sync_copy(tt_hbm, tagtab)

    def stage(body_i):
      b0 = row_base + body_i * NBUF * R
      cw = pltpu.async_copy(w_hbm.at[pl.ds(b0, NBUF * R)], widx, g0)
      ct = pltpu.async_copy(t_hbm.at[pl.ds(b0, NBUF * R)], tidx, g0)
      cw.wait()
      ct.wait()

    def fire(buf):
      copies = []
      for i in range(R):
        for (lo, ln) in ((0, SLICE0), (SLICE0, slice1)):
          copies.append(pltpu.async_copy(
              wt_hbm.at[widx.at[buf * R + i, pl.ds(lo, ln)]],
              wrows.at[buf, i, pl.ds(lo, ln)], gsem[buf]))
      return copies

    def tag_fill(buf):
      for i in range(R):
        def group(g, carry):
          start = jnp.minimum(g * LANES, L - LANES)
          tid16 = tidx[buf * R + i, pl.ds(start, LANES)]
          for lane in range(LANES):
            t = start + lane
            base = tid16[lane] * TAG_DIM
            trows[buf, i, t, pl.ds(0, LANES)] = tagtab[pl.ds(base, LANES)]
            trows[buf, i, t, pl.ds(LANES, LANES)] = (
                tagtab[pl.ds(base + LANES, LANES)])
          return carry
        lax.fori_loop(0, n_groups, group, 0)

    def write(sb, buf):
      b0 = row_base + sb * R
      return [
          pltpu.async_copy(
              wrows.at[buf],
              out_hbm.at[pl.ds(b0, R), slice(None), pl.ds(0, WORD_DIM)],
              osem[buf]),
          pltpu.async_copy(
              trows.at[buf],
              out_hbm.at[pl.ds(b0, R), slice(None), pl.ds(WORD_DIM, TAG_DIM)],
              osem[buf]),
      ]

    def body(i, carry):
      sb0 = i * NBUF
      sb1 = sb0 + 1
      stage(i)
      c0 = fire(0)
      c1 = fire(1)
      tag_fill(0)
      tag_fill(1)
      for cp in c0:
        cp.wait()
      w0 = write(sb0, 0)
      for cp in c1:
        cp.wait()
      w1 = write(sb1, 1)
      for cp in w0 + w1:
        cp.wait()
      return carry

    lax.fori_loop(0, n_body, body, 0)

  return k


def kernel(words, tags, word_table, tag_table):
  B, L = words.shape
  info = plsc.get_sparse_core_info()
  k = _build_kernel(B, L, info.num_cores, info.num_subcores)
  return k(words, tags, word_table, tag_table.reshape(-1))

# --- scband reference (transcript-rebuilt; emitter-appended) ---
"""Pipeline reference for scband-word-tag-embedding-25847113187838 (READ-ONLY COPY).

The authoritative reference and input builder live on the scoring server;
editing this copy changes nothing except your own understanding.
"""

import jax, jax.numpy as jnp
import numpy as np

WORD_VOCAB = 100000
WORD_DIM = 64
TAG_VOCAB = 64
TAG_DIM = 32
B = 4096
L = 200

def setup_inputs(seed: int = 0) -> dict:
    key = jax.random.key(seed)
    k1, k2, k3, k4 = jax.random.split(key, 4)
    words = jax.random.randint(k1, (B, L), 0, WORD_VOCAB, dtype=jnp.int64 if jax.config.jax_enable_x64 else jnp.int32).astype(jnp.int32)
    tags = jax.random.randint(k2, (B, L), 0, TAG_VOCAB, dtype=jnp.int32)
    word_table = jax.random.normal(k3, (WORD_VOCAB, WORD_DIM), dtype=jnp.float32)
    tag_table = jax.random.normal(k4, (TAG_VOCAB, TAG_DIM), dtype=jnp.float32)
    return {"words": words, "tags": tags, "word_table": word_table, "tag_table": tag_table}

def reference(words, tags, word_table, tag_table):
    # Embedding lookups (gather -> SparseCore friendly)
    w = jnp.take(word_table, words, axis=0)   # [B, L, WORD_DIM]
    t = jnp.take(tag_table, tags, axis=0)     # [B, L, TAG_DIM]
    x = jnp.concatenate((w, t), axis=-1)      # [B, L, WORD_DIM + TAG_DIM]
    # dropout p=0.0 -> identity
    return x

if __name__ == "__main__":
    import jax
    _d = setup_inputs()
    print(jax.jit(kernel)(*tuple(_d.values())))

</pallas_src>

<mosaic_0001>
#map = affine_map<(d0, d1) -> (0, 0)>
#map1 = affine_map<(d0, d1) -> (0)>
#map2 = affine_map<(d0, d1) -> (0, 0, 0)>
module attributes {stable_mosaic.version = 14 : i64} {
  func.func @k(%arg0: i32, %arg1: i32, %arg2: memref<4096x200xi32, #tpu.memory_space<hbm>>, %arg3: memref<4096x200xi32, #tpu.memory_space<hbm>>, %arg4: memref<100000x64xf32, #tpu.memory_space<hbm>>, %arg5: memref<2048xf32, #tpu.memory_space<hbm>>, %arg6: memref<4096x200x96xf32, #tpu.memory_space<hbm>>, %arg7: memref<4x200xi32, #tpu.memory_space<vmem>>, %arg8: memref<4x200xi32, #tpu.memory_space<vmem>>, %arg9: memref<2x2x200x64xf32, #tpu.memory_space<vmem>>, %arg10: memref<2x2x200x32xf32, #tpu.memory_space<vmem>>, %arg11: memref<2048xf32, #tpu.memory_space<vmem>>, %arg12: memref<!tpu.dma_semaphore, #tpu.memory_space<semaphore_mem>>, %arg13: memref<!tpu.dma_semaphore, #tpu.memory_space<semaphore_mem>>, %arg14: memref<!tpu.dma_semaphore, #tpu.memory_space<semaphore_mem>>, %arg15: memref<!tpu.dma_semaphore, #tpu.memory_space<semaphore_mem>>) attributes {dimension_semantics = [#tpu.dimension_semantics<core_parallel>, #tpu.dimension_semantics<subcore_parallel>], iteration_bounds = array<i64: 2, 16>, scalar_prefetch = 0 : i64, scratch_operands = 9 : i64, tpu.core_type = #tpu.core_type<sc_vector_subcore>, window_params = [{transform_indices = #map}, {transform_indices = #map}, {transform_indices = #map}, {transform_indices = #map1}, {transform_indices = #map2}]} {
    %mul3A = arith.constant 2 : i32
    %mul3A_0 = arith.muli %arg1, %mul3A : i32
    %add3A = arith.addi %mul3A_0, %arg0 : i32
    %mul3A_1 = arith.constant 128 : i32
    %mul3A_2 = arith.muli %add3A, %mul3A_1 : i32
    %iota3A = tpu.iota {dimensions = array<i32: 0>} : vector<16xi32>
    "tpu.region"() ({
      %run_scoped3A = tpu.sem_alloc : memref<!tpu.dma_semaphore, #tpu.memory_space<semaphore_mem>>
      tpu.enqueue_dma source(%arg5 : memref<2048xf32, #tpu.memory_space<hbm>>) target(%arg11 : memref<2048xf32, #tpu.memory_space<vmem>>) target_semaphore(%run_scoped3A : memref<!tpu.dma_semaphore, #tpu.memory_space<semaphore_mem>>)
      tpu.wait_dma2 semaphore(%run_scoped3A : memref<!tpu.dma_semaphore, #tpu.memory_space<semaphore_mem>>) src(%arg5 : memref<2048xf32, #tpu.memory_space<hbm>>) dst(%arg11 : memref<2048xf32, #tpu.memory_space<vmem>>)
      tpu.yield
    }) : () -> ()
    %scan3A = arith.constant 0 : i32
    %scan3A_3 = arith.constant 0 : i32
    %scan3A_4 = arith.constant 32 : i32
    %scan3A_5 = arith.addi %scan3A_3, %scan3A_4 : i32
    %scan3A_6 = arith.constant 1 : i32
    scf.for %scan3A_8 = %scan3A_3 to %scan3A_5 step %scan3A_6  : i32 {
      %mul3A_9 = arith.constant 2 : i32
      %mul3A_10 = arith.muli %scan3A_8, %mul3A_9 : i32
      %add3A_11 = arith.constant 1 : i32
      %add3A_12 = arith.addi %mul3A_10, %add3A_11 : i32
      %mul3A_13 = arith.constant 2 : i32
      %mul3A_14 = arith.muli %scan3A_8, %mul3A_13 : i32
      %mul3A_15 = arith.constant 2 : i32
      %mul3A_16 = arith.muli %mul3A_14, %mul3A_15 : i32
      %add3A_17 = arith.addi %mul3A_2, %mul3A_16 : i32
      %dma_start3A = arith.constant 0 : i32
      %dma_start3A_18 = tpu.memref_slice %arg2[%add3A_17, %dma_start3A] : memref<4096x200xi32, #tpu.memory_space<hbm>> -> memref<4x200xi32, #tpu.memory_space<hbm>>
      %dma_start3A_19 = arith.constant 0 : i32
      %dma_start3A_20 = tpu.memref_slice %arg2[%add3A_17, %dma_start3A_19] : memref<4096x200xi32, #tpu.memory_space<hbm>> -> memref<4x200xi32, #tpu.memory_space<hbm>>
      tpu.enqueue_dma source(%dma_start3A_20 : memref<4x200xi32, #tpu.memory_space<hbm>>) target(%arg7 : memref<4x200xi32, #tpu.memory_space<vmem>>) target_semaphore(%arg12 : memref<!tpu.dma_semaphore, #tpu.memory_space<semaphore_mem>>)
      %dma_start3A_21 = arith.constant 0 : i32
      %dma_start3A_22 = tpu.memref_slice %arg3[%add3A_17, %dma_start3A_21] : memref<4096x200xi32, #tpu.memory_space<hbm>> -> memref<4x200xi32, #tpu.memory_space<hbm>>
      %dma_start3A_23 = arith.constant 0 : i32
      %dma_start3A_24 = tpu.memref_slice %arg3[%add3A_17, %dma_start3A_23] : memref<4096x200xi32, #tpu.memory_space<hbm>> -> memref<4x200xi32, #tpu.memory_space<hbm>>
      tpu.enqueue_dma source(%dma_start3A_24 : memref<4x200xi32, #tpu.memory_space<hbm>>) target(%arg8 : memref<4x200xi32, #tpu.memory_space<vmem>>) target_semaphore(%arg12 : memref<!tpu.dma_semaphore, #tpu.memory_space<semaphore_mem>>)
      %dma_wait3A = arith.constant 0 : i32
      %dma_wait3A_25 = tpu.memref_slice %arg2[%add3A_17, %dma_wait3A] : memref<4096x200xi32, #tpu.memory_space<hbm>> -> memref<4x200xi32, #tpu.memory_space<hbm>>
      %dma_wait3A_26 = arith.constant 0 : i32
      %dma_wait3A_27 = tpu.memref_slice %arg2[%add3A_17, %dma_wait3A_26] : memref<4096x200xi32, #tpu.memory_space<hbm>> -> memref<4x200xi32, #tpu.memory_space<hbm>>
      tpu.wait_dma2 semaphore(%arg12 : memref<!tpu.dma_semaphore, #tpu.memory_space<semaphore_mem>>) src(%dma_wait3A_27 : memref<4x200xi32, #tpu.memory_space<hbm>>) dst(%arg7 : memref<4x200xi32, #tpu.memory_space<vmem>>)
      %dma_wait3A_28 = arith.constant 0 : i32
      %dma_wait3A_29 = tpu.memref_slice %arg3[%add3A_17, %dma_wait3A_28] : memref<4096x200xi32, #tpu.memory_space<hbm>> -> memref<4x200xi32, #tpu.memory_space<hbm>>
      %dma_wait3A_30 = arith.constant 0 : i32
      %dma_wait3A_31 = tpu.memref_slice %arg3[%add3A_17, %dma_wait3A_30] : memref<4096x200xi32, #tpu.memory_space<hbm>> -> memref<4x200xi32, #tpu.memory_space<hbm>>
      tpu.wait_dma2 semaphore(%arg12 : memref<!tpu.dma_semaphore, #tpu.memory_space<semaphore_mem>>) src(%dma_wait3A_31 : memref<4x200xi32, #tpu.memory_space<hbm>>) dst(%arg8 : memref<4x200xi32, #tpu.memory_space<vmem>>)
      %dma_start3A_32 = arith.constant 0 : i32
      %dma_start3A_33 = arith.constant 0 : i32
      %dma_start3A_34 = arith.constant 0 : i32
      %dma_start3A_35 = arith.constant 0 : i32
      %dma_start3A_36 = arith.constant 0 : i32
      %dma_start3A_37 = tpu.memref_slice %arg9[%dma_start3A_33, %dma_start3A_34, %dma_start3A_35, %dma_start3A_36] : memref<2x2x200x64xf32, #tpu.memory_space<vmem>> -> memref<1x1x128x64xf32, #tpu.memory_space<vmem>>
      %dma_start3A_38 = tpu.memref_squeeze %dma_start3A_37 : memref<1x1x128x64xf32, #tpu.memory_space<vmem>> -> memref<128x64xf32, #tpu.memory_space<vmem>>
      %dma_start3A_39 = arith.constant 0 : i32
      %dma_start3A_40 = tpu.memref_slice %arg7[%dma_start3A_32, %dma_start3A_39] : memref<4x200xi32, #tpu.memory_space<vmem>> -> memref<1x128xi32, #tpu.memory_space<vmem>>
      %dma_start3A_41 = tpu.memref_squeeze %dma_start3A_40 : memref<1x128xi32, #tpu.memory_space<vmem>> -> memref<128xi32, #tpu.memory_space<vmem>>
      %dma_start3A_42 = arith.constant 0 : i32
      %dma_start3A_43 = arith.constant 0 : i32
      %dma_start3A_44 = tpu.memref_slice %arg4[%dma_start3A_42, %dma_start3A_43] : memref<100000x64xf32, #tpu.memory_space<hbm>> -> memref<100000x64xf32, #tpu.memory_space<hbm>>
      tpu.enqueue_indirect_dma source(%dma_start3A_44 : memref<100000x64xf32, #tpu.memory_space<hbm>>) target(%dma_start3A_38 : memref<128x64xf32, #tpu.memory_space<vmem>>) offsets(%dma_start3A_41 : memref<128xi32, #tpu.memory_space<vmem>>) semaphore(%arg12 : memref<!tpu.dma_semaphore, #tpu.memory_space<semaphore_mem>>)
      %dma_start3A_45 = arith.constant 0 : i32
      %dma_start3A_46 = arith.constant 0 : i32
      %dma_start3A_47 = arith.constant 0 : i32
      %dma_start3A_48 = arith.constant 128 : i32
      %dma_start3A_49 = arith.constant 0 : i32
      %dma_start3A_50 = tpu.memref_slice %arg9[%dma_start3A_46, %dma_start3A_47, %dma_start3A_48, %dma_start3A_49] : memref<2x2x200x64xf32, #tpu.memory_space<vmem>> -> memref<1x1x72x64xf32, #tpu.memory_space<vmem>>
      %dma_start3A_51 = tpu.memref_squeeze %dma_start3A_50 : memref<1x1x72x64xf32, #tpu.memory_space<vmem>> -> memref<72x64xf32, #tpu.memory_space<vmem>>
      %dma_start3A_52 = arith.constant 128 : i32
      %dma_start3A_53 = tpu.memref_slice %arg7[%dma_start3A_45, %dma_start3A_52] : memref<4x200xi32, #tpu.memory_space<vmem>> -> memref<1x72xi32, #tpu.memory_space<vmem>>
      %dma_start3A_54 = tpu.memref_squeeze %dma_start3A_53 : memref<1x72xi32, #tpu.memory_space<vmem>> -> memref<72xi32, #tpu.memory_space<vmem>>
      %dma_start3A_55 = arith.constant 0 : i32
      %dma_start3A_56 = arith.constant 0 : i32
      %dma_start3A_57 = tpu.memref_slice %arg4[%dma_start3A_55, %dma_start3A_56] : memref<100000x64xf32, #tpu.memory_space<hbm>> -> memref<100000x64xf32, #tpu.memory_space<hbm>>
      tpu.enqueue_indirect_dma source(%dma_start3A_57 : memref<100000x64xf32, #tpu.memory_space<hbm>>) target(%dma_start3A_51 : memref<72x64xf32, #tpu.memory_space<vmem>>) offsets(%dma_start3A_54 : memref<72xi32, #tpu.memory_space<vmem>>) semaphore(%arg12 : memref<!tpu.dma_semaphore, #tpu.memory_space<semaphore_mem>>)
      %dma_start3A_58 = arith.constant 1 : i32
      %dma_start3A_59 = arith.constant 0 : i32
      %dma_start3A_60 = arith.constant 1 : i32
      %dma_start3A_61 = arith.constant 0 : i32
      %dma_start3A_62 = arith.constant 0 : i32
      %dma_start3A_63 = tpu.memref_slice %arg9[%dma_start3A_59, %dma_start3A_60, %dma_start3A_61, %dma_start3A_62] : memref<2x2x200x64xf32, #tpu.memory_space<vmem>> -> memref<1x1x128x64xf32, #tpu.memory_space<vmem>>
      %dma_start3A_64 = tpu.memref_squeeze %dma_start3A_63 : memref<1x1x128x64xf32, #tpu.memory_space<vmem>> -> memref<128x64xf32, #tpu.memory_space<vmem>>
      %dma_start3A_65 = arith.constant 0 : i32
      %dma_start3A_66 = tpu.memref_slice %arg7[%dma_start3A_58, %dma_start3A_65] : memref<4x200xi32, #tpu.memory_space<vmem>> -> memref<1x128xi32, #tpu.memory_space<vmem>>
      %dma_start3A_67 = tpu.memref_squeeze %dma_start3A_66 : memref<1x128xi32, #tpu.memory_space<vmem>> -> memref<128xi32, #tpu.memory_space<vmem>>
      %dma_start3A_68 = arith.constant 0 : i32
      %dma_start3A_69 = arith.constant 0 : i32
      %dma_start3A_70 = tpu.memref_slice %arg4[%dma_start3A_68, %dma_start3A_69] : memref<100000x64xf32, #tpu.memory_space<hbm>> -> memref<100000x64xf32, #tpu.memory_space<hbm>>
      tpu.enqueue_indirect_dma source(%dma_start3A_70 : memref<100000x64xf32, #tpu.memory_space<hbm>>) target(%dma_start3A_64 : memref<128x64xf32, #tpu.memory_space<vmem>>) offsets(%dma_start3A_67 : memref<128xi32, #tpu.memory_space<vmem>>) semaphore(%arg12 : memref<!tpu.dma_semaphore, #tpu.memory_space<semaphore_mem>>)
      %dma_start3A_71 = arith.constant 1 : i32
      %dma_start3A_72 = arith.constant 0 : i32
      %dma_start3A_73 = arith.constant 1 : i32
      %dma_start3A_74 = arith.constant 128 : i32
      %dma_start3A_75 = arith.constant 0 : i32
      %dma_start3A_76 = tpu.memref_slice %arg9[%dma_start3A_72, %dma_start3A_73, %dma_start3A_74, %dma_start3A_75] : memref<2x2x200x64xf32, #tpu.memory_space<vmem>> -> memref<1x1x72x64xf32, #tpu.memory_space<vmem>>
      %dma_start3A_77 = tpu.memref_squeeze %dma_start3A_76 : memref<1x1x72x64xf32, #tpu.memory_space<vmem>> -> memref<72x64xf32, #tpu.memory_space<vmem>>
      %dma_start3A_78 = arith.constant 128 : i32
      %dma_start3A_79 = tpu.memref_slice %arg7[%dma_start3A_71, %dma_start3A_78] : memref<4x200xi32, #tpu.memory_space<vmem>> -> memref<1x72xi32, #tpu.memory_space<vmem>>
      %dma_start3A_80 = tpu.memref_squeeze %dma_start3A_79 : memref<1x72xi32, #tpu.memory_space<vmem>> -> memref<72xi32, #tpu.memory_space<vmem>>
      %dma_start3A_81 = arith.constant 0 : i32
      %dma_start3A_82 = arith.constant 0 : i32
      %dma_start3A_83 = tpu.memref_slice %arg4[%dma_start3A_81, %dma_start3A_82] : memref<100000x64xf32, #tpu.memory_space<hbm>> -> memref<100000x64xf32, #tpu.memory_space<hbm>>
      tpu.enqueue_indirect_dma source(%dma_start3A_83 : memref<100000x64xf32, #tpu.memory_space<hbm>>) target(%dma_start3A_77 : memref<72x64xf32, #tpu.memory_space<vmem>>) offsets(%dma_start3A_80 : memref<72xi32, #tpu.memory_space<vmem>>) semaphore(%arg12 : memref<!tpu.dma_semaphore, #tpu.memory_space<semaphore_mem>>)
      %dma_start3A_84 = arith.constant 2 : i32
      %dma_start3A_85 = arith.constant 1 : i32
      %dma_start3A_86 = arith.constant 0 : i32
      %dma_start3A_87 = arith.constant 0 : i32
      %dma_start3A_88 = arith.constant 0 : i32
      %dma_start3A_89 = tpu.memref_slice %arg9[%dma_start3A_85, %dma_start3A_86, %dma_start3A_87, %dma_start3A_88] : memref<2x2x200x64xf32, #tpu.memory_space<vmem>> -> memref<1x1x128x64xf32, #tpu.memory_space<vmem>>
      %dma_start3A_90 = tpu.memref_squeeze %dma_start3A_89 : memref<1x1x128x64xf32, #tpu.memory_space<vmem>> -> memref<128x64xf32, #tpu.memory_space<vmem>>
      %dma_start3A_91 = arith.constant 0 : i32
      %dma_start3A_92 = tpu.memref_slice %arg7[%dma_start3A_84, %dma_start3A_91] : memref<4x200xi32, #tpu.memory_space<vmem>> -> memref<1x128xi32, #tpu.memory_space<vmem>>
      %dma_start3A_93 = tpu.memref_squeeze %dma_start3A_92 : memref<1x128xi32, #tpu.memory_space<vmem>> -> memref<128xi32, #tpu.memory_space<vmem>>
      %dma_start3A_94 = arith.constant 0 : i32
      %dma_start3A_95 = arith.constant 0 : i32
      %dma_start3A_96 = tpu.memref_slice %arg4[%dma_start3A_94, %dma_start3A_95] : memref<100000x64xf32, #tpu.memory_space<hbm>> -> memref<100000x64xf32, #tpu.memory_space<hbm>>
      tpu.enqueue_indirect_dma source(%dma_start3A_96 : memref<100000x64xf32, #tpu.memory_space<hbm>>) target(%dma_start3A_90 : memref<128x64xf32, #tpu.memory_space<vmem>>) offsets(%dma_start3A_93 : memref<128xi32, #tpu.memory_space<vmem>>) semaphore(%arg13 : memref<!tpu.dma_semaphore, #tpu.memory_space<semaphore_mem>>)
      %dma_start3A_97 = arith.constant 2 : i32
      %dma_start3A_98 = arith.constant 1 : i32
      %dma_start3A_99 = arith.constant 0 : i32
      %dma_start3A_100 = arith.constant 128 : i32
      %dma_start3A_101 = arith.constant 0 : i32
      %dma_start3A_102 = tpu.memref_slice %arg9[%dma_start3A_98, %dma_start3A_99, %dma_start3A_100, %dma_start3A_101] : memref<2x2x200x64xf32, #tpu.memory_space<vmem>> -> memref<1x1x72x64xf32, #tpu.memory_space<vmem>>
      %dma_start3A_103 = tpu.memref_squeeze %dma_start3A_102 : memref<1x1x72x64xf32, #tpu.memory_space<vmem>> -> memref<72x64xf32, #tpu.memory_space<vmem>>
      %dma_start3A_104 = arith.constant 128 : i32
      %dma_start3A_105 = tpu.memref_slice %arg7[%dma_start3A_97, %dma_start3A_104] : memref<4x200xi32, #tpu.memory_space<vmem>> -> memref<1x72xi32, #tpu.memory_space<vmem>>
      %dma_start3A_106 = tpu.memref_squeeze %dma_start3A_105 : memref<1x72xi32, #tpu.memory_space<vmem>> -> memref<72xi32, #tpu.memory_space<vmem>>
      %dma_start3A_107 = arith.constant 0 : i32
      %dma_start3A_108 = arith.constant 0 : i32
      %dma_start3A_109 = tpu.memref_slice %arg4[%dma_start3A_107, %dma_start3A_108] : memref<100000x64xf32, #tpu.memory_space<hbm>> -> memref<100000x64xf32, #tpu.memory_space<hbm>>
      tpu.enqueue_indirect_dma source(%dma_start3A_109 : memref<100000x64xf32, #tpu.memory_space<hbm>>) target(%dma_start3A_103 : memref<72x64xf32, #tpu.memory_space<vmem>>) offsets(%dma_start3A_106 : memref<72xi32, #tpu.memory_space<vmem>>) semaphore(%arg13 : memref<!tpu.dma_semaphore, #tpu.memory_space<semaphore_mem>>)
      %dma_start3A_110 = arith.constant 3 : i32
      %dma_start3A_111 = arith.constant 1 : i32
      %dma_start3A_112 = arith.constant 1 : i32
      %dma_start3A_113 = arith.constant 0 : i32
      %dma_start3A_114 = arith.constant 0 : i32
      %dma_start3A_115 = tpu.memref_slice %arg9[%dma_start3A_111, %dma_start3A_112, %dma_start3A_113, %dma_start3A_114] : memref<2x2x200x64xf32, #tpu.memory_space<vmem>> -> memref<1x1x128x64xf32, #tpu.memory_space<vmem>>
      %dma_start3A_116 = tpu.memref_squeeze %dma_start3A_115 : memref<1x1x128x64xf32, #tpu.memory_space<vmem>> -> memref<128x64xf32, #tpu.memory_space<vmem>>
      %dma_start3A_117 = arith.constant 0 : i32
      %dma_start3A_118 = tpu.memref_slice %arg7[%dma_start3A_110, %dma_start3A_117] : memref<4x200xi32, #tpu.memory_space<vmem>> -> memref<1x128xi32, #tpu.memory_space<vmem>>
      %dma_start3A_119 = tpu.memref_squeeze %dma_start3A_118 : memref<1x128xi32, #tpu.memory_space<vmem>> -> memref<128xi32, #tpu.memory_space<vmem>>
      %dma_start3A_120 = arith.constant 0 : i32
      %dma_start3A_121 = arith.constant 0 : i32
      %dma_start3A_122 = tpu.memref_slice %arg4[%dma_start3A_120, %dma_start3A_121] : memref<100000x64xf32, #tpu.memory_space<hbm>> -> memref<100000x64xf32, #tpu.memory_space<hbm>>
      tpu.enqueue_indirect_dma source(%dma_start3A_122 : memref<100000x64xf32, #tpu.memory_space<hbm>>) target(%dma_start3A_116 : memref<128x64xf32, #tpu.memory_space<vmem>>) offsets(%dma_start3A_119 : memref<128xi32, #tpu.memory_space<vmem>>) semaphore(%arg13 : memref<!tpu.dma_semaphore, #tpu.memory_space<semaphore_mem>>)
      %dma_start3A_123 = arith.constant 3 : i32
      %dma_start3A_124 = arith.constant 1 : i32
      %dma_start3A_125 = arith.constant 1 : i32
      %dma_start3A_126 = arith.constant 128 : i32
      %dma_start3A_127 = arith.constant 0 : i32
      %dma_start3A_128 = tpu.memref_slice %arg9[%dma_start3A_124, %dma_start3A_125, %dma_start3A_126, %dma_start3A_127] : memref<2x2x200x64xf32, #tpu.memory_space<vmem>> -> memref<1x1x72x64xf32, #tpu.memory_space<vmem>>
      %dma_start3A_129 = tpu.memref_squeeze %dma_start3A_128 : memref<1x1x72x64xf32, #tpu.memory_space<vmem>> -> memref<72x64xf32, #tpu.memory_space<vmem>>
      %dma_start3A_130 = arith.constant 128 : i32
      %dma_start3A_131 = tpu.memref_slice %arg7[%dma_start3A_123, %dma_start3A_130] : memref<4x200xi32, #tpu.memory_space<vmem>> -> memref<1x72xi32, #tpu.memory_space<vmem>>
      %dma_start3A_132 = tpu.memref_squeeze %dma_start3A_131 : memref<1x72xi32, #tpu.memory_space<vmem>> -> memref<72xi32, #tpu.memory_space<vmem>>
      %dma_start3A_133 = arith.constant 0 : i32
      %dma_start3A_134 = arith.constant 0 : i32
      %dma_start3A_135 = tpu.memref_slice %arg4[%dma_start3A_133, %dma_start3A_134] : memref<100000x64xf32, #tpu.memory_space<hbm>> -> memref<100000x64xf32, #tpu.memory_space<hbm>>
      tpu.enqueue_indirect_dma source(%dma_start3A_135 : memref<100000x64xf32, #tpu.memory_space<hbm>>) target(%dma_start3A_129 : memref<72x64xf32, #tpu.memory_space<vmem>>) offsets(%dma_start3A_132 : memref<72xi32, #tpu.memory_space<vmem>>) semaphore(%arg13 : memref<!tpu.dma_semaphore, #tpu.memory_space<semaphore_mem>>)
      %scan3A_136 = arith.constant 0 : i32
      %scan3A_137 = arith.constant 0 : i32
      %scan3A_138 = arith.constant 13 : i32
      %scan3A_139 = arith.addi %scan3A_137, %scan3A_138 : i32
      %scan3A_140 = arith.constant 1 : i32
      scf.for %scan3A_406 = %scan3A_137 to %scan3A_139 step %scan3A_140  : i32 {
        %mul3A_407 = arith.constant 16 : i32
        %mul3A_408 = arith.muli %scan3A_406, %mul3A_407 : i32
        %min3A = arith.constant 184 : i32
        %min3A_409 = arith.minsi %mul3A_408, %min3A : i32
        %get3A = arith.constant 0 : i32
        %get3A_410 = arith.index_cast %get3A : i32 to index
        %get3A_411 = arith.index_cast %min3A_409 : i32 to index
        %get3A_412 = tpu.vector_load %arg8[%get3A_410, %get3A_411] {strides = array<i32>} : memref<4x200xi32, #tpu.memory_space<vmem>>, vector<16xi32>,
        %add3A_413 = arith.constant 0 : i32
        %add3A_414 = arith.addi %min3A_409, %add3A_413 : i32
        %slice3A = vector.extract_strided_slice %get3A_412 {offsets = [0], sizes = [1], strides = [1]} : vector<16xi32> to vector<1xi32>
        %squeeze3A = vector.extract %slice3A[0] : i32 from vector<1xi32>
        %mul3A_415 = arith.constant 32 : i32
        %mul3A_416 = arith.muli %squeeze3A, %mul3A_415 : i32
        %get3A_417 = arith.index_cast %mul3A_416 : i32 to index
        %get3A_418 = tpu.vector_load %arg11[%get3A_417] {strides = array<i32>} : memref<2048xf32, #tpu.memory_space<vmem>>, vector<16xf32>,
        %swap3A = arith.constant 0 : i32
        %swap3A_419 = arith.constant 0 : i32
        %swap3A_420 = arith.index_cast %swap3A : i32 to index
        %swap3A_421 = arith.index_cast %swap3A_419 : i32 to index
        %swap3A_422 = arith.index_cast %add3A_414 : i32 to index
        %swap3A_423 = arith.constant 0 : index
        %swap3A_424 = tpu.vector_load %arg10[%swap3A_420, %swap3A_421, %swap3A_422, %swap3A_423] {strides = array<i32>} : memref<2x2x200x32xf32, #tpu.memory_space<vmem>>, vector<16xf32>,
        tpu.vector_store %arg10[%swap3A_420, %swap3A_421, %swap3A_422, %swap3A_423], %get3A_418 {strides = array<i32>} : memref<2x2x200x32xf32, #tpu.memory_space<vmem>>, vector<16xf32>,
        %add3A_425 = arith.constant 16 : i32
        %add3A_426 = arith.addi %mul3A_416, %add3A_425 : i32
        %get3A_427 = arith.index_cast %add3A_426 : i32 to index
        %get3A_428 = tpu.vector_load %arg11[%get3A_427] {strides = array<i32>} : memref<2048xf32, #tpu.memory_space<vmem>>, vector<16xf32>,
        %swap3A_429 = arith.constant 0 : i32
        %swap3A_430 = arith.constant 0 : i32
        %swap3A_431 = arith.index_cast %swap3A_429 : i32 to index
        %swap3A_432 = arith.index_cast %swap3A_430 : i32 to index
        %swap3A_433 = arith.index_cast %add3A_414 : i32 to index
        %swap3A_434 = arith.constant 16 : index
        %swap3A_435 = tpu.vector_load %arg10[%swap3A_431, %swap3A_432, %swap3A_433, %swap3A_434] {strides = array<i32>} : memref<2x2x200x32xf32, #tpu.memory_space<vmem>>, vector<16xf32>,
        tpu.vector_store %arg10[%swap3A_431, %swap3A_432, %swap3A_433, %swap3A_434], %get3A_428 {strides = array<i32>} : memref<2x2x200x32xf32, #tpu.memory_space<vmem>>, vector<16xf32>,
        %add3A_436 = arith.constant 1 : i32
        %add3A_437 = arith.addi %min3A_409, %add3A_436 : i32
        %slice3A_438 = vector.extract_strided_slice %get3A_412 {offsets = [1], sizes = [1], strides = [1]} : vector<16xi32> to vector<1xi32>
        %squeeze3A_439 = vector.extract %slice3A_438[0] : i32 from vector<1xi32>
        %mul3A_440 = arith.constant 32 : i32
        %mul3A_441 = arith.muli %squeeze3A_439, %mul3A_440 : i32
        %get3A_442 = arith.index_cast %mul3A_441 : i32 to index
        %get3A_443 = tpu.vector_load %arg11[%get3A_442] {strides = array<i32>} : memref<2048xf32, #tpu.memory_space<vmem>>, vector<16xf32>,
        %swap3A_444 = arith.constant 0 : i32
        %swap3A_445 = arith.constant 0 : i32
        %swap3A_446 = arith.index_cast %swap3A_444 : i32 to index
        %swap3A_447 = arith.index_cast %swap3A_445 : i32 to index
        %swap3A_448 = arith.index_cast %add3A_437 : i32 to index
        %swap3A_449 = arith.constant 0 : index
        %swap3A_450 = tpu.vector_load %arg10[%swap3A_446, %swap3A_447, %swap3A_448, %swap3A_449] {strides = array<i32>} : memref<2x2x200x32xf32, #tpu.memory_space<vmem>>, vector<16xf32>,
        tpu.vector_store %arg10[%swap3A_446, %swap3A_447, %swap3A_448, %swap3A_449], %get3A_443 {strides = array<i32>} : memref<2x2x200x32xf32, #tpu.memory_space<vmem>>, vector<16xf32>,
        %add3A_451 = arith.constant 16 : i32
        %add3A_452 = arith.addi %mul3A_441, %add3A_451 : i32
        %get3A_453 = arith.index_cast %add3A_452 : i32 to index
        %get3A_454 = tpu.vector_load %arg11[%get3A_453] {strides = array<i32>} : memref<2048xf32, #tpu.memory_space<vmem>>, vector<16xf32>,
        %swap3A_455 = arith.constant 0 : i32
        %swap3A_456 = arith.constant 0 : i32
        %swap3A_457 = arith.index_cast %swap3A_455 : i32 to index
        %swap3A_458 = arith.index_cast %swap3A_456 : i32 to index
        %swap3A_459 = arith.index_cast %add3A_437 : i32 to index
        %swap3A_460 = arith.constant 16 : index
        %swap3A_461 = tpu.vector_load %arg10[%swap3A_457, %swap3A_458, %swap3A_459, %swap3A_460] {strides = array<i32>} : memref<2x2x200x32xf32, #tpu.memory_space<vmem>>, vector<16xf32>,
        tpu.vector_store %arg10[%swap3A_457, %swap3A_458, %swap3A_459, %swap3A_460], %get3A_454 {strides = array<i32>} : memref<2x2x200x32xf32, #tpu.memory_space<vmem>>, vector<16xf32>,
        %add3A_462 = arith.constant 2 : i32
        %add3A_463 = arith.addi %min3A_409, %add3A_462 : i32
        %slice3A_464 = vector.extract_strided_slice %get3A_412 {offsets = [2], sizes = [1], strides = [1]} : vector<16xi32> to vector<1xi32>
        %squeeze3A_465 = vector.extract %slice3A_464[0] : i32 from vector<1xi32>
        %mul3A_466 = arith.constant 32 : i32
        %mul3A_467 = arith.muli %squeeze3A_465, %mul3A_466 : i32
        %get3A_468 = arith.index_cast %mul3A_467 : i32 to index
        %get3A_469 = tpu.vector_load %arg11[%get3A_468] {strides = array<i32>} : memref<2048xf32, #tpu.memory_space<vmem>>, vector<16xf32>,
        %swap3A_470 = arith.constant 0 : i32
        %swap3A_471 = arith.constant 0 : i32
        %swap3A_472 = arith.index_cast %swap3A_470 : i32 to index
        %swap3A_473 = arith.index_cast %swap3A_471 : i32 to index
        %swap3A_474 = arith.index_cast %add3A_463 : i32 to index
        %swap3A_475 = arith.constant 0 : index
        %swap3A_476 = tpu.vector_load %arg10[%swap3A_472, %swap3A_473, %swap3A_474, %swap3A_475] {strides = array<i32>} : memref<2x2x200x32xf32, #tpu.memory_space<vmem>>, vector<16xf32>,
        tpu.vector_store %arg10[%swap3A_472, %swap3A_473, %swap3A_474, %swap3A_475], %get3A_469 {strides = array<i32>} : memref<2x2x200x32xf32, #tpu.memory_space<vmem>>, vector<16xf32>,
        %add3A_477 = arith.constant 16 : i32
        %add3A_478 = arith.addi %mul3A_467, %add3A_477 : i32
        %get3A_479 = arith.index_cast %add3A_478 : i32 to index
        %get3A_480 = tpu.vector_load %arg11[%get3A_479] {strides = array<i32>} : memref<2048xf32, #tpu.memory_space<vmem>>, vector<16xf32>,
        %swap3A_481 = arith.constant 0 : i32
        %swap3A_482 = arith.constant 0 : i32
        %swap3A_483 = arith.index_cast %swap3A_481 : i32 to index
        %swap3A_484 = arith.index_cast %swap3A_482 : i32 to index
        %swap3A_485 = arith.index_cast %add3A_463 : i32 to index
        %swap3A_486 = arith.constant 16 : index
        %swap3A_487 = tpu.vector_load %arg10[%swap3A_483, %swap3A_484, %swap3A_485, %swap3A_486] {strides = array<i32>} : memref<2x2x200x32xf32, #tpu.memory_space<vmem>>, vector<16xf32>,
        tpu.vector_store %arg10[%swap3A_483, %swap3A_484, %swap3A_485, %swap3A_486], %get3A_480 {strides = array<i32>} : memref<2x2x200x32xf32, #tpu.memory_space<vmem>>, vector<16xf32>,
        %add3A_488 = arith.constant 3 : i32
        %add3A_489 = arith.addi %min3A_409, %add3A_488 : i32
        %slice3A_490 = vector.extract_strided_slice %get3A_412 {offsets = [3], sizes = [1], strides = [1]} : vector<16xi32> to vector<1xi32>
        %squeeze3A_491 = vector.extract %slice3A_490[0] : i32 from vector<1xi32>
        %mul3A_492 = arith.constant 32 : i32
        %mul3A_493 = arith.muli %squeeze3A_491, %mul3A_492 : i32
        %get3A_494 = arith.index_cast %mul3A_493 : i32 to index
        %get3A_495 = tpu.vector_load %arg11[%get3A_494] {strides = array<i32>} : memref<2048xf32, #tpu.memory_space<vmem>>, vector<16xf32>,
        %swap3A_496 = arith.constant 0 : i32
        %swap3A_497 = arith.constant 0 : i32
        %swap3A_498 = arith.index_cast %swap3A_496 : i32 to index
        %swap3A_499 = arith.index_cast %swap3A_497 : i32 to index
        %swap3A_500 = arith.index_cast %add3A_489 : i32 to index
        %swap3A_501 = arith.constant 0 : index
        %swap3A_502 = tpu.vector_load %arg10[%swap3A_498, %swap3A_499, %swap3A_500, %swap3A_501] {strides = array<i32>} : memref<2x2x200x32xf32, #tpu.memory_space<vmem>>, vector<16xf32>,
        tpu.vector_store %arg10[%swap3A_498, %swap3A_499, %swap3A_500, %swap3A_501], %get3A_495 {strides = array<i32>} : memref<2x2x200x32xf32, #tpu.memory_space<vmem>>, vector<16xf32>,
        %add3A_503 = arith.constant 16 : i32
        %add3A_504 = arith.addi %mul3A_493, %add3A_503 : i32
        %get3A_505 = arith.index_cast %add3A_504 : i32 to index
        %get3A_506 = tpu.vector_load %arg11[%get3A_505] {strides = array<i32>} : memref<2048xf32, #tpu.memory_space<vmem>>, vector<16xf32>,
        %swap3A_507 = arith.constant 0 : i32
        %swap3A_508 = arith.constant 0 : i32
        %swap3A_509 = arith.index_cast %swap3A_507 : i32 to index
        %swap3A_510 = arith.index_cast %swap3A_508 : i32 to index
        %swap3A_511 = arith.index_cast %add3A_489 : i32 to index
        %swap3A_512 = arith.constant 16 : index
        %swap3A_513 = tpu.vector_load %arg10[%swap3A_509, %swap3A_510, %swap3A_511, %swap3A_512] {strides = array<i32>} : memref<2x2x200x32xf32, #tpu.memory_space<vmem>>, vector<16xf32>,
        tpu.vector_store %arg10[%swap3A_509, %swap3A_510, %swap3A_511, %swap3A_512], %get3A_506 {strides = array<i32>} : memref<2x2x200x32xf32, #tpu.memory_space<vmem>>, vector<16xf32>,
        %add3A_514 = arith.constant 4 : i32
        %add3A_515 = arith.addi %min3A_409, %add3A_514 : i32
        %slice3A_516 = vector.extract_strided_slice %get3A_412 {offsets = [4], sizes = [1], strides = [1]} : vector<16xi32> to vector<1xi32>
        %squeeze3A_517 = vector.extract %slice3A_516[0] : i32 from vector<1xi32>
        %mul3A_518 = arith.constant 32 : i32
        %mul3A_519 = arith.muli %squeeze3A_517, %mul3A_518 : i32
        %get3A_520 = arith.index_cast %mul3A_519 : i32 to index
        %get3A_521 = tpu.vector_load %arg11[%get3A_520] {strides = array<i32>} : memref<2048xf32, #tpu.memory_space<vmem>>, vector<16xf32>,
        %swap3A_522 = arith.constant 0 : i32
        %swap3A_523 = arith.constant 0 : i32
        %swap3A_524 = arith.index_cast %swap3A_522 : i32 to index
        %swap3A_525 = arith.index_cast %swap3A_523 : i32 to index
        %swap3A_526 = arith.index_cast %add3A_515 : i32 to index
        %swap3A_527 = arith.constant 0 : index
        %swap3A_528 = tpu.vector_load %arg10[%swap3A_524, %swap3A_525, %swap3A_526, %swap3A_527] {strides = array<i32>} : memref<2x2x200x32xf32, #tpu.memory_space<vmem>>, vector<16xf32>,
        tpu.vector_store %arg10[%swap3A_524, %swap3A_525, %swap3A_526, %swap3A_527], %get3A_521 {strides = array<i32>} : memref<2x2x200x32xf32, #tpu.memory_space<vmem>>, vector<16xf32>,
        %add3A_529 = arith.constant 16 : i32
        %add3A_530 = arith.addi %mul3A_519, %add3A_529 : i32
        %get3A_531 = arith.index_cast %add3A_530 : i32 to index
        %get3A_532 = tpu.vector_load %arg11[%get3A_531] {strides = array<i32>} : memref<2048xf32, #tpu.memory_space<vmem>>, vector<16xf32>,
        %swap3A_533 = arith.constant 0 : i32
        %swap3A_534 = arith.constant 0 : i32
        %swap3A_535 = arith.index_cast %swap3A_533 : i32 to index
        %swap3A_536 = arith.index_cast %swap3A_534 : i32 to index
        %swap3A_537 = arith.index_cast %add3A_515 : i32 to index
        %swap3A_538 = arith.constant 16 : index
        %swap3A_539 = tpu.vector_load %arg10[%swap3A_535, %swap3A_536, %swap3A_537, %swap3A_538] {strides = array<i32>} : memref<2x2x200x32xf32, #tpu.memory_space<vmem>>, vector<16xf32>,
        tpu.vector_store %arg10[%swap3A_535, %swap3A_536, %swap3A_537, %swap3A_538], %get3A_532 {strides = array<i32>} : memref<2x2x200x32xf32, #tpu.memory_space<vmem>>, vector<16xf32>,
        %add3A_540 = arith.constant 5 : i32
        %add3A_541 = arith.addi %min3A_409, %add3A_540 : i32
        %slice3A_542 = vector.extract_strided_slice %get3A_412 {offsets = [5], sizes = [1], strides = [1]} : vector<16xi32> to vector<1xi32>
        %squeeze3A_543 = vector.extract %slice3A_542[0] : i32 from vector<1xi32>
        %mul3A_544 = arith.constant 32 : i32
        %mul3A_545 = arith.muli %squeeze3A_543, %mul3A_544 : i32
        %get3A_546 = arith.index_cast %mul3A_545 : i32 to index
        %get3A_547 = tpu.vector_load %arg11[%get3A_546] {strides = array<i32>} : memref<2048xf32, #tpu.memory_space<vmem>>, vector<16xf32>,
        %swap3A_548 = arith.constant 0 : i32
        %swap3A_549 = arith.constant 0 : i32
        %swap3A_550 = arith.index_cast %swap3A_548 : i32 to index
        %swap3A_551 = arith.index_cast %swap3A_549 : i32 to index
        %swap3A_552 = arith.index_cast %add3A_541 : i32 to index
        %swap3A_553 = arith.constant 0 : index
        %swap3A_554 = tpu.vector_load %arg10[%swap3A_550, %swap3A_551, %swap3A_552, %swap3A_553] {strides = array<i32>} : memref<2x2x200x32xf32, #tpu.memory_space<vmem>>, vector<16xf32>,
        tpu.vector_store %arg10[%swap3A_550, %swap3A_551, %swap3A_552, %swap3A_553], %get3A_547 {strides = array<i32>} : memref<2x2x200x32xf32, #tpu.memory_space<vmem>>, vector<16xf32>,
        %add3A_555 = arith.constant 16 : i32
        %add3A_556 = arith.addi %mul3A_545, %add3A_555 : i32
        %get3A_557 = arith.index_cast %add3A_556 : i32 to index
        %get3A_558 = tpu.vector_load %arg11[%get3A_557] {strides = array<i32>} : memref<2048xf32, #tpu.memory_space<vmem>>, vector<16xf32>,
        %swap3A_559 = arith.constant 0 : i32
        %swap3A_560 = arith.constant 0 : i32
        %swap3A_561 = arith.index_cast %swap3A_559 : i32 to index
        %swap3A_562 = arith.index_cast %swap3A_560 : i32 to index
        %swap3A_563 = arith.index_cast %add3A_541 : i32 to index
        %swap3A_564 = arith.constant 16 : index
        %swap3A_565 = tpu.vector_load %arg10[%swap3A_561, %swap3A_562, %swap3A_563, %swap3A_564] {strides = array<i32>} : memref<2x2x200x32xf32, #tpu.memory_space<vmem>>, vector<16xf32>,
        tpu.vector_store %arg10[%swap3A_561, %swap3A_562, %swap3A_563, %swap3A_564], %get3A_558 {strides = array<i32>} : memref<2x2x200x32xf32, #tpu.memory_space<vmem>>, vector<16xf32>,
        %add3A_566 = arith.constant 6 : i32
        %add3A_567 = arith.addi %min3A_409, %add3A_566 : i32
        %slice3A_568 = vector.extract_strided_slice %get3A_412 {offsets = [6], sizes = [1], strides = [1]} : vector<16xi32> to vector<1xi32>
        %squeeze3A_569 = vector.extract %slice3A_568[0] : i32 from vector<1xi32>
        %mul3A_570 = arith.constant 32 : i32
        %mul3A_571 = arith.muli %squeeze3A_569, %mul3A_570 : i32
        %get3A_572 = arith.index_cast %mul3A_571 : i32 to index
        %get3A_573 = tpu.vector_load %arg11[%get3A_572] {strides = array<i32>} : memref<2048xf32, #tpu.memory_space<vmem>>, vector<16xf32>,
        %swap3A_574 = arith.constant 0 : i32
        %swap3A_575 = arith.constant 0 : i32
        %swap3A_576 = arith.index_cast %swap3A_574 : i32 to index
        %swap3A_577 = arith.index_cast %swap3A_575 : i32 to index
        %swap3A_578 = arith.index_cast %add3A_567 : i32 to index
        %swap3A_579 = arith.constant 0 : index
        %swap3A_580 = tpu.vector_load %arg10[%swap3A_576, %swap3A_577, %swap3A_578, %swap3A_579] {strides = array<i32>} : memref<2x2x200x32xf32, #tpu.memory_space<vmem>>, vector<16xf32>,
        tpu.vector_store %arg10[%swap3A_576, %swap3A_577, %swap3A_578, %swap3A_579], %get3A_573 {strides = array<i32>} : memref<2x2x200x32xf32, #tpu.memory_space<vmem>>, vector<16xf32>,
        %add3A_581 = arith.constant 16 : i32
        %add3A_582 = arith.addi %mul3A_571, %add3A_581 : i32
        %get3A_583 = arith.index_cast %add3A_582 : i32 to index
        %get3A_584 = tpu.vector_load %arg11[%get3A_583] {strides = array<i32>} : memref<2048xf32, #tpu.memory_space<vmem>>, vector<16xf32>,
        %swap3A_585 = arith.constant 0 : i32
        %swap3A_586 = arith.constant 0 : i32
        %swap3A_587 = arith.index_cast %swap3A_585 : i32 to index
        %swap3A_588 = arith.index_cast %swap3A_586 : i32 to index
        %swap3A_589 = arith.index_cast %add3A_567 : i32 to index
        %swap3A_590 = arith.constant 16 : index
        %swap3A_591 = tpu.vector_load %arg10[%swap3A_587, %swap3A_588, %swap3A_589, %swap3A_590] {strides = array<i32>} : memref<2x2x200x32xf32, #tpu.memory_space<vmem>>, vector<16xf32>,
        tpu.vector_store %arg10[%swap3A_587, %swap3A_588, %swap3A_589, %swap3A_590], %get3A_584 {strides = array<i32>} : memref<2x2x200x32xf32, #tpu.memory_space<vmem>>, vector<16xf32>,
        %add3A_592 = arith.constant 7 : i32
        %add3A_593 = arith.addi %min3A_409, %add3A_592 : i32
        %slice3A_594 = vector.extract_strided_slice %get3A_412 {offsets = [7], sizes = [1], strides = [1]} : vector<16xi32> to vector<1xi32>
        %squeeze3A_595 = vector.extract %slice3A_594[0] : i32 from vector<1xi32>
        %mul3A_596 = arith.constant 32 : i32
        %mul3A_597 = arith.muli %squeeze3A_595, %mul3A_596 : i32
        %get3A_598 = arith.index_cast %mul3A_597 : i32 to index
        %get3A_599 = tpu.vector_load %arg11[%get3A_598] {strides = array<i32>} : memref<2048xf32, #tpu.memory_space<vmem>>, vector<16xf32>,
        %swap3A_600 = arith.constant 0 : i32
        %swap3A_601 = arith.constant 0 : i32
        %swap3A_602 = arith.index_cast %swap3A_600 : i32 to index
        %swap3A_603 = arith.index_cast %swap3A_601 : i32 to index
        %swap3A_604 = arith.index_cast %add3A_593 : i32 to index
        %swap3A_605 = arith.constant 0 : index
        %swap3A_606 = tpu.vector_load %arg10[%swap3A_602, %swap3A_603, %swap3A_604, %swap3A_605] {strides = array<i32>} : memref<2x2x200x32xf32, #tpu.memory_space<vmem>>, vector<16xf32>,
        tpu.vector_store %arg10[%swap3A_602, %swap3A_603, %swap3A_604, %swap3A_605], %get3A_599 {strides = array<i32>} : memref<2x2x200x32xf32, #tpu.memory_space<vmem>>, vector<16xf32>,
        %add3A_607 = arith.constant 16 : i32
        %add3A_608 = arith.addi %mul3A_597, %add3A_607 : i32
        %get3A_609 = arith.index_cast %add3A_608 : i32 to index
        %get3A_610 = tpu.vector_load %arg11[%get3A_609] {strides = array<i32>} : memref<2048xf32, #tpu.memory_space<vmem>>, vector<16xf32>,
        %swap3A_611 = arith.constant 0 : i32
        %swap3A_612 = arith.constant 0 : i32
        %swap3A_613 = arith.index_cast %swap3A_611 : i32 to index
        %swap3A_614 = arith.index_cast %swap3A_612 : i32 to index
        %swap3A_615 = arith.index_cast %add3A_593 : i32 to index
        %swap3A_616 = arith.constant 16 : index
        %swap3A_617 = tpu.vector_load %arg10[%swap3A_613, %swap3A_614, %swap3A_615, %swap3A_616] {strides = array<i32>} : memref<2x2x200x32xf32, #tpu.memory_space<vmem>>, vector<16xf32>,
        tpu.vector_store %arg10[%swap3A_613, %swap3A_614, %swap3A_615, %swap3A_616], %get3A_610 {strides = array<i32>} : memref<2x2x200x32xf32, #tpu.memory_space<vmem>>, vector<16xf32>,
        %add3A_618 = arith.constant 8 : i32
        %add3A_619 = arith.addi %min3A_409, %add3A_618 : i32
        %slice3A_620 = vector.extract_strided_slice %get3A_412 {offsets = [8], sizes = [1], strides = [1]} : vector<16xi32> to vector<1xi32>
        %squeeze3A_621 = vector.extract %slice3A_620[0] : i32 from vector<1xi32>
        %mul3A_622 = arith.constant 32 : i32
        %mul3A_623 = arith.muli %squeeze3A_621, %mul3A_622 : i32
        %get3A_624 = arith.index_cast %mul3A_623 : i32 to index
        %get3A_625 = tpu.vector_load %arg11[%get3A_624] {strides = array<i32>} : memref<2048xf32, #tpu.memory_space<vmem>>, vector<16xf32>,
        %swap3A_626 = arith.constant 0 : i32
        %swap3A_627 = arith.constant 0 : i32
        %swap3A_628 = arith.index_cast %swap3A_626 : i32 to index
        %swap3A_629 = arith.index_cast %swap3A_627 : i32 to index
        %swap3A_630 = arith.index_cast %add3A_619 : i32 to index
        %swap3A_631 = arith.constant 0 : index
        %swap3A_632 = tpu.vector_load %arg10[%swap3A_628, %swap3A_629, %swap3A_630, %swap3A_631] {strides = array<i32>} : memref<2x2x200x32xf32, #tpu.memory_space<vmem>>, vector<16xf32>,
        tpu.vector_store %arg10[%swap3A_628, %swap3A_629, %swap3A_630, %swap3A_631], %get3A_625 {strides = array<i32>} : memref<2x2x200x32xf32, #tpu.memory_space<vmem>>, vector<16xf32>,
        %add3A_633 = arith.constant 16 : i32
        %add3A_634 = arith.addi %mul3A_623, %add3A_633 : i32
        %get3A_635 = arith.index_cast %add3A_634 : i32 to index
        %get3A_636 = tpu.vector_load %arg11[%get3A_635] {strides = array<i32>} : memref<2048xf32, #tpu.memory_space<vmem>>, vector<16xf32>,
        %swap3A_637 = arith.constant 0 : i32
        %swap3A_638 = arith.constant 0 : i32
        %swap3A_639 = arith.index_cast %swap3A_637 : i32 to index
        %swap3A_640 = arith.index_cast %swap3A_638 : i32 to index
        %swap3A_641 = arith.index_cast %add3A_619 : i32 to index
        %swap3A_642 = arith.constant 16 : index
        %swap3A_643 = tpu.vector_load %arg10[%swap3A_639, %swap3A_640, %swap3A_641, %swap3A_642] {strides = array<i32>} : memref<2x2x200x32xf32, #tpu.memory_space<vmem>>, vector<16xf32>,
        tpu.vector_store %arg10[%swap3A_639, %swap3A_640, %swap3A_641, %swap3A_642], %get3A_636 {strides = array<i32>} : memref<2x2x200x32xf32, #tpu.memory_space<vmem>>, vector<16xf32>,
        %add3A_644 = arith.constant 9 : i32
        %add3A_645 = arith.addi %min3A_409, %add3A_644 : i32
        %slice3A_646 = vector.extract_strided_slice %get3A_412 {offsets = [9], sizes = [1], strides = [1]} : vector<16xi32> to vector<1xi32>
        %squeeze3A_647 = vector.extract %slice3A_646[0] : i32 from vector<1xi32>
        %mul3A_648 = arith.constant 32 : i32
        %mul3A_649 = arith.muli %squeeze3A_647, %mul3A_648 : i32
        %get3A_650 = arith.index_cast %mul3A_649 : i32 to index
        %get3A_651 = tpu.vector_load %arg11[%get3A_650] {strides = array<i32>} : memref<2048xf32, #tpu.memory_space<vmem>>, vector<16xf32>,
        %swap3A_652 = arith.constant 0 : i32
        %swap3A_653 = arith.constant 0 : i32
        %swap3A_654 = arith.index_cast %swap3A_652 : i32 to index
        %swap3A_655 = arith.index_cast %swap3A_653 : i32 to index
        %swap3A_656 = arith.index_cast %add3A_645 : i32 to index
        %swap3A_657 = arith.constant 0 : index
        %swap3A_658 = tpu.vector_load %arg10[%swap3A_654, %swap3A_655, %swap3A_656, %swap3A_657] {strides = array<i32>} : memref<2x2x200x32xf32, #tpu.memory_space<vmem>>, vector<16xf32>,
        tpu.vector_store %arg10[%swap3A_654, %swap3A_655, %swap3A_656, %swap3A_657], %get3A_651 {strides = array<i32>} : memref<2x2x200x32xf32, #tpu.memory_space<vmem>>, vector<16xf32>,
        %add3A_659 = arith.constant 16 : i32
        %add3A_660 = arith.addi %mul3A_649, %add3A_659 : i32
        %get3A_661 = arith.index_cast %add3A_660 : i32 to index
        %get3A_662 = tpu.vector_load %arg11[%get3A_661] {strides = array<i32>} : memref<2048xf32, #tpu.memory_space<vmem>>, vector<16xf32>,
        %swap3A_663 = arith.constant 0 : i32
        %swap3A_664 = arith.constant 0 : i32
        %swap3A_665 = arith.index_cast %swap3A_663 : i32 to index
        %swap3A_666 = arith.index_cast %swap3A_664 : i32 to index
        %swap3A_667 = arith.index_cast %add3A_645 : i32 to index
        %swap3A_668 = arith.constant 16 : index
        %swap3A_669 = tpu.vector_load %arg10[%swap3A_665, %swap3A_666, %swap3A_667, %swap3A_668] {strides = array<i32>} : memref<2x2x200x32xf32, #tpu.memory_space<vmem>>, vector<16xf32>,
        tpu.vector_store %arg10[%swap3A_665, %swap3A_666, %swap3A_667, %swap3A_668], %get3A_662 {strides = array<i32>} : memref<2x2x200x32xf32, #tpu.memory_space<vmem>>, vector<16xf32>,
        %add3A_670 = arith.constant 10 : i32
        %add3A_671 = arith.addi %min3A_409, %add3A_670 : i32
        %slice3A_672 = vector.extract_strided_slice %get3A_412 {offsets = [10], sizes = [1], strides = [1]} : vector<16xi32> to vector<1xi32>
        %squeeze3A_673 = vector.extract %slice3A_672[0] : i32 from vector<1xi32>
        %mul3A_674 = arith.constant 32 : i32
        %mul3A_675 = arith.muli %squeeze3A_673, %mul3A_674 : i32
        %get3A_676 = arith.index_cast %mul3A_675 : i32 to index
        %get3A_677 = tpu.vector_load %arg11[%get3A_676] {strides = array<i32>} : memref<2048xf32, #tpu.memory_space<vmem>>, vector<16xf32>,
        %swap3A_678 = arith.constant 0 : i32
        %swap3A_679 = arith.constant 0 : i32
        %swap3A_680 = arith.index_cast %swap3A_678 : i32 to index
        %swap3A_681 = arith.index_cast %swap3A_679 : i32 to index
        %swap3A_682 = arith.index_cast %add3A_671 : i32 to index
        %swap3A_683 = arith.constant 0 : index
        %swap3A_684 = tpu.vector_load %arg10[%swap3A_680, %swap3A_681, %swap3A_682, %swap3A_683] {strides = array<i32>} : memref<2x2x200x32xf32, #tpu.memory_space<vmem>>, vector<16xf32>,
        tpu.vector_store %arg10[%swap3A_680, %swap3A_681, %swap3A_682, %swap3A_683], %get3A_677 {strides = array<i32>} : memref<2x2x200x32xf32, #tpu.memory_space<vmem>>, vector<16xf32>,
        %add3A_685 = arith.constant 16 : i32
        %add3A_686 = arith.addi %mul3A_675, %add3A_685 : i32
        %get3A_687 = arith.index_cast %add3A_686 : i32 to index
        %get3A_688 = tpu.vector_load %arg11[%get3A_687] {strides = array<i32>} : memref<2048xf32, #tpu.memory_space<vmem>>, vector<16xf32>,
        %swap3A_689 = arith.constant 0 : i32
        %swap3A_690 = arith.constant 0 : i32
        %swap3A_691 = arith.index_cast %swap3A_689 : i32 to index
        %swap3A_692 = arith.index_cast %swap3A_690 : i32 to index
        %swap3A_693 = arith.index_cast %add3A_671 : i32 to index
        %swap3A_694 = arith.constant 16 : index
        %swap3A_695 = tpu.vector_load %arg10[%swap3A_691, %swap3A_692, %swap3A_693, %swap3A_694] {strides = array<i32>} : memref<2x2x200x32xf32, #tpu.memory_space<vmem>>, vector<16xf32>,
        tpu.vector_store %arg10[%swap3A_691, %swap3A_692, %swap3A_693, %swap3A_694], %get3A_688 {strides = array<i32>} : memref<2x2x200x32xf32, #tpu.memory_space<vmem>>, vector<16xf32>,
        %add3A_696 = arith.constant 11 : i32
        %add3A_697 = arith.addi %min3A_409, %add3A_696 : i32
        %slice3A_698 = vector.extract_strided_slice %get3A_412 {offsets = [11], sizes = [1], strides = [1]} : vector<16xi32> to vector<1xi32>
        %squeeze3A_699 = vector.extract %slice3A_698[0] : i32 from vector<1xi32>
        %mul3A_700 = arith.constant 32 : i32
        %mul3A_701 = arith.muli %squeeze3A_699, %mul3A_700 : i32
        %get3A_702 = arith.index_cast %mul3A_701 : i32 to index
        %get3A_703 = tpu.vector_load %arg11[%get3A_702] {strides = array<i32>} : memref<2048xf32, #tpu.memory_space<vmem>>, vector<16xf32>,
        %swap3A_704 = arith.constant 0 : i32
        %swap3A_705 = arith.constant 0 : i32
        %swap3A_706 = arith.index_cast %swap3A_704 : i32 to index
        %swap3A_707 = arith.index_cast %swap3A_705 : i32 to index
        %swap3A_708 = arith.index_cast %add3A_697 : i32 to index
        %swap3A_709 = arith.constant 0 : index
        %swap3A_710 = tpu.vector_load %arg10[%swap3A_706, %swap3A_707, %swap3A_708, %swap3A_709] {strides = array<i32>} : memref<2x2x200x32xf32, #tpu.memory_space<vmem>>, vector<16xf32>,
        tpu.vector_store %arg10[%swap3A_706, %swap3A_707, %swap3A_708, %swap3A_709], %get3A_703 {strides = array<i32>} : memref<2x2x200x32xf32, #tpu.memory_space<vmem>>, vector<16xf32>,
        %add3A_711 = arith.constant 16 : i32
        %add3A_712 = arith.addi %mul3A_701, %add3A_711 : i32
        %get3A_713 = arith.index_cast %add3A_712 : i32 to index
        %get3A_714 = tpu.vector_load %arg11[%get3A_713] {strides = array<i32>} : memref<2048xf32, #tpu.memory_space<vmem>>, vector<16xf32>,
        %swap3A_715 = arith.constant 0 : i32
        %swap3A_716 = arith.constant 0 : i32
        %swap3A_717 = arith.index_cast %swap3A_715 : i32 to index
        %swap3A_718 = arith.index_cast %swap3A_716 : i32 to index
        %swap3A_719 = arith.index_cast %add3A_697 : i32 to index
        %swap3A_720 = arith.constant 16 : index
        %swap3A_721 = tpu.vector_load %arg10[%swap3A_717, %swap3A_718, %swap3A_719, %swap3A_720] {strides = array<i32>} : memref<2x2x200x32xf32, #tpu.memory_space<vmem>>, vector<16xf32>,
        tpu.vector_store %arg10[%swap3A_717, %swap3A_718, %swap3A_719, %swap3A_720], %get3A_714 {strides = array<i32>} : memref<2x2x200x32xf32, #tpu.memory_space<vmem>>, vector<16xf32>,
        %add3A_722 = arith.constant 12 : i32
        %add3A_723 = arith.addi %min3A_409, %add3A_722 : i32
        %slice3A_724 = vector.extract_strided_slice %get3A_412 {offsets = [12], sizes = [1], strides = [1]} : vector<16xi32> to vector<1xi32>
        %squeeze3A_725 = vector.extract %slice3A_724[0] : i32 from vector<1xi32>
        %mul3A_726 = arith.constant 32 : i32
        %mul3A_727 = arith.muli %squeeze3A_725, %mul3A_726 : i32
        %get3A_728 = arith.index_cast %mul3A_727 : i32 to index
        %get3A_729 = tpu.vector_load %arg11[%get3A_728] {strides = array<i32>} : memref<2048xf32, #tpu.memory_space<vmem>>, vector<16xf32>,
        %swap3A_730 = arith.constant 0 : i32
        %swap3A_731 = arith.constant 0 : i32
        %swap3A_732 = arith.index_cast %swap3A_730 : i32 to index
        %swap3A_733 = arith.index_cast %swap3A_731 : i32 to index
        %swap3A_734 = arith.index_cast %add3A_723 : i32 to index
        %swap3A_735 = arith.constant 0 : index
        %swap3A_736 = tpu.vector_load %arg10[%swap3A_732, %swap3A_733, %swap3A_734, %swap3A_735] {strides = array<i32>} : memref<2x2x200x32xf32, #tpu.memory_space<vmem>>, vector<16xf32>,
        tpu.vector_store %arg10[%swap3A_732, %swap3A_733, %swap3A_734, %swap3A_735], %get3A_729 {strides = array<i32>} : memref<2x2x200x32xf32, #tpu.memory_space<vmem>>, vector<16xf32>,
        %add3A_737 = arith.constant 16 : i32
        %add3A_738 = arith.addi %mul3A_727, %add3A_737 : i32
        %get3A_739 = arith.index_cast %add3A_738 : i32 to index
        %get3A_740 = tpu.vector_load %arg11[%get3A_739] {strides = array<i32>} : memref<2048xf32, #tpu.memory_space<vmem>>, vector<16xf32>,
        %swap3A_741 = arith.constant 0 : i32
        %swap3A_742 = arith.constant 0 : i32
        %swap3A_743 = arith.index_cast %swap3A_741 : i32 to index
        %swap3A_744 = arith.index_cast %swap3A_742 : i32 to index
        %swap3A_745 = arith.index_cast %add3A_723 : i32 to index
        %swap3A_746 = arith.constant 16 : index
        %swap3A_747 = tpu.vector_load %arg10[%swap3A_743, %swap3A_744, %swap3A_745, %swap3A_746] {strides = array<i32>} : memref<2x2x200x32xf32, #tpu.memory_space<vmem>>, vector<16xf32>,
        tpu.vector_store %arg10[%swap3A_743, %swap3A_744, %swap3A_745, %swap3A_746], %get3A_740 {strides = array<i32>} : memref<2x2x200x32xf32, #tpu.memory_space<vmem>>, vector<16xf32>,
        %add3A_748 = arith.constant 13 : i32
        %add3A_749 = arith.addi %min3A_409, %add3A_748 : i32
        %slice3A_750 = vector.extract_strided_slice %get3A_412 {offsets = [13], sizes = [1], strides = [1]} : vector<16xi32> to vector<1xi32>
        %squeeze3A_751 = vector.extract %slice3A_750[0] : i32 from vector<1xi32>
        %mul3A_752 = arith.constant 32 : i32
        %mul3A_753 = arith.muli %squeeze3A_751, %mul3A_752 : i32
        %get3A_754 = arith.index_cast %mul3A_753 : i32 to index
        %get3A_755 = tpu.vector_load %arg11[%get3A_754] {strides = array<i32>} : memref<2048xf32, #tpu.memory_space<vmem>>, vector<16xf32>,
        %swap3A_756 = arith.constant 0 : i32
        %swap3A_757 = arith.constant 0 : i32
        %swap3A_758 = arith.index_cast %swap3A_756 : i32 to index
        %swap3A_759 = arith.index_cast %swap3A_757 : i32 to index
        %swap3A_760 = arith.index_cast %add3A_749 : i32 to index
        %swap3A_761 = arith.constant 0 : index
        %swap3A_762 = tpu.vector_load %arg10[%swap3A_758, %swap3A_759, %swap3A_760, %swap3A_761] {strides = array<i32>} : memref<2x2x200x32xf32, #tpu.memory_space<vmem>>, vector<16xf32>,
        tpu.vector_store %arg10[%swap3A_758, %swap3A_759, %swap3A_760, %swap3A_761], %get3A_755 {strides = array<i32>} : memref<2x2x200x32xf32, #tpu.memory_space<vmem>>, vector<16xf32>,
        %add3A_763 = arith.constant 16 : i32
        %add3A_764 = arith.addi %mul3A_753, %add3A_763 : i32
        %get3A_765 = arith.index_cast %add3A_764 : i32 to index
        %get3A_766 = tpu.vector_load %arg11[%get3A_765] {strides = array<i32>} : memref<2048xf32, #tpu.memory_space<vmem>>, vector<16xf32>,
        %swap3A_767 = arith.constant 0 : i32
        %swap3A_768 = arith.constant 0 : i32
        %swap3A_769 = arith.index_cast %swap3A_767 : i32 to index
        %swap3A_770 = arith.index_cast %swap3A_768 : i32 to index
        %swap3A_771 = arith.index_cast %add3A_749 : i32 to index
        %swap3A_772 = arith.constant 16 : index
        %swap3A_773 = tpu.vector_load %arg10[%swap3A_769, %swap3A_770, %swap3A_771, %swap3A_772] {strides = array<i32>} : memref<2x2x200x32xf32, #tpu.memory_space<vmem>>, vector<16xf32>,
        tpu.vector_store %arg10[%swap3A_769, %swap3A_770, %swap3A_771, %swap3A_772], %get3A_766 {strides = array<i32>} : memref<2x2x200x32xf32, #tpu.memory_space<vmem>>, vector<16xf32>,
        %add3A_774 = arith.constant 14 : i32
        %add3A_775 = arith.addi %min3A_409, %add3A_774 : i32
        %slice3A_776 = vector.extract_strided_slice %get3A_412 {offsets = [14], sizes = [1], strides = [1]} : vector<16xi32> to vector<1xi32>
        %squeeze3A_777 = vector.extract %slice3A_776[0] : i32 from vector<1xi32>
        %mul3A_778 = arith.constant 32 : i32
        %mul3A_779 = arith.muli %squeeze3A_777, %mul3A_778 : i32
        %get3A_780 = arith.index_cast %mul3A_779 : i32 to index
        %get3A_781 = tpu.vector_load %arg11[%get3A_780] {strides = array<i32>} : memref<2048xf32, #tpu.memory_space<vmem>>, vector<16xf32>,
        %swap3A_782 = arith.constant 0 : i32
        %swap3A_783 = arith.constant 0 : i32
        %swap3A_784 = arith.index_cast %swap3A_782 : i32 to index
        %swap3A_785 = arith.index_cast %swap3A_783 : i32 to index
        %swap3A_786 = arith.index_cast %add3A_775 : i32 to index
        %swap3A_787 = arith.constant 0 : index
        %swap3A_788 = tpu.vector_load %arg10[%swap3A_784, %swap3A_785, %swap3A_786, %swap3A_787] {strides = array<i32>} : memref<2x2x200x32xf32, #tpu.memory_space<vmem>>, vector<16xf32>,
        tpu.vector_store %arg10[%swap3A_784, %swap3A_785, %swap3A_786, %swap3A_787], %get3A_781 {strides = array<i32>} : memref<2x2x200x32xf32, #tpu.memory_space<vmem>>, vector<16xf32>,
        %add3A_789 = arith.constant 16 : i32
        %add3A_790 = arith.addi %mul3A_779, %add3A_789 : i32
        %get3A_791 = arith.index_cast %add3A_790 : i32 to index
        %get3A_792 = tpu.vector_load %arg11[%get3A_791] {strides = array<i32>} : memref<2048xf32, #tpu.memory_space<vmem>>, vector<16xf32>,
        %swap3A_793 = arith.constant 0 : i32
        %swap3A_794 = arith.constant 0 : i32
        %swap3A_795 = arith.index_cast %swap3A_793 : i32 to index
        %swap3A_796 = arith.index_cast %swap3A_794 : i32 to index
        %swap3A_797 = arith.index_cast %add3A_775 : i32 to index
        %swap3A_798 = arith.constant 16 : index
        %swap3A_799 = tpu.vector_load %arg10[%swap3A_795, %swap3A_796, %swap3A_797, %swap3A_798] {strides = array<i32>} : memref<2x2x200x32xf32, #tpu.memory_space<vmem>>, vector<16xf32>,
        tpu.vector_store %arg10[%swap3A_795, %swap3A_796, %swap3A_797, %swap3A_798], %get3A_792 {strides = array<i32>} : memref<2x2x200x32xf32, #tpu.memory_space<vmem>>, vector<16xf32>,
        %add3A_800 = arith.constant 15 : i32
        %add3A_801 = arith.addi %min3A_409, %add3A_800 : i32
        %slice3A_802 = vector.extract_strided_slice %get3A_412 {offsets = [15], sizes = [1], strides = [1]} : vector<16xi32> to vector<1xi32>
        %squeeze3A_803 = vector.extract %slice3A_802[0] : i32 from vector<1xi32>
        %mul3A_804 = arith.constant 32 : i32
        %mul3A_805 = arith.muli %squeeze3A_803, %mul3A_804 : i32
        %get3A_806 = arith.index_cast %mul3A_805 : i32 to index
        %get3A_807 = tpu.vector_load %arg11[%get3A_806] {strides = array<i32>} : memref<2048xf32, #tpu.memory_space<vmem>>, vector<16xf32>,
        %swap3A_808 = arith.constant 0 : i32
        %swap3A_809 = arith.constant 0 : i32
        %swap3A_810 = arith.index_cast %swap3A_808 : i32 to index
        %swap3A_811 = arith.index_cast %swap3A_809 : i32 to index
        %swap3A_812 = arith.index_cast %add3A_801 : i32 to index
        %swap3A_813 = arith.constant 0 : index
        %swap3A_814 = tpu.vector_load %arg10[%swap3A_810, %swap3A_811, %swap3A_812, %swap3A_813] {strides = array<i32>} : memref<2x2x200x32xf32, #tpu.memory_space<vmem>>, vector<16xf32>,
        tpu.vector_store %arg10[%swap3A_810, %swap3A_811, %swap3A_812, %swap3A_813], %get3A_807 {strides = array<i32>} : memref<2x2x200x32xf32, #tpu.memory_space<vmem>>, vector<16xf32>,
        %add3A_815 = arith.constant 16 : i32
        %add3A_816 = arith.addi %mul3A_805, %add3A_815 : i32
        %get3A_817 = arith.index_cast %add3A_816 : i32 to index
        %get3A_818 = tpu.vector_load %arg11[%get3A_817] {strides = array<i32>} : memref<2048xf32, #tpu.memory_space<vmem>>, vector<16xf32>,
        %swap3A_819 = arith.constant 0 : i32
        %swap3A_820 = arith.constant 0 : i32
        %swap3A_821 = arith.index_cast %swap3A_819 : i32 to index
        %swap3A_822 = arith.index_cast %swap3A_820 : i32 to index
        %swap3A_823 = arith.index_cast %add3A_801 : i32 to index
        %swap3A_824 = arith.constant 16 : index
        %swap3A_825 = tpu.vector_load %arg10[%swap3A_821, %swap3A_822, %swap3A_823, %swap3A_824] {strides = array<i32>} : memref<2x2x200x32xf32, #tpu.memory_space<vmem>>, vector<16xf32>,
        tpu.vector_store %arg10[%swap3A_821, %swap3A_822, %swap3A_823, %swap3A_824], %get3A_818 {strides = array<i32>} : memref<2x2x200x32xf32, #tpu.memory_space<vmem>>, vector<16xf32>,
      }
      %scan3A_141 = arith.constant 13 : i32
      %scan3A_142 = arith.constant 0 : i32
      %scan3A_143 = arith.constant 0 : i32
      %scan3A_144 = arith.constant 13 : i32
      %scan3A_145 = arith.addi %scan3A_143, %scan3A_144 : i32
      %scan3A_146 = arith.constant 1 : i32
      scf.for %scan3A_406 = %scan3A_143 to %scan3A_145 step %scan3A_146  : i32 {
        %mul3A_407 = arith.constant 16 : i32
        %mul3A_408 = arith.muli %scan3A_406, %mul3A_407 : i32
        %min3A = arith.constant 184 : i32
        %min3A_409 = arith.minsi %mul3A_408, %min3A : i32
        %get3A = arith.constant 1 : i32
        %get3A_410 = arith.index_cast %get3A : i32 to index
        %get3A_411 = arith.index_cast %min3A_409 : i32 to index
        %get3A_412 = tpu.vector_load %arg8[%get3A_410, %get3A_411] {strides = array<i32>} : memref<4x200xi32, #tpu.memory_space<vmem>>, vector<16xi32>,
        %add3A_413 = arith.constant 0 : i32
        %add3A_414 = arith.addi %min3A_409, %add3A_413 : i32
        %slice3A = vector.extract_strided_slice %get3A_412 {offsets = [0], sizes = [1], strides = [1]} : vector<16xi32> to vector<1xi32>
        %squeeze3A = vector.extract %slice3A[0] : i32 from vector<1xi32>
        %mul3A_415 = arith.constant 32 : i32
        %mul3A_416 = arith.muli %squeeze3A, %mul3A_415 : i32
        %get3A_417 = arith.index_cast %mul3A_416 : i32 to index
        %get3A_418 = tpu.vector_load %arg11[%get3A_417] {strides = array<i32>} : memref<2048xf32, #tpu.memory_space<vmem>>, vector<16xf32>,
        %swap3A = arith.constant 0 : i32
        %swap3A_419 = arith.constant 1 : i32
        %swap3A_420 = arith.index_cast %swap3A : i32 to index
        %swap3A_421 = arith.index_cast %swap3A_419 : i32 to index
        %swap3A_422 = arith.index_cast %add3A_414 : i32 to index
        %swap3A_423 = arith.constant 0 : index
        %swap3A_424 = tpu.vector_load %arg10[%swap3A_420, %swap3A_421, %swap3A_422, %swap3A_423] {strides = array<i32>} : memref<2x2x200x32xf32, #tpu.memory_space<vmem>>, vector<16xf32>,
        tpu.vector_store %arg10[%swap3A_420, %swap3A_421, %swap3A_422, %swap3A_423], %get3A_418 {strides = array<i32>} : memref<2x2x200x32xf32, #tpu.memory_space<vmem>>, vector<16xf32>,
        %add3A_425 = arith.constant 16 : i32
        %add3A_426 = arith.addi %mul3A_416, %add3A_425 : i32
        %get3A_427 = arith.index_cast %add3A_426 : i32 to index
        %get3A_428 = tpu.vector_load %arg11[%get3A_427] {strides = array<i32>} : memref<2048xf32, #tpu.memory_space<vmem>>, vector<16xf32>,
        %swap3A_429 = arith.constant 0 : i32
        %swap3A_430 = arith.constant 1 : i32
        %swap3A_431 = arith.index_cast %swap3A_429 : i32 to index
        %swap3A_432 = arith.index_cast %swap3A_430 : i32 to index
        %swap3A_433 = arith.index_cast %add3A_414 : i32 to index
        %swap3A_434 = arith.constant 16 : index
        %swap3A_435 = tpu.vector_load %arg10[%swap3A_431, %swap3A_432, %swap3A_433, %swap3A_434] {strides = array<i32>} : memref<2x2x200x32xf32, #tpu.memory_space<vmem>>, vector<16xf32>,
        tpu.vector_store %arg10[%swap3A_431, %swap3A_432, %swap3A_433, %swap3A_434], %get3A_428 {strides = array<i32>} : memref<2x2x200x32xf32, #tpu.memory_space<vmem>>, vector<16xf32>,
        %add3A_436 = arith.constant 1 : i32
        %add3A_437 = arith.addi %min3A_409, %add3A_436 : i32
        %slice3A_438 = vector.extract_strided_slice %get3A_412 {offsets = [1], sizes = [1], strides = [1]} : vector<16xi32> to vector<1xi32>
        %squeeze3A_439 = vector.extract %slice3A_438[0] : i32 from vector<1xi32>
        %mul3A_440 = arith.constant 32 : i32
        %mul3A_441 = arith.muli %squeeze3A_439, %mul3A_440 : i32
        %get3A_442 = arith.index_cast %mul3A_441 : i32 to index
        %get3A_443 = tpu.vector_load %arg11[%get3A_442] {strides = array<i32>} : memref<2048xf32, #tpu.memory_space<vmem>>, vector<16xf32>,
        %swap3A_444 = arith.constant 0 : i32
        %swap3A_445 = arith.constant 1 : i32
        %swap3A_446 = arith.index_cast %swap3A_444 : i32 to index
        %swap3A_447 = arith.index_cast %swap3A_445 : i32 to index
        %swap3A_448 = arith.index_cast %add3A_437 : i32 to index
        %swap3A_449 = arith.constant 0 : index
        %swap3A_450 = tpu.vector_load %arg10[%swap3A_446, %swap3A_447, %swap3A_448, %swap3A_449] {strides = array<i32>} : memref<2x2x200x32xf32, #tpu.memory_space<vmem>>, vector<16xf32>,
        tpu.vector_store %arg10[%swap3A_446, %swap3A_447, %swap3A_448, %swap3A_449], %get3A_443 {strides = array<i32>} : memref<2x2x200x32xf32, #tpu.memory_space<vmem>>, vector<16xf32>,
        %add3A_451 = arith.constant 16 : i32
        %add3A_452 = arith.addi %mul3A_441, %add3A_451 : i32
        %get3A_453 = arith.index_cast %add3A_452 : i32 to index
        %get3A_454 = tpu.vector_load %arg11[%get3A_453] {strides = array<i32>} : memref<2048xf32, #tpu.memory_space<vmem>>, vector<16xf32>,
        %swap3A_455 = arith.constant 0 : i32
        %swap3A_456 = arith.constant 1 : i32
        %swap3A_457 = arith.index_cast %swap3A_455 : i32 to index
        %swap3A_458 = arith.index_cast %swap3A_456 : i32 to index
        %swap3A_459 = arith.index_cast %add3A_437 : i32 to index
        %swap3A_460 = arith.constant 16 : index
        %swap3A_461 = tpu.vector_load %arg10[%swap3A_457, %swap3A_458, %swap3A_459, %swap3A_460] {strides = array<i32>} : memref<2x2x200x32xf32, #tpu.memory_space<vmem>>, vector<16xf32>,
        tpu.vector_store %arg10[%swap3A_457, %swap3A_458, %swap3A_459, %swap3A_460], %get3A_454 {strides = array<i32>} : memref<2x2x200x32xf32, #tpu.memory_space<vmem>>, vector<16xf32>,
        %add3A_462 = arith.constant 2 : i32
        %add3A_463 = arith.addi %min3A_409, %add3A_462 : i32
        %slice3A_464 = vector.extract_strided_slice %get3A_412 {offsets = [2], sizes = [1], strides = [1]} : vector<16xi32> to vector<1xi32>
        %squeeze3A_465 = vector.extract %slice3A_464[0] : i32 from vector<1xi32>
        %mul3A_466 = arith.constant 32 : i32
        %mul3A_467 = arith.muli %squeeze3A_465, %mul3A_466 : i32
        %get3A_468 = arith.index_cast %mul3A_467 : i32 to index
        %get3A_469 = tpu.vector_load %arg11[%get3A_468] {strides = array<i32>} : memref<2048xf32, #tpu.memory_space<vmem>>, vector<16xf32>,
        %swap3A_470 = arith.constant 0 : i32
        %swap3A_471 = arith.constant 1 : i32
        %swap3A_472 = arith.index_cast %swap3A_470 : i32 to index
        %swap3A_473 = arith.index_cast %swap3A_471 : i32 to index
        %swap3A_474 = arith.index_cast %add3A_463 : i32 to index
        %swap3A_475 = arith.constant 0 : index
        %swap3A_476 = tpu.vector_load %arg10[%swap3A_472, %swap3A_473, %swap3A_474, %swap3A_475] {strides = array<i32>} : memref<2x2x200x32xf32, #tpu.memory_space<vmem>>, vector<16xf32>,
        tpu.vector_store %arg10[%swap3A_472, %swap3A_473, %swap3A_474, %swap3A_475], %get3A_469 {strides = array<i32>} : memref<2x2x200x32xf32, #tpu.memory_space<vmem>>, vector<16xf32>,
        %add3A_477 = arith.constant 16 : i32
        %add3A_478 = arith.addi %mul3A_467, %add3A_477 : i32
        %get3A_479 = arith.index_cast %add3A_478 : i32 to index
        %get3A_480 = tpu.vector_load %arg11[%get3A_479] {strides = array<i32>} : memref<2048xf32, #tpu.memory_space<vmem>>, vector<16xf32>,
        %swap3A_481 = arith.constant 0 : i32
        %swap3A_482 = arith.constant 1 : i32
        %swap3A_483 = arith.index_cast %swap3A_481 : i32 to index
        %swap3A_484 = arith.index_cast %swap3A_482 : i32 to index
        %swap3A_485 = arith.index_cast %add3A_463 : i32 to index
        %swap3A_486 = arith.constant 16 : index
        %swap3A_487 = tpu.vector_load %arg10[%swap3A_483, %swap3A_484, %swap3A_485, %swap3A_486] {strides = array<i32>} : memref<2x2x200x32xf32, #tpu.memory_space<vmem>>, vector<16xf32>,
        tpu.vector_store %arg10[%swap3A_483, %swap3A_484, %swap3A_485, %swap3A_486], %get3A_480 {strides = array<i32>} : memref<2x2x200x32xf32, #tpu.memory_space<vmem>>, vector<16xf32>,
        %add3A_488 = arith.constant 3 : i32
        %add3A_489 = arith.addi %min3A_409, %add3A_488 : i32
        %slice3A_490 = vector.extract_strided_slice %get3A_412 {offsets = [3], sizes = [1], strides = [1]} : vector<16xi32> to vector<1xi32>
        %squeeze3A_491 = vector.extract %slice3A_490[0] : i32 from vector<1xi32>
        %mul3A_492 = arith.constant 32 : i32
        %mul3A_493 = arith.muli %squeeze3A_491, %mul3A_492 : i32
        %get3A_494 = arith.index_cast %mul3A_493 : i32 to index
        %get3A_495 = tpu.vector_load %arg11[%get3A_494] {strides = array<i32>} : memref<2048xf32, #tpu.memory_space<vmem>>, vector<16xf32>,
        %swap3A_496 = arith.constant 0 : i32
        %swap3A_497 = arith.constant 1 : i32
        %swap3A_498 = arith.index_cast %swap3A_496 : i32 to index
        %swap3A_499 = arith.index_cast %swap3A_497 : i32 to index
        %swap3A_500 = arith.index_cast %add3A_489 : i32 to index
        %swap3A_501 = arith.constant 0 : index
        %swap3A_502 = tpu.vector_load %arg10[%swap3A_498, %swap3A_499, %swap3A_500, %swap3A_501] {strides = array<i32>} : memref<2x2x200x32xf32, #tpu.memory_space<vmem>>, vector<16xf32>,
        tpu.vector_store %arg10[%swap3A_498, %swap3A_499, %swap3A_500, %swap3A_501], %get3A_495 {strides = array<i32>} : memref<2x2x200x32xf32, #tpu.memory_space<vmem>>, vector<16xf32>,
        %add3A_503 = arith.constant 16 : i32
        %add3A_504 = arith.addi %mul3A_493, %add3A_503 : i32
        %get3A_505 = arith.index_cast %add3A_504 : i32 to index
        %get3A_506 = tpu.vector_load %arg11[%get3A_505] {strides = array<i32>} : memref<2048xf32, #tpu.memory_space<vmem>>, vector<16xf32>,
        %swap3A_507 = arith.constant 0 : i32
        %swap3A_508 = arith.constant 1 : i32
        %swap3A_509 = arith.index_cast %swap3A_507 : i32 to index
        %swap3A_510 = arith.index_cast %swap3A_508 : i32 to index
        %swap3A_511 = arith.index_cast %add3A_489 : i32 to index
        %swap3A_512 = arith.constant 16 : index
        %swap3A_513 = tpu.vector_load %arg10[%swap3A_509, %swap3A_510, %swap3A_511, %swap3A_512] {strides = array<i32>} : memref<2x2x200x32xf32, #tpu.memory_space<vmem>>, vector<16xf32>,
        tpu.vector_store %arg10[%swap3A_509, %swap3A_510, %swap3A_511, %swap3A_512], %get3A_506 {strides = array<i32>} : memref<2x2x200x32xf32, #tpu.memory_space<vmem>>, vector<16xf32>,
        %add3A_514 = arith.constant 4 : i32
        %add3A_515 = arith.addi %min3A_409, %add3A_514 : i32
        %slice3A_516 = vector.extract_strided_slice %get3A_412 {offsets = [4], sizes = [1], strides = [1]} : vector<16xi32> to vector<1xi32>
        %squeeze3A_517 = vector.extract %slice3A_516[0] : i32 from vector<1xi32>
        %mul3A_518 = arith.constant 32 : i32
        %mul3A_519 = arith.muli %squeeze3A_517, %mul3A_518 : i32
        %get3A_520 = arith.index_cast %mul3A_519 : i32 to index
        %get3A_521 = tpu.vector_load %arg11[%get3A_520] {strides = array<i32>} : memref<2048xf32, #tpu.memory_space<vmem>>, vector<16xf32>,
        %swap3A_522 = arith.constant 0 : i32
        %swap3A_523 = arith.constant 1 : i32
        %swap3A_524 = arith.index_cast %swap3A_522 : i32 to index
        %swap3A_525 = arith.index_cast %swap3A_523 : i32 to index
        %swap3A_526 = arith.index_cast %add3A_515 : i32 to index
        %swap3A_527 = arith.constant 0 : index
        %swap3A_528 = tpu.vector_load %arg10[%swap3A_524, %swap3A_525, %swap3A_526, %swap3A_527] {strides = array<i32>} : memref<2x2x200x32xf32, #tpu.memory_space<vmem>>, vector<16xf32>,
        tpu.vector_store %arg10[%swap3A_524, %swap3A_525, %swap3A_526, %swap3A_527], %get3A_521 {strides = array<i32>} : memref<2x2x200x32xf32, #tpu.memory_space<vmem>>, vector<16xf32>,
        %add3A_529 = arith.constant 16 : i32
        %add3A_530 = arith.addi %mul3A_519, %add3A_529 : i32
        %get3A_531 = arith.index_cast %add3A_530 : i32 to index
        %get3A_532 = tpu.vector_load %arg11[%get3A_531] {strides = array<i32>} : memref<2048xf32, #tpu.memory_space<vmem>>, vector<16xf32>,
        %swap3A_533 = arith.constant 0 : i32
        %swap3A_534 = arith.constant 1 : i32
        %swap3A_535 = arith.index_cast %swap3A_533 : i32 to index
        %swap3A_536 = arith.index_cast %swap3A_534 : i32 to index
        %swap3A_537 = arith.index_cast %add3A_515 : i32 to index
        %swap3A_538 = arith.constant 16 : index
        %swap3A_539 = tpu.vector_load %arg10[%swap3A_535, %swap3A_536, %swap3A_537, %swap3A_538] {strides = array<i32>} : memref<2x2x200x32xf32, #tpu.memory_space<vmem>>, vector<16xf32>,
        tpu.vector_store %arg10[%swap3A_535, %swap3A_536, %swap3A_537, %swap3A_538], %get3A_532 {strides = array<i32>} : memref<2x2x200x32xf32, #tpu.memory_space<vmem>>, vector<16xf32>,
        %add3A_540 = arith.constant 5 : i32
        %add3A_541 = arith.addi %min3A_409, %add3A_540 : i32
        %slice3A_542 = vector.extract_strided_slice %get3A_412 {offsets = [5], sizes = [1], strides = [1]} : vector<16xi32> to vector<1xi32>
        %squeeze3A_543 = vector.extract %slice3A_542[0] : i32 from vector<1xi32>
        %mul3A_544 = arith.constant 32 : i32
        %mul3A_545 = arith.muli %squeeze3A_543, %mul3A_544 : i32
        %get3A_546 = arith.index_cast %mul3A_545 : i32 to index
        %get3A_547 = tpu.vector_load %arg11[%get3A_546] {strides = array<i32>} : memref<2048xf32, #tpu.memory_space<vmem>>, vector<16xf32>,
        %swap3A_548 = arith.constant 0 : i32
        %swap3A_549 = arith.constant 1 : i32
        %swap3A_550 = arith.index_cast %swap3A_548 : i32 to index
        %swap3A_551 = arith.index_cast %swap3A_549 : i32 to index
        %swap3A_552 = arith.index_cast %add3A_541 : i32 to index
        %swap3A_553 = arith.constant 0 : index
        %swap3A_554 = tpu.vector_load %arg10[%swap3A_550, %swap3A_551, %swap3A_552, %swap3A_553] {strides = array<i32>} : memref<2x2x200x32xf32, #tpu.memory_space<vmem>>, vector<16xf32>,
        tpu.vector_store %arg10[%swap3A_550, %swap3A_551, %swap3A_552, %swap3A_553], %get3A_547 {strides = array<i32>} : memref<2x2x200x32xf32, #tpu.memory_space<vmem>>, vector<16xf32>,
        %add3A_555 = arith.constant 16 : i32
        %add3A_556 = arith.addi %mul3A_545, %add3A_555 : i32
        %get3A_557 = arith.index_cast %add3A_556 : i32 to index
        %get3A_558 = tpu.vector_load %arg11[%get3A_557] {strides = array<i32>} : memref<2048xf32, #tpu.memory_space<vmem>>, vector<16xf32>,
        %swap3A_559 = arith.constant 0 : i32
        %swap3A_560 = arith.constant 1 : i32
        %swap3A_561 = arith.index_cast %swap3A_559 : i32 to index
        %swap3A_562 = arith.index_cast %swap3A_560 : i32 to index
        %swap3A_563 = arith.index_cast %add3A_541 : i32 to index
        %swap3A_564 = arith.constant 16 : index
        %swap3A_565 = tpu.vector_load %arg10[%swap3A_561, %swap3A_562, %swap3A_563, %swap3A_564] {strides = array<i32>} : memref<2x2x200x32xf32, #tpu.memory_space<vmem>>, vector<16xf32>,
        tpu.vector_store %arg10[%swap3A_561, %swap3A_562, %swap3A_563, %swap3A_564], %get3A_558 {strides = array<i32>} : memref<2x2x200x32xf32, #tpu.memory_space<vmem>>, vector<16xf32>,
        %add3A_566 = arith.constant 6 : i32
        %add3A_567 = arith.addi %min3A_409, %add3A_566 : i32
        %slice3A_568 = vector.extract_strided_slice %get3A_412 {offsets = [6], sizes = [1], strides = [1]} : vector<16xi32> to vector<1xi32>
        %squeeze3A_569 = vector.extract %slice3A_568[0] : i32 from vector<1xi32>
        %mul3A_570 = arith.constant 32 : i32
        %mul3A_571 = arith.muli %squeeze3A_569, %mul3A_570 : i32
        %get3A_572 = arith.index_cast %mul3A_571 : i32 to index
        %get3A_573 = tpu.vector_load %arg11[%get3A_572] {strides = array<i32>} : memref<2048xf32, #tpu.memory_space<vmem>>, vector<16xf32>,
        %swap3A_574 = arith.constant 0 : i32
        %swap3A_575 = arith.constant 1 : i32
        %swap3A_576 = arith.index_cast %swap3A_574 : i32 to index
        %swap3A_577 = arith.index_cast %swap3A_575 : i32 to index
        %swap3A_578 = arith.index_cast %add3A_567 : i32 to index
        %swap3A_579 = arith.constant 0 : index
        %swap3A_580 = tpu.vector_load %arg10[%swap3A_576, %swap3A_577, %swap3A_578, %swap3A_579] {strides = array<i32>} : memref<2x2x200x32xf32, #tpu.memory_space<vmem>>, vector<16xf32>,
        tpu.vector_store %arg10[%swap3A_576, %swap3A_577, %swap3A_578, %swap3A_579], %get3A_573 {strides = array<i32>} : memref<2x2x200x32xf32, #tpu.memory_space<vmem>>, vector<16xf32>,
        %add3A_581 = arith.constant 16 : i32
        %add3A_582 = arith.addi %mul3A_571, %add3A_581 : i32
        %get3A_583 = arith.index_cast %add3A_582 : i32 to index
        %get3A_584 = tpu.vector_load %arg11[%get3A_583] {strides = array<i32>} : memref<2048xf32, #tpu.memory_space<vmem>>, vector<16xf32>,
        %swap3A_585 = arith.constant 0 : i32
        %swap3A_586 = arith.constant 1 : i32
        %swap3A_587 = arith.index_cast %swap3A_585 : i32 to index
        %swap3A_588 = arith.index_cast %swap3A_586 : i32 to index
        %swap3A_589 = arith.index_cast %add3A_567 : i32 to index
        %swap3A_590 = arith.constant 16 : index
        %swap3A_591 = tpu.vector_load %arg10[%swap3A_587, %swap3A_588, %swap3A_589, %swap3A_590] {strides = array<i32>} : memref<2x2x200x32xf32, #tpu.memory_space<vmem>>, vector<16xf32>,
        tpu.vector_store %arg10[%swap3A_587, %swap3A_588, %swap3A_589, %swap3A_590], %get3A_584 {strides = array<i32>} : memref<2x2x200x32xf32, #tpu.memory_space<vmem>>, vector<16xf32>,
        %add3A_592 = arith.constant 7 : i32
        %add3A_593 = arith.addi %min3A_409, %add3A_592 : i32
        %slice3A_594 = vector.extract_strided_slice %get3A_412 {offsets = [7], sizes = [1], strides = [1]} : vector<16xi32> to vector<1xi32>
        %squeeze3A_595 = vector.extract %slice3A_594[0] : i32 from vector<1xi32>
        %mul3A_596 = arith.constant 32 : i32
        %mul3A_597 = arith.muli %squeeze3A_595, %mul3A_596 : i32
        %get3A_598 = arith.index_cast %mul3A_597 : i32 to index
        %get3A_599 = tpu.vector_load %arg11[%get3A_598] {strides = array<i32>} : memref<2048xf32, #tpu.memory_space<vmem>>, vector<16xf32>,
        %swap3A_600 = arith.constant 0 : i32
        %swap3A_601 = arith.constant 1 : i32
        %swap3A_602 = arith.index_cast %swap3A_600 : i32 to index
        %swap3A_603 = arith.index_cast %swap3A_601 : i32 to index
        %swap3A_604 = arith.index_cast %add3A_593 : i32 to index
        %swap3A_605 = arith.constant 0 : index
        %swap3A_606 = tpu.vector_load %arg10[%swap3A_602, %swap3A_603, %swap3A_604, %swap3A_605] {strides = array<i32>} : memref<2x2x200x32xf32, #tpu.memory_space<vmem>>, vector<16xf32>,
        tpu.vector_store %arg10[%swap3A_602, %swap3A_603, %swap3A_604, %swap3A_605], %get3A_599 {strides = array<i32>} : memref<2x2x200x32xf32, #tpu.memory_space<vmem>>, vector<16xf32>,
        %add3A_607 = arith.constant 16 : i32
        %add3A_608 = arith.addi %mul3A_597, %add3A_607 : i32
        %get3A_609 = arith.index_cast %add3A_608 : i32 to index
        %get3A_610 = tpu.vector_load %arg11[%get3A_609] {strides = array<i32>} : memref<2048xf32, #tpu.memory_space<vmem>>, vector<16xf32>,
        %swap3A_611 = arith.constant 0 : i32
        %swap3A_612 = arith.constant 1 : i32
        %swap3A_613 = arith.index_cast %swap3A_611 : i32 to index
        %swap3A_614 = arith.index_cast %swap3A_612 : i32 to index
        %swap3A_615 = arith.index_cast %add3A_593 : i32 to index
        %swap3A_616 = arith.constant 16 : index
        %swap3A_617 = tpu.vector_load %arg10[%swap3A_613, %swap3A_614, %swap3A_615, %swap3A_616] {strides = array<i32>} : memref<2x2x200x32xf32, #tpu.memory_space<vmem>>, vector<16xf32>,
        tpu.vector_store %arg10[%swap3A_613, %swap3A_614, %swap3A_615, %swap3A_616], %get3A_610 {strides = array<i32>} : memref<2x2x200x32xf32, #tpu.memory_space<vmem>>, vector<16xf32>,
        %add3A_618 = arith.constant 8 : i32
        %add3A_619 = arith.addi %min3A_409, %add3A_618 : i32
        %slice3A_620 = vector.extract_strided_slice %get3A_412 {offsets = [8], sizes = [1], strides = [1]} : vector<16xi32> to vector<1xi32>
        %squeeze3A_621 = vector.extract %slice3A_620[0] : i32 from vector<1xi32>
        %mul3A_622 = arith.constant 32 : i32
        %mul3A_623 = arith.muli %squeeze3A_621, %mul3A_622 : i32
        %get3A_624 = arith.index_cast %mul3A_623 : i32 to index
        %get3A_625 = tpu.vector_load %arg11[%get3A_624] {strides = array<i32>} : memref<2048xf32, #tpu.memory_space<vmem>>, vector<16xf32>,
        %swap3A_626 = arith.constant 0 : i32
        %swap3A_627 = arith.constant 1 : i32
        %swap3A_628 = arith.index_cast %swap3A_626 : i32 to index
        %swap3A_629 = arith.index_cast %swap3A_627 : i32 to index
        %swap3A_630 = arith.index_cast %add3A_619 : i32 to index
        %swap3A_631 = arith.constant 0 : index
        %swap3A_632 = tpu.vector_load %arg10[%swap3A_628, %swap3A_629, %swap3A_630, %swap3A_631] {strides = array<i32>} : memref<2x2x200x32xf32, #tpu.memory_space<vmem>>, vector<16xf32>,
        tpu.vector_store %arg10[%swap3A_628, %swap3A_629, %swap3A_630, %swap3A_631], %get3A_625 {strides = array<i32>} : memref<2x2x200x32xf32, #tpu.memory_space<vmem>>, vector<16xf32>,
        %add3A_633 = arith.constant 16 : i32
        %add3A_634 = arith.addi %mul3A_623, %add3A_633 : i32
        %get3A_635 = arith.index_cast %add3A_634 : i32 to index
        %get3A_636 = tpu.vector_load %arg11[%get3A_635] {strides = array<i32>} : memref<2048xf32, #tpu.memory_space<vmem>>, vector<16xf32>,
        %swap3A_637 = arith.constant 0 : i32
        %swap3A_638 = arith.constant 1 : i32
        %swap3A_639 = arith.index_cast %swap3A_637 : i32 to index
        %swap3A_640 = arith.index_cast %swap3A_638 : i32 to index
        %swap3A_641 = arith.index_cast %add3A_619 : i32 to index
        %swap3A_642 = arith.constant 16 : index
        %swap3A_643 = tpu.vector_load %arg10[%swap3A_639, %swap3A_640, %swap3A_641, %swap3A_642] {strides = array<i32>} : memref<2x2x200x32xf32, #tpu.memory_space<vmem>>, vector<16xf32>,
        tpu.vector_store %arg10[%swap3A_639, %swap3A_640, %swap3A_641, %swap3A_642], %get3A_636 {strides = array<i32>} : memref<2x2x200x32xf32, #tpu.memory_space<vmem>>, vector<16xf32>,
        %add3A_644 = arith.constant 9 : i32
        %add3A_645 = arith.addi %min3A_409, %add3A_644 : i32
        %slice3A_646 = vector.extract_strided_slice %get3A_412 {offsets = [9], sizes = [1], strides = [1]} : vector<16xi32> to vector<1xi32>
        %squeeze3A_647 = vector.extract %slice3A_646[0] : i32 from vector<1xi32>
        %mul3A_648 = arith.constant 32 : i32
        %mul3A_649 = arith.muli %squeeze3A_647, %mul3A_648 : i32
        %get3A_650 = arith.index_cast %mul3A_649 : i32 to index
        %get3A_651 = tpu.vector_load %arg11[%get3A_650] {strides = array<i32>} : memref<2048xf32, #tpu.memory_space<vmem>>, vector<16xf32>,
        %swap3A_652 = arith.constant 0 : i32
        %swap3A_653 = arith.constant 1 : i32
        %swap3A_654 = arith.index_cast %swap3A_652 : i32 to index
        %swap3A_655 = arith.index_cast %swap3A_653 : i32 to index
        %swap3A_656 = arith.index_cast %add3A_645 : i32 to index
        %swap3A_657 = arith.constant 0 : index
        %swap3A_658 = tpu.vector_load %arg10[%swap3A_654, %swap3A_655, %swap3A_656, %swap3A_657] {strides = array<i32>} : memref<2x2x200x32xf32, #tpu.memory_space<vmem>>, vector<16xf32>,
        tpu.vector_store %arg10[%swap3A_654, %swap3A_655, %swap3A_656, %swap3A_657], %get3A_651 {strides = array<i32>} : memref<2x2x200x32xf32, #tpu.memory_space<vmem>>, vector<16xf32>,
        %add3A_659 = arith.constant 16 : i32
        %add3A_660 = arith.addi %mul3A_649, %add3A_659 : i32
        %get3A_661 = arith.index_cast %add3A_660 : i32 to index
        %get3A_662 = tpu.vector_load %arg11[%get3A_661] {strides = array<i32>} : memref<2048xf32, #tpu.memory_space<vmem>>, vector<16xf32>,
        %swap3A_663 = arith.constant 0 : i32
        %swap3A_664 = arith.constant 1 : i32
        %swap3A_665 = arith.index_cast %swap3A_663 : i32 to index
        %swap3A_666 = arith.index_cast %swap3A_664 : i32 to index
        %swap3A_667 = arith.index_cast %add3A_645 : i32 to index
        %swap3A_668 = arith.constant 16 : index
        %swap3A_669 = tpu.vector_load %arg10[%swap3A_665, %swap3A_666, %swap3A_667, %swap3A_668] {strides = array<i32>} : memref<2x2x200x32xf32, #tpu.memory_space<vmem>>, vector<16xf32>,
        tpu.vector_store %arg10[%swap3A_665, %swap3A_666, %swap3A_667, %swap3A_668], %get3A_662 {strides = array<i32>} : memref<2x2x200x32xf32, #tpu.memory_space<vmem>>, vector<16xf32>,
        %add3A_670 = arith.constant 10 : i32
        %add3A_671 = arith.addi %min3A_409, %add3A_670 : i32
        %slice3A_672 = vector.extract_strided_slice %get3A_412 {offsets = [10], sizes = [1], strides = [1]} : vector<16xi32> to vector<1xi32>
        %squeeze3A_673 = vector.extract %slice3A_672[0] : i32 from vector<1xi32>
        %mul3A_674 = arith.constant 32 : i32
        %mul3A_675 = arith.muli %squeeze3A_673, %mul3A_674 : i32
        %get3A_676 = arith.index_cast %mul3A_675 : i32 to index
        %get3A_677 = tpu.vector_load %arg11[%get3A_676] {strides = array<i32>} : memref<2048xf32, #tpu.memory_space<vmem>>, vector<16xf32>,
        %swap3A_678 = arith.constant 0 : i32
        %swap3A_679 = arith.constant 1 : i32
        %swap3A_680 = arith.index_cast %swap3A_678 : i32 to index
        %swap3A_681 = arith.index_cast %swap3A_679 : i32 to index
        %swap3A_682 = arith.index_cast %add3A_671 : i32 to index
        %swap3A_683 = arith.constant 0 : index
        %swap3A_684 = tpu.vector_load %arg10[%swap3A_680, %swap3A_681, %swap3A_682, %swap3A_683] {strides = array<i32>} : memref<2x2x200x32xf32, #tpu.memory_space<vmem>>, vector<16xf32>,
        tpu.vector_store %arg10[%swap3A_680, %swap3A_681, %swap3A_682, %swap3A_683], %get3A_677 {strides = array<i32>} : memref<2x2x200x32xf32, #tpu.memory_space<vmem>>, vector<16xf32>,
        %add3A_685 = arith.constant 16 : i32
        %add3A_686 = arith.addi %mul3A_675, %add3A_685 : i32
        %get3A_687 = arith.index_cast %add3A_686 : i32 to index
        %get3A_688 = tpu.vector_load %arg11[%get3A_687] {strides = array<i32>} : memref<2048xf32, #tpu.memory_space<vmem>>, vector<16xf32>,
        %swap3A_689 = arith.constant 0 : i32
        %swap3A_690 = arith.constant 1 : i32
        %swap3A_691 = arith.index_cast %swap3A_689 : i32 to index
        %swap3A_692 = arith.index_cast %swap3A_690 : i32 to index
        %swap3A_693 = arith.index_cast %add3A_671 : i32 to index
        %swap3A_694 = arith.constant 16 : index
        %swap3A_695 = tpu.vector_load %arg10[%swap3A_691, %swap3A_692, %swap3A_693, %swap3A_694] {strides = array<i32>} : memref<2x2x200x32xf32, #tpu.memory_space<vmem>>, vector<16xf32>,
        tpu.vector_store %arg10[%swap3A_691, %swap3A_692, %swap3A_693, %swap3A_694], %get3A_688 {strides = array<i32>} : memref<2x2x200x32xf32, #tpu.memory_space<vmem>>, vector<16xf32>,
        %add3A_696 = arith.constant 11 : i32
        %add3A_697 = arith.addi %min3A_409, %add3A_696 : i32
        %slice3A_698 = vector.extract_strided_slice %get3A_412 {offsets = [11], sizes = [1], strides = [1]} : vector<16xi32> to vector<1xi32>
        %squeeze3A_699 = vector.extract %slice3A_698[0] : i32 from vector<1xi32>
        %mul3A_700 = arith.constant 32 : i32
        %mul3A_701 = arith.muli %squeeze3A_699, %mul3A_700 : i32
        %get3A_702 = arith.index_cast %mul3A_701 : i32 to index
        %get3A_703 = tpu.vector_load %arg11[%get3A_702] {strides = array<i32>} : memref<2048xf32, #tpu.memory_space<vmem>>, vector<16xf32>,
        %swap3A_704 = arith.constant 0 : i32
        %swap3A_705 = arith.constant 1 : i32
        %swap3A_706 = arith.index_cast %swap3A_704 : i32 to index
        %swap3A_707 = arith.index_cast %swap3A_705 : i32 to index
        %swap3A_708 = arith.index_cast %add3A_697 : i32 to index
        %swap3A_709 = arith.constant 0 : index
        %swap3A_710 = tpu.vector_load %arg10[%swap3A_706, %swap3A_707, %swap3A_708, %swap3A_709] {strides = array<i32>} : memref<2x2x200x32xf32, #tpu.memory_space<vmem>>, vector<16xf32>,
        tpu.vector_store %arg10[%swap3A_706, %swap3A_707, %swap3A_708, %swap3A_709], %get3A_703 {strides = array<i32>} : memref<2x2x200x32xf32, #tpu.memory_space<vmem>>, vector<16xf32>,
        %add3A_711 = arith.constant 16 : i32
        %add3A_712 = arith.addi %mul3A_701, %add3A_711 : i32
        %get3A_713 = arith.index_cast %add3A_712 : i32 to index
        %get3A_714 = tpu.vector_load %arg11[%get3A_713] {strides = array<i32>} : memref<2048xf32, #tpu.memory_space<vmem>>, vector<16xf32>,
        %swap3A_715 = arith.constant 0 : i32
        %swap3A_716 = arith.constant 1 : i32
        %swap3A_717 = arith.index_cast %swap3A_715 : i32 to index
        %swap3A_718 = arith.index_cast %swap3A_716 : i32 to index
        %swap3A_719 = arith.index_cast %add3A_697 : i32 to index
        %swap3A_720 = arith.constant 16 : index
        %swap3A_721 = tpu.vector_load %arg10[%swap3A_717, %swap3A_718, %swap3A_719, %swap3A_720] {strides = array<i32>} : memref<2x2x200x32xf32, #tpu.memory_space<vmem>>, vector<16xf32>,
        tpu.vector_store %arg10[%swap3A_717, %swap3A_718, %swap3A_719, %swap3A_720], %get3A_714 {strides = array<i32>} : memref<2x2x200x32xf32, #tpu.memory_space<vmem>>, vector<16xf32>,
        %add3A_722 = arith.constant 12 : i32
        %add3A_723 = arith.addi %min3A_409, %add3A_722 : i32
        %slice3A_724 = vector.extract_strided_slice %get3A_412 {offsets = [12], sizes = [1], strides = [1]} : vector<16xi32> to vector<1xi32>
        %squeeze3A_725 = vector.extract %slice3A_724[0] : i32 from vector<1xi32>
        %mul3A_726 = arith.constant 32 : i32
        %mul3A_727 = arith.muli %squeeze3A_725, %mul3A_726 : i32
        %get3A_728 = arith.index_cast %mul3A_727 : i32 to index
        %get3A_729 = tpu.vector_load %arg11[%get3A_728] {strides = array<i32>} : memref<2048xf32, #tpu.memory_space<vmem>>, vector<16xf32>,
        %swap3A_730 = arith.constant 0 : i32
        %swap3A_731 = arith.constant 1 : i32
        %swap3A_732 = arith.index_cast %swap3A_730 : i32 to index
        %swap3A_733 = arith.index_cast %swap3A_731 : i32 to index
        %swap3A_734 = arith.index_cast %add3A_723 : i32 to index
        %swap3A_735 = arith.constant 0 : index
        %swap3A_736 = tpu.vector_load %arg10[%swap3A_732, %swap3A_733, %swap3A_734, %swap3A_735] {strides = array<i32>} : memref<2x2x200x32xf32, #tpu.memory_space<vmem>>, vector<16xf32>,
        tpu.vector_store %arg10[%swap3A_732, %swap3A_733, %swap3A_734, %swap3A_735], %get3A_729 {strides = array<i32>} : memref<2x2x200x32xf32, #tpu.memory_space<vmem>>, vector<16xf32>,
        %add3A_737 = arith.constant 16 : i32
        %add3A_738 = arith.addi %mul3A_727, %add3A_737 : i32
        %get3A_739 = arith.index_cast %add3A_738 : i32 to index
        %get3A_740 = tpu.vector_load %arg11[%get3A_739] {strides = array<i32>} : memref<2048xf32, #tpu.memory_space<vmem>>, vector<16xf32>,
        %swap3A_741 = arith.constant 0 : i32
        %swap3A_742 = arith.constant 1 : i32
        %swap3A_743 = arith.index_cast %swap3A_741 : i32 to index
        %swap3A_744 = arith.index_cast %swap3A_742 : i32 to index
        %swap3A_745 = arith.index_cast %add3A_723 : i32 to index
        %swap3A_746 = arith.constant 16 : index
        %swap3A_747 = tpu.vector_load %arg10[%swap3A_743, %swap3A_744, %swap3A_745, %swap3A_746] {strides = array<i32>} : memref<2x2x200x32xf32, #tpu.memory_space<vmem>>, vector<16xf32>,
        tpu.vector_store %arg10[%swap3A_743, %swap3A_744, %swap3A_745, %swap3A_746], %get3A_740 {strides = array<i32>} : memref<2x2x200x32xf32, #tpu.memory_space<vmem>>, vector<16xf32>,
        %add3A_748 = arith.constant 13 : i32
        %add3A_749 = arith.addi %min3A_409, %add3A_748 : i32
        %slice3A_750 = vector.extract_strided_slice %get3A_412 {offsets = [13], sizes = [1], strides = [1]} : vector<16xi32> to vector<1xi32>
        %squeeze3A_751 = vector.extract %slice3A_750[0] : i32 from vector<1xi32>
        %mul3A_752 = arith.constant 32 : i32
        %mul3A_753 = arith.muli %squeeze3A_751, %mul3A_752 : i32
        %get3A_754 = arith.index_cast %mul3A_753 : i32 to index
        %get3A_755 = tpu.vector_load %arg11[%get3A_754] {strides = array<i32>} : memref<2048xf32, #tpu.memory_space<vmem>>, vector<16xf32>,
        %swap3A_756 = arith.constant 0 : i32
        %swap3A_757 = arith.constant 1 : i32
        %swap3A_758 = arith.index_cast %swap3A_756 : i32 to index
        %swap3A_759 = arith.index_cast %swap3A_757 : i32 to index
        %swap3A_760 = arith.index_cast %add3A_749 : i32 to index
        %swap3A_761 = arith.constant 0 : index
        %swap3A_762 = tpu.vector_load %arg10[%swap3A_758, %swap3A_759, %swap3A_760, %swap3A_761] {strides = array<i32>} : memref<2x2x200x32xf32, #tpu.memory_space<vmem>>, vector<16xf32>,
        tpu.vector_store %arg10[%swap3A_758, %swap3A_759, %swap3A_760, %swap3A_761], %get3A_755 {strides = array<i32>} : memref<2x2x200x32xf32, #tpu.memory_space<vmem>>, vector<16xf32>,
        %add3A_763 = arith.constant 16 : i32
        %add3A_764 = arith.addi %mul3A_753, %add3A_763 : i32
        %get3A_765 = arith.index_cast %add3A_764 : i32 to index
        %get3A_766 = tpu.vector_load %arg11[%get3A_765] {strides = array<i32>} : memref<2048xf32, #tpu.memory_space<vmem>>, vector<16xf32>,
        %swap3A_767 = arith.constant 0 : i32
        %swap3A_768 = arith.constant 1 : i32
        %swap3A_769 = arith.index_cast %swap3A_767 : i32 to index
        %swap3A_770 = arith.index_cast %swap3A_768 : i32 to index
        %swap3A_771 = arith.index_cast %add3A_749 : i32 to index
        %swap3A_772 = arith.constant 16 : index
        %swap3A_773 = tpu.vector_load %arg10[%swap3A_769, %swap3A_770, %swap3A_771, %swap3A_772] {strides = array<i32>} : memref<2x2x200x32xf32, #tpu.memory_space<vmem>>, vector<16xf32>,
        tpu.vector_store %arg10[%swap3A_769, %swap3A_770, %swap3A_771, %swap3A_772], %get3A_766 {strides = array<i32>} : memref<2x2x200x32xf32, #tpu.memory_space<vmem>>, vector<16xf32>,
        %add3A_774 = arith.constant 14 : i32
        %add3A_775 = arith.addi %min3A_409, %add3A_774 : i32
        %slice3A_776 = vector.extract_strided_slice %get3A_412 {offsets = [14], sizes = [1], strides = [1]} : vector<16xi32> to vector<1xi32>
        %squeeze3A_777 = vector.extract %slice3A_776[0] : i32 from vector<1xi32>
        %mul3A_778 = arith.constant 32 : i32
        %mul3A_779 = arith.muli %squeeze3A_777, %mul3A_778 : i32
        %get3A_780 = arith.index_cast %mul3A_779 : i32 to index
        %get3A_781 = tpu.vector_load %arg11[%get3A_780] {strides = array<i32>} : memref<2048xf32, #tpu.memory_space<vmem>>, vector<16xf32>,
        %swap3A_782 = arith.constant 0 : i32
        %swap3A_783 = arith.constant 1 : i32
        %swap3A_784 = arith.index_cast %swap3A_782 : i32 to index
        %swap3A_785 = arith.index_cast %swap3A_783 : i32 to index
        %swap3A_786 = arith.index_cast %add3A_775 : i32 to index
        %swap3A_787 = arith.constant 0 : index
        %swap3A_788 = tpu.vector_load %arg10[%swap3A_784, %swap3A_785, %swap3A_786, %swap3A_787] {strides = array<i32>} : memref<2x2x200x32xf32, #tpu.memory_space<vmem>>, vector<16xf32>,
        tpu.vector_store %arg10[%swap3A_784, %swap3A_785, %swap3A_786, %swap3A_787], %get3A_781 {strides = array<i32>} : memref<2x2x200x32xf32, #tpu.memory_space<vmem>>, vector<16xf32>,
        %add3A_789 = arith.constant 16 : i32
        %add3A_790 = arith.addi %mul3A_779, %add3A_789 : i32
        %get3A_791 = arith.index_cast %add3A_790 : i32 to index
        %get3A_792 = tpu.vector_load %arg11[%get3A_791] {strides = array<i32>} : memref<2048xf32, #tpu.memory_space<vmem>>, vector<16xf32>,
        %swap3A_793 = arith.constant 0 : i32
        %swap3A_794 = arith.constant 1 : i32
        %swap3A_795 = arith.index_cast %swap3A_793 : i32 to index
        %swap3A_796 = arith.index_cast %swap3A_794 : i32 to index
        %swap3A_797 = arith.index_cast %add3A_775 : i32 to index
        %swap3A_798 = arith.constant 16 : index
        %swap3A_799 = tpu.vector_load %arg10[%swap3A_795, %swap3A_796, %swap3A_797, %swap3A_798] {strides = array<i32>} : memref<2x2x200x32xf32, #tpu.memory_space<vmem>>, vector<16xf32>,
        tpu.vector_store %arg10[%swap3A_795, %swap3A_796, %swap3A_797, %swap3A_798], %get3A_792 {strides = array<i32>} : memref<2x2x200x32xf32, #tpu.memory_space<vmem>>, vector<16xf32>,
        %add3A_800 = arith.constant 15 : i32
        %add3A_801 = arith.addi %min3A_409, %add3A_800 : i32
        %slice3A_802 = vector.extract_strided_slice %get3A_412 {offsets = [15], sizes = [1], strides = [1]} : vector<16xi32> to vector<1xi32>
        %squeeze3A_803 = vector.extract %slice3A_802[0] : i32 from vector<1xi32>
        %mul3A_804 = arith.constant 32 : i32
        %mul3A_805 = arith.muli %squeeze3A_803, %mul3A_804 : i32
        %get3A_806 = arith.index_cast %mul3A_805 : i32 to index
        %get3A_807 = tpu.vector_load %arg11[%get3A_806] {strides = array<i32>} : memref<2048xf32, #tpu.memory_space<vmem>>, vector<16xf32>,
        %swap3A_808 = arith.constant 0 : i32
        %swap3A_809 = arith.constant 1 : i32
        %swap3A_810 = arith.index_cast %swap3A_808 : i32 to index
        %swap3A_811 = arith.index_cast %swap3A_809 : i32 to index
        %swap3A_812 = arith.index_cast %add3A_801 : i32 to index
        %swap3A_813 = arith.constant 0 : index
        %swap3A_814 = tpu.vector_load %arg10[%swap3A_810, %swap3A_811, %swap3A_812, %swap3A_813] {strides = array<i32>} : memref<2x2x200x32xf32, #tpu.memory_space<vmem>>, vector<16xf32>,
        tpu.vector_store %arg10[%swap3A_810, %swap3A_811, %swap3A_812, %swap3A_813], %get3A_807 {strides = array<i32>} : memref<2x2x200x32xf32, #tpu.memory_space<vmem>>, vector<16xf32>,
        %add3A_815 = arith.constant 16 : i32
        %add3A_816 = arith.addi %mul3A_805, %add3A_815 : i32
        %get3A_817 = arith.index_cast %add3A_816 : i32 to index
        %get3A_818 = tpu.vector_load %arg11[%get3A_817] {strides = array<i32>} : memref<2048xf32, #tpu.memory_space<vmem>>, vector<16xf32>,
        %swap3A_819 = arith.constant 0 : i32
        %swap3A_820 = arith.constant 1 : i32
        %swap3A_821 = arith.index_cast %swap3A_819 : i32 to index
        %swap3A_822 = arith.index_cast %swap3A_820 : i32 to index
        %swap3A_823 = arith.index_cast %add3A_801 : i32 to index
        %swap3A_824 = arith.constant 16 : index
        %swap3A_825 = tpu.vector_load %arg10[%swap3A_821, %swap3A_822, %swap3A_823, %swap3A_824] {strides = array<i32>} : memref<2x2x200x32xf32, #tpu.memory_space<vmem>>, vector<16xf32>,
        tpu.vector_store %arg10[%swap3A_821, %swap3A_822, %swap3A_823, %swap3A_824], %get3A_818 {strides = array<i32>} : memref<2x2x200x32xf32, #tpu.memory_space<vmem>>, vector<16xf32>,
      }
      %scan3A_147 = arith.constant 13 : i32
      %scan3A_148 = arith.constant 0 : i32
      %scan3A_149 = arith.constant 0 : i32
      %scan3A_150 = arith.constant 13 : i32
      %scan3A_151 = arith.addi %scan3A_149, %scan3A_150 : i32
      %scan3A_152 = arith.constant 1 : i32
      scf.for %scan3A_406 = %scan3A_149 to %scan3A_151 step %scan3A_152  : i32 {
        %mul3A_407 = arith.constant 16 : i32
        %mul3A_408 = arith.muli %scan3A_406, %mul3A_407 : i32
        %min3A = arith.constant 184 : i32
        %min3A_409 = arith.minsi %mul3A_408, %min3A : i32
        %get3A = arith.constant 2 : i32
        %get3A_410 = arith.index_cast %get3A : i32 to index
        %get3A_411 = arith.index_cast %min3A_409 : i32 to index
        %get3A_412 = tpu.vector_load %arg8[%get3A_410, %get3A_411] {strides = array<i32>} : memref<4x200xi32, #tpu.memory_space<vmem>>, vector<16xi32>,
        %add3A_413 = arith.constant 0 : i32
        %add3A_414 = arith.addi %min3A_409, %add3A_413 : i32
        %slice3A = vector.extract_strided_slice %get3A_412 {offsets = [0], sizes = [1], strides = [1]} : vector<16xi32> to vector<1xi32>
        %squeeze3A = vector.extract %slice3A[0] : i32 from vector<1xi32>
        %mul3A_415 = arith.constant 32 : i32
        %mul3A_416 = arith.muli %squeeze3A, %mul3A_415 : i32
        %get3A_417 = arith.index_cast %mul3A_416 : i32 to index
        %get3A_418 = tpu.vector_load %arg11[%get3A_417] {strides = array<i32>} : memref<2048xf32, #tpu.memory_space<vmem>>, vector<16xf32>,
        %swap3A = arith.constant 1 : i32
        %swap3A_419 = arith.constant 0 : i32
        %swap3A_420 = arith.index_cast %swap3A : i32 to index
        %swap3A_421 = arith.index_cast %swap3A_419 : i32 to index
        %swap3A_422 = arith.index_cast %add3A_414 : i32 to index
        %swap3A_423 = arith.constant 0 : index
        %swap3A_424 = tpu.vector_load %arg10[%swap3A_420, %swap3A_421, %swap3A_422, %swap3A_423] {strides = array<i32>} : memref<2x2x200x32xf32, #tpu.memory_space<vmem>>, vector<16xf32>,
        tpu.vector_store %arg10[%swap3A_420, %swap3A_421, %swap3A_422, %swap3A_423], %get3A_418 {strides = array<i32>} : memref<2x2x200x32xf32, #tpu.memory_space<vmem>>, vector<16xf32>,
        %add3A_425 = arith.constant 16 : i32
        %add3A_426 = arith.addi %mul3A_416, %add3A_425 : i32
        %get3A_427 = arith.index_cast %add3A_426 : i32 to index
        %get3A_428 = tpu.vector_load %arg11[%get3A_427] {strides = array<i32>} : memref<2048xf32, #tpu.memory_space<vmem>>, vector<16xf32>,
        %swap3A_429 = arith.constant 1 : i32
        %swap3A_430 = arith.constant 0 : i32
        %swap3A_431 = arith.index_cast %swap3A_429 : i32 to index
        %swap3A_432 = arith.index_cast %swap3A_430 : i32 to index
        %swap3A_433 = arith.index_cast %add3A_414 : i32 to index
        %swap3A_434 = arith.constant 16 : index
        %swap3A_435 = tpu.vector_load %arg10[%swap3A_431, %swap3A_432, %swap3A_433, %swap3A_434] {strides = array<i32>} : memref<2x2x200x32xf32, #tpu.memory_space<vmem>>, vector<16xf32>,
        tpu.vector_store %arg10[%swap3A_431, %swap3A_432, %swap3A_433, %swap3A_434], %get3A_428 {strides = array<i32>} : memref<2x2x200x32xf32, #tpu.memory_space<vmem>>, vector<16xf32>,
        %add3A_436 = arith.constant 1 : i32
        %add3A_437 = arith.addi %min3A_409, %add3A_436 : i32
        %slice3A_438 = vector.extract_strided_slice %get3A_412 {offsets = [1], sizes = [1], strides = [1]} : vector<16xi32> to vector<1xi32>
        %squeeze3A_439 = vector.extract %slice3A_438[0] : i32 from vector<1xi32>
        %mul3A_440 = arith.constant 32 : i32
        %mul3A_441 = arith.muli %squeeze3A_439, %mul3A_440 : i32
        %get3A_442 = arith.index_cast %mul3A_441 : i32 to index
        %get3A_443 = tpu.vector_load %arg11[%get3A_442] {strides = array<i32>} : memref<2048xf32, #tpu.memory_space<vmem>>, vector<16xf32>,
        %swap3A_444 = arith.constant 1 : i32
        %swap3A_445 = arith.constant 0 : i32
        %swap3A_446 = arith.index_cast %swap3A_444 : i32 to index
        %swap3A_447 = arith.index_cast %swap3A_445 : i32 to index
        %swap3A_448 = arith.index_cast %add3A_437 : i32 to index
        %swap3A_449 = arith.constant 0 : index
        %swap3A_450 = tpu.vector_load %arg10[%swap3A_446, %swap3A_447, %swap3A_448, %swap3A_449] {strides = array<i32>} : memref<2x2x200x32xf32, #tpu.memory_space<vmem>>, vector<16xf32>,
        tpu.vector_store %arg10[%swap3A_446, %swap3A_447, %swap3A_448, %swap3A_449], %get3A_443 {strides = array<i32>} : memref<2x2x200x32xf32, #tpu.memory_space<vmem>>, vector<16xf32>,
        %add3A_451 = arith.constant 16 : i32
        %add3A_452 = arith.addi %mul3A_441, %add3A_451 : i32
        %get3A_453 = arith.index_cast %add3A_452 : i32 to index
        %get3A_454 = tpu.vector_load %arg11[%get3A_453] {strides = array<i32>} : memref<2048xf32, #tpu.memory_space<vmem>>, vector<16xf32>,
        %swap3A_455 = arith.constant 1 : i32
        %swap3A_456 = arith.constant 0 : i32
        %swap3A_457 = arith.index_cast %swap3A_455 : i32 to index
        %swap3A_458 = arith.index_cast %swap3A_456 : i32 to index
        %swap3A_459 = arith.index_cast %add3A_437 : i32 to index
        %swap3A_460 = arith.constant 16 : index
        %swap3A_461 = tpu.vector_load %arg10[%swap3A_457, %swap3A_458, %swap3A_459, %swap3A_460] {strides = array<i32>} : memref<2x2x200x32xf32, #tpu.memory_space<vmem>>, vector<16xf32>,
        tpu.vector_store %arg10[%swap3A_457, %swap3A_458, %swap3A_459, %swap3A_460], %get3A_454 {strides = array<i32>} : memref<2x2x200x32xf32, #tpu.memory_space<vmem>>, vector<16xf32>,
        %add3A_462 = arith.constant 2 : i32
        %add3A_463 = arith.addi %min3A_409, %add3A_462 : i32
        %slice3A_464 = vector.extract_strided_slice %get3A_412 {offsets = [2], sizes = [1], strides = [1]} : vector<16xi32> to vector<1xi32>
        %squeeze3A_465 = vector.extract %slice3A_464[0] : i32 from vector<1xi32>
        %mul3A_466 = arith.constant 32 : i32
        %mul3A_467 = arith.muli %squeeze3A_465, %mul3A_466 : i32
        %get3A_468 = arith.index_cast %mul3A_467 : i32 to index
        %get3A_469 = tpu.vector_load %arg11[%get3A_468] {strides = array<i32>} : memref<2048xf32, #tpu.memory_space<vmem>>, vector<16xf32>,
        %swap3A_470 = arith.constant 1 : i32
        %swap3A_471 = arith.constant 0 : i32
        %swap3A_472 = arith.index_cast %swap3A_470 : i32 to index
        %swap3A_473 = arith.index_cast %swap3A_471 : i32 to index
        %swap3A_474 = arith.index_cast %add3A_463 : i32 to index
        %swap3A_475 = arith.constant 0 : index
        %swap3A_476 = tpu.vector_load %arg10[%swap3A_472, %swap3A_473, %swap3A_474, %swap3A_475] {strides = array<i32>} : memref<2x2x200x32xf32, #tpu.memory_space<vmem>>, vector<16xf32>,
        tpu.vector_store %arg10[%swap3A_472, %swap3A_473, %swap3A_474, %swap3A_475], %get3A_469 {strides = array<i32>} : memref<2x2x200x32xf32, #tpu.memory_space<vmem>>, vector<16xf32>,
        %add3A_477 = arith.constant 16 : i32
        %add3A_478 = arith.addi %mul3A_467, %add3A_477 : i32
        %get3A_479 = arith.index_cast %add3A_478 : i32 to index
        %get3A_480 = tpu.vector_load %arg11[%get3A_479] {strides = array<i32>} : memref<2048xf32, #tpu.memory_space<vmem>>, vector<16xf32>,
        %swap3A_481 = arith.constant 1 : i32
        %swap3A_482 = arith.constant 0 : i32
        %swap3A_483 = arith.index_cast %swap3A_481 : i32 to index
        %swap3A_484 = arith.index_cast %swap3A_482 : i32 to index
        %swap3A_485 = arith.index_cast %add3A_463 : i32 to index
        %swap3A_486 = arith.constant 16 : index
        %swap3A_487 = tpu.vector_load %arg10[%swap3A_483, %swap3A_484, %swap3A_485, %swap3A_486] {strides = array<i32>} : memref<2x2x200x32xf32, #tpu.memory_space<vmem>>, vector<16xf32>,
        tpu.vector_store %arg10[%swap3A_483, %swap3A_484, %swap3A_485, %swap3A_486], %get3A_480 {strides = array<i32>} : memref<2x2x200x32xf32, #tpu.memory_space<vmem>>, vector<16xf32>,
        %add3A_488 = arith.constant 3 : i32
        %add3A_489 = arith.addi %min3A_409, %add3A_488 : i32
        %slice3A_490 = vector.extract_strided_slice %get3A_412 {offsets = [3], sizes = [1], strides = [1]} : vector<16xi32> to vector<1xi32>
        %squeeze3A_491 = vector.extract %slice3A_490[0] : i32 from vector<1xi32>
        %mul3A_492 = arith.constant 32 : i32
        %mul3A_493 = arith.muli %squeeze3A_491, %mul3A_492 : i32
        %get3A_494 = arith.index_cast %mul3A_493 : i32 to index
        %get3A_495 = tpu.vector_load %arg11[%get3A_494] {strides = array<i32>} : memref<2048xf32, #tpu.memory_space<vmem>>, vector<16xf32>,
        %swap3A_496 = arith.constant 1 : i32
        %swap3A_497 = arith.constant 0 : i32
        %swap3A_498 = arith.index_cast %swap3A_496 : i32 to index
        %swap3A_499 = arith.index_cast %swap3A_497 : i32 to index
        %swap3A_500 = arith.index_cast %add3A_489 : i32 to index
        %swap3A_501 = arith.constant 0 : index
        %swap3A_502 = tpu.vector_load %arg10[%swap3A_498, %swap3A_499, %swap3A_500, %swap3A_501] {strides = array<i32>} : memref<2x2x200x32xf32, #tpu.memory_space<vmem>>, vector<16xf32>,
        tpu.vector_store %arg10[%swap3A_498, %swap3A_499, %swap3A_500, %swap3A_501], %get3A_495 {strides = array<i32>} : memref<2x2x200x32xf32, #tpu.memory_space<vmem>>, vector<16xf32>,
        %add3A_503 = arith.constant 16 : i32
        %add3A_504 = arith.addi %mul3A_493, %add3A_503 : i32
        %get3A_505 = arith.index_cast %add3A_504 : i32 to index
        %get3A_506 = tpu.vector_load %arg11[%get3A_505] {strides = array<i32>} : memref<2048xf32, #tpu.memory_space<vmem>>, vector<16xf32>,
        %swap3A_507 = arith.constant 1 : i32
        %swap3A_508 = arith.constant 0 : i32
        %swap3A_509 = arith.index_cast %swap3A_507 : i32 to index
        %swap3A_510 = arith.index_cast %swap3A_508 : i32 to index
        %swap3A_511 = arith.index_cast %add3A_489 : i32 to index
        %swap3A_512 = arith.constant 16 : index
        %swap3A_513 = tpu.vector_load %arg10[%swap3A_509, %swap3A_510, %swap3A_511, %swap3A_512] {strides = array<i32>} : memref<2x2x200x32xf32, #tpu.memory_space<vmem>>, vector<16xf32>,
        tpu.vector_store %arg10[%swap3A_509, %swap3A_510, %swap3A_511, %swap3A_512], %get3A_506 {strides = array<i32>} : memref<2x2x200x32xf32, #tpu.memory_space<vmem>>, vector<16xf32>,
        %add3A_514 = arith.constant 4 : i32
        %add3A_515 = arith.addi %min3A_409, %add3A_514 : i32
        %slice3A_516 = vector.extract_strided_slice %get3A_412 {offsets = [4], sizes = [1], strides = [1]} : vector<16xi32> to vector<1xi32>
        %squeeze3A_517 = vector.extract %slice3A_516[0] : i32 from vector<1xi32>
        %mul3A_518 = arith.constant 32 : i32
        %mul3A_519 = arith.muli %squeeze3A_517, %mul3A_518 : i32
        %get3A_520 = arith.index_cast %mul3A_519 : i32 to index
        %get3A_521 = tpu.vector_load %arg11[%get3A_520] {strides = array<i32>} : memref<2048xf32, #tpu.memory_space<vmem>>, vector<16xf32>,
        %swap3A_522 = arith.constant 1 : i32
        %swap3A_523 = arith.constant 0 : i32
        %swap3A_524 = arith.index_cast %swap3A_522 : i32 to index
        %swap3A_525 = arith.index_cast %swap3A_523 : i32 to index
        %swap3A_526 = arith.index_cast %add3A_515 : i32 to index
        %swap3A_527 = arith.constant 0 : index
        %swap3A_528 = tpu.vector_load %arg10[%swap3A_524, %swap3A_525, %swap3A_526, %swap3A_527] {strides = array<i32>} : memref<2x2x200x32xf32, #tpu.memory_space<vmem>>, vector<16xf32>,
        tpu.vector_store %arg10[%swap3A_524, %swap3A_525, %swap3A_526, %swap3A_527], %get3A_521 {strides = array<i32>} : memref<2x2x200x32xf32, #tpu.memory_space<vmem>>, vector<16xf32>,
        %add3A_529 = arith.constant 16 : i32
        %add3A_530 = arith.addi %mul3A_519, %add3A_529 : i32
        %get3A_531 = arith.index_cast %add3A_530 : i32 to index
        %get3A_532 = tpu.vector_load %arg11[%get3A_531] {strides = array<i32>} : memref<2048xf32, #tpu.memory_space<vmem>>, vector<16xf32>,
        %swap3A_533 = arith.constant 1 : i32
        %swap3A_534 = arith.constant 0 : i32
        %swap3A_535 = arith.index_cast %swap3A_533 : i32 to index
        %swap3A_536 = arith.index_cast %swap3A_534 : i32 to index
        %swap3A_537 = arith.index_cast %add3A_515 : i32 to index
        %swap3A_538 = arith.constant 16 : index
        %swap3A_539 = tpu.vector_load %arg10[%swap3A_535, %swap3A_536, %swap3A_537, %swap3A_538] {strides = array<i32>} : memref<2x2x200x32xf32, #tpu.memory_space<vmem>>, vector<16xf32>,
        tpu.vector_store %arg10[%swap3A_535, %swap3A_536, %swap3A_537, %swap3A_538], %get3A_532 {strides = array<i32>} : memref<2x2x200x32xf32, #tpu.memory_space<vmem>>, vector<16xf32>,
        %add3A_540 = arith.constant 5 : i32
        %add3A_541 = arith.addi %min3A_409, %add3A_540 : i32
        %slice3A_542 = vector.extract_strided_slice %get3A_412 {offsets = [5], sizes = [1], strides = [1]} : vector<16xi32> to vector<1xi32>
        %squeeze3A_543 = vector.extract %slice3A_542[0] : i32 from vector<1xi32>
        %mul3A_544 = arith.constant 32 : i32
        %mul3A_545 = arith.muli %squeeze3A_543, %mul3A_544 : i32
        %get3A_546 = arith.index_cast %mul3A_545 : i32 to index
        %get3A_547 = tpu.vector_load %arg11[%get3A_546] {strides = array<i32>} : memref<2048xf32, #tpu.memory_space<vmem>>, vector<16xf32>,
        %swap3A_548 = arith.constant 1 : i32
        %swap3A_549 = arith.constant 0 : i32
        %swap3A_550 = arith.index_cast %swap3A_548 : i32 to index
        %swap3A_551 = arith.index_cast %swap3A_549 : i32 to index
        %swap3A_552 = arith.index_cast %add3A_541 : i32 to index
        %swap3A_553 = arith.constant 0 : index
        %swap3A_554 = tpu.vector_load %arg10[%swap3A_550, %swap3A_551, %swap3A_552, %swap3A_553] {strides = array<i32>} : memref<2x2x200x32xf32, #tpu.memory_space<vmem>>, vector<16xf32>,
        tpu.vector_store %arg10[%swap3A_550, %swap3A_551, %swap3A_552, %swap3A_553], %get3A_547 {strides = array<i32>} : memref<2x2x200x32xf32, #tpu.memory_space<vmem>>, vector<16xf32>,
        %add3A_555 = arith.constant 16 : i32
        %add3A_556 = arith.addi %mul3A_545, %add3A_555 : i32
        %get3A_557 = arith.index_cast %add3A_556 : i32 to index
        %get3A_558 = tpu.vector_load %arg11[%get3A_557] {strides = array<i32>} : memref<2048xf32, #tpu.memory_space<vmem>>, vector<16xf32>,
        %swap3A_559 = arith.constant 1 : i32
        %swap3A_560 = arith.constant 0 : i32
        %swap3A_561 = arith.index_cast %swap3A_559 : i32 to index
        %swap3A_562 = arith.index_cast %swap3A_560 : i32 to index
        %swap3A_563 = arith.index_cast %add3A_541 : i32 to index
        %swap3A_564 = arith.constant 16 : index
        %swap3A_565 = tpu.vector_load %arg10[%swap3A_561, %swap3A_562, %swap3A_563, %swap3A_564] {strides = array<i32>} : memref<2x2x200x32xf32, #tpu.memory_space<vmem>>, vector<16xf32>,
        tpu.vector_store %arg10[%swap3A_561, %swap3A_562, %swap3A_563, %swap3A_564], %get3A_558 {strides = array<i32>} : memref<2x2x200x32xf32, #tpu.memory_space<vmem>>, vector<16xf32>,
        %add3A_566 = arith.constant 6 : i32
        %add3A_567 = arith.addi %min3A_409, %add3A_566 : i32
        %slice3A_568 = vector.extract_strided_slice %get3A_412 {offsets = [6], sizes = [1], strides = [1]} : vector<16xi32> to vector<1xi32>
        %squeeze3A_569 = vector.extract %slice3A_568[0] : i32 from vector<1xi32>
        %mul3A_570 = arith.constant 32 : i32
        %mul3A_571 = arith.muli %squeeze3A_569, %mul3A_570 : i32
        %get3A_572 = arith.index_cast %mul3A_571 : i32 to index
        %get3A_573 = tpu.vector_load %arg11[%get3A_572] {strides = array<i32>} : memref<2048xf32, #tpu.memory_space<vmem>>, vector<16xf32>,
        %swap3A_574 = arith.constant 1 : i32
        %swap3A_575 = arith.constant 0 : i32
        %swap3A_576 = arith.index_cast %swap3A_574 : i32 to index
        %swap3A_577 = arith.index_cast %swap3A_575 : i32 to index
        %swap3A_578 = arith.index_cast %add3A_567 : i32 to index
        %swap3A_579 = arith.constant 0 : index
        %swap3A_580 = tpu.vector_load %arg10[%swap3A_576, %swap3A_577, %swap3A_578, %swap3A_579] {strides = array<i32>} : memref<2x2x200x32xf32, #tpu.memory_space<vmem>>, vector<16xf32>,
        tpu.vector_store %arg10[%swap3A_576, %swap3A_577, %swap3A_578, %swap3A_579], %get3A_573 {strides = array<i32>} : memref<2x2x200x32xf32, #tpu.memory_space<vmem>>, vector<16xf32>,
        %add3A_581 = arith.constant 16 : i32
        %add3A_582 = arith.addi %mul3A_571, %add3A_581 : i32
        %get3A_583 = arith.index_cast %add3A_582 : i32 to index
        %get3A_584 = tpu.vector_load %arg11[%get3A_583] {strides = array<i32>} : memref<2048xf32, #tpu.memory_space<vmem>>, vector<16xf32>,
        %swap3A_585 = arith.constant 1 : i32
        %swap3A_586 = arith.constant 0 : i32
        %swap3A_587 = arith.index_cast %swap3A_585 : i32 to index
        %swap3A_588 = arith.index_cast %swap3A_586 : i32 to index
        %swap3A_589 = arith.index_cast %add3A_567 : i32 to index
        %swap3A_590 = arith.constant 16 : index
        %swap3A_591 = tpu.vector_load %arg10[%swap3A_587, %swap3A_588, %swap3A_589, %swap3A_590] {strides = array<i32>} : memref<2x2x200x32xf32, #tpu.memory_space<vmem>>, vector<16xf32>,
        tpu.vector_store %arg10[%swap3A_587, %swap3A_588, %swap3A_589, %swap3A_590], %get3A_584 {strides = array<i32>} : memref<2x2x200x32xf32, #tpu.memory_space<vmem>>, vector<16xf32>,
        %add3A_592 = arith.constant 7 : i32
        %add3A_593 = arith.addi %min3A_409, %add3A_592 : i32
        %slice3A_594 = vector.extract_strided_slice %get3A_412 {offsets = [7], sizes = [1], strides = [1]} : vector<16xi32> to vector<1xi32>
        %squeeze3A_595 = vector.extract %slice3A_594[0] : i32 from vector<1xi32>
        %mul3A_596 = arith.constant 32 : i32
        %mul3A_597 = arith.muli %squeeze3A_595, %mul3A_596 : i32
        %get3A_598 = arith.index_cast %mul3A_597 : i32 to index
        %get3A_599 = tpu.vector_load %arg11[%get3A_598] {strides = array<i32>} : memref<2048xf32, #tpu.memory_space<vmem>>, vector<16xf32>,
        %swap3A_600 = arith.constant 1 : i32
        %swap3A_601 = arith.constant 0 : i32
        %swap3A_602 = arith.index_cast %swap3A_600 : i32 to index
        %swap3A_603 = arith.index_cast %swap3A_601 : i32 to index
        %swap3A_604 = arith.index_cast %add3A_593 : i32 to index
        %swap3A_605 = arith.constant 0 : index
        %swap3A_606 = tpu.vector_load %arg10[%swap3A_602, %swap3A_603, %swap3A_604, %swap3A_605] {strides = array<i32>} : memref<2x2x200x32xf32, #tpu.memory_space<vmem>>, vector<16xf32>,
        tpu.vector_store %arg10[%swap3A_602, %swap3A_603, %swap3A_604, %swap3A_605], %get3A_599 {strides = array<i32>} : memref<2x2x200x32xf32, #tpu.memory_space<vmem>>, vector<16xf32>,
        %add3A_607 = arith.constant 16 : i32
        %add3A_608 = arith.addi %mul3A_597, %add3A_607 : i32
        %get3A_609 = arith.index_cast %add3A_608 : i32 to index
        %get3A_610 = tpu.vector_load %arg11[%get3A_609] {strides = array<i32>} : memref<2048xf32, #tpu.memory_space<vmem>>, vector<16xf32>,
        %swap3A_611 = arith.constant 1 : i32
        %swap3A_612 = arith.constant 0 : i32
        %swap3A_613 = arith.index_cast %swap3A_611 : i32 to index
        %swap3A_614 = arith.index_cast %swap3A_612 : i32 to index
        %swap3A_615 = arith.index_cast %add3A_593 : i32 to index
        %swap3A_616 = arith.constant 16 : index
        %swap3A_617 = tpu.vector_load %arg10[%swap3A_613, %swap3A_614, %swap3A_615, %swap3A_616] {strides = array<i32>} : memref<2x2x200x32xf32, #tpu.memory_space<vmem>>, vector<16xf32>,
        tpu.vector_store %arg10[%swap3A_613, %swap3A_614, %swap3A_615, %swap3A_616], %get3A_610 {strides = array<i32>} : memref<2x2x200x32xf32, #tpu.memory_space<vmem>>, vector<16xf32>,
        %add3A_618 = arith.constant 8 : i32
        %add3A_619 = arith.addi %min3A_409, %add3A_618 : i32
        %slice3A_620 = vector.extract_strided_slice %get3A_412 {offsets = [8], sizes = [1], strides = [1]} : vector<16xi32> to vector<1xi32>
        %squeeze3A_621 = vector.extract %slice3A_620[0] : i32 from vector<1xi32>
        %mul3A_622 = arith.constant 32 : i32
        %mul3A_623 = arith.muli %squeeze3A_621, %mul3A_622 : i32
        %get3A_624 = arith.index_cast %mul3A_623 : i32 to index
        %get3A_625 = tpu.vector_load %arg11[%get3A_624] {strides = array<i32>} : memref<2048xf32, #tpu.memory_space<vmem>>, vector<16xf32>,
        %swap3A_626 = arith.constant 1 : i32
        %swap3A_627 = arith.constant 0 : i32
        %swap3A_628 = arith.index_cast %swap3A_626 : i32 to index
        %swap3A_629 = arith.index_cast %swap3A_627 : i32 to index
        %swap3A_630 = arith.index_cast %add3A_619 : i32 to index
        %swap3A_631 = arith.constant 0 : index
        %swap3A_632 = tpu.vector_load %arg10[%swap3A_628, %swap3A_629, %swap3A_630, %swap3A_631] {strides = array<i32>} : memref<2x2x200x32xf32, #tpu.memory_space<vmem>>, vector<16xf32>,
        tpu.vector_store %arg10[%swap3A_628, %swap3A_629, %swap3A_630, %swap3A_631], %get3A_625 {strides = array<i32>} : memref<2x2x200x32xf32, #tpu.memory_space<vmem>>, vector<16xf32>,
        %add3A_633 = arith.constant 16 : i32
        %add3A_634 = arith.addi %mul3A_623, %add3A_633 : i32
        %get3A_635 = arith.index_cast %add3A_634 : i32 to index
        %get3A_636 = tpu.vector_load %arg11[%get3A_635] {strides = array<i32>} : memref<2048xf32, #tpu.memory_space<vmem>>, vector<16xf32>,
        %swap3A_637 = arith.constant 1 : i32
        %swap3A_638 = arith.constant 0 : i32
        %swap3A_639 = arith.index_cast %swap3A_637 : i32 to index
        %swap3A_640 = arith.index_cast %swap3A_638 : i32 to index
        %swap3A_641 = arith.index_cast %add3A_619 : i32 to index
        %swap3A_642 = arith.constant 16 : index
        %swap3A_643 = tpu.vector_load %arg10[%swap3A_639, %swap3A_640, %swap3A_641, %swap3A_642] {strides = array<i32>} : memref<2x2x200x32xf32, #tpu.memory_space<vmem>>, vector<16xf32>,
        tpu.vector_store %arg10[%swap3A_639, %swap3A_640, %swap3A_641, %swap3A_642], %get3A_636 {strides = array<i32>} : memref<2x2x200x32xf32, #tpu.memory_space<vmem>>, vector<16xf32>,
        %add3A_644 = arith.constant 9 : i32
        %add3A_645 = arith.addi %min3A_409, %add3A_644 : i32
        %slice3A_646 = vector.extract_strided_slice %get3A_412 {offsets = [9], sizes = [1], strides = [1]} : vector<16xi32> to vector<1xi32>
        %squeeze3A_647 = vector.extract %slice3A_646[0] : i32 from vector<1xi32>
        %mul3A_648 = arith.constant 32 : i32
        %mul3A_649 = arith.muli %squeeze3A_647, %mul3A_648 : i32
        %get3A_650 = arith.index_cast %mul3A_649 : i32 to index
        %get3A_651 = tpu.vector_load %arg11[%get3A_650] {strides = array<i32>} : memref<2048xf32, #tpu.memory_space<vmem>>, vector<16xf32>,
        %swap3A_652 = arith.constant 1 : i32
        %swap3A_653 = arith.constant 0 : i32
        %swap3A_654 = arith.index_cast %swap3A_652 : i32 to index
        %swap3A_655 = arith.index_cast %swap3A_653 : i32 to index
        %swap3A_656 = arith.index_cast %add3A_645 : i32 to index
        %swap3A_657 = arith.constant 0 : index
        %swap3A_658 = tpu.vector_load %arg10[%swap3A_654, %swap3A_655, %swap3A_656, %swap3A_657] {strides = array<i32>} : memref<2x2x200x32xf32, #tpu.memory_space<vmem>>, vector<16xf32>,
        tpu.vector_store %arg10[%swap3A_654, %swap3A_655, %swap3A_656, %swap3A_657], %get3A_651 {strides = array<i32>} : memref<2x2x200x32xf32, #tpu.memory_space<vmem>>, vector<16xf32>,
        %add3A_659 = arith.constant 16 : i32
        %add3A_660 = arith.addi %mul3A_649, %add3A_659 : i32
        %get3A_661 = arith.index_cast %add3A_660 : i32 to index
        %get3A_662 = tpu.vector_load %arg11[%get3A_661] {strides = array<i32>} : memref<2048xf32, #tpu.memory_space<vmem>>, vector<16xf32>,
        %swap3A_663 = arith.constant 1 : i32
        %swap3A_664 = arith.constant 0 : i32
        %swap3A_665 = arith.index_cast %swap3A_663 : i32 to index
        %swap3A_666 = arith.index_cast %swap3A_664 : i32 to index
        %swap3A_667 = arith.index_cast %add3A_645 : i32 to index
        %swap3A_668 = arith.constant 16 : index
        %swap3A_669 = tpu.vector_load %arg10[%swap3A_665, %swap3A_666, %swap3A_667, %swap3A_668] {strides = array<i32>} : memref<2x2x200x32xf32, #tpu.memory_space<vmem>>, vector<16xf32>,
        tpu.vector_store %arg10[%swap3A_665, %swap3A_666, %swap3A_667, %swap3A_668], %get3A_662 {strides = array<i32>} : memref<2x2x200x32xf32, #tpu.memory_space<vmem>>, vector<16xf32>,
        %add3A_670 = arith.constant 10 : i32
        %add3A_671 = arith.addi %min3A_409, %add3A_670 : i32
        %slice3A_672 = vector.extract_strided_slice %get3A_412 {offsets = [10], sizes = [1], strides = [1]} : vector<16xi32> to vector<1xi32>
        %squeeze3A_673 = vector.extract %slice3A_672[0] : i32 from vector<1xi32>
        %mul3A_674 = arith.constant 32 : i32
        %mul3A_675 = arith.muli %squeeze3A_673, %mul3A_674 : i32
        %get3A_676 = arith.index_cast %mul3A_675 : i32 to index
        %get3A_677 = tpu.vector_load %arg11[%get3A_676] {strides = array<i32>} : memref<2048xf32, #tpu.memory_space<vmem>>, vector<16xf32>,
        %swap3A_678 = arith.constant 1 : i32
        %swap3A_679 = arith.constant 0 : i32
        %swap3A_680 = arith.index_cast %swap3A_678 : i32 to index
        %swap3A_681 = arith.index_cast %swap3A_679 : i32 to index
        %swap3A_682 = arith.index_cast %add3A_671 : i32 to index
        %swap3A_683 = arith.constant 0 : index
        %swap3A_684 = tpu.vector_load %arg10[%swap3A_680, %swap3A_681, %swap3A_682, %swap3A_683] {strides = array<i32>} : memref<2x2x200x32xf32, #tpu.memory_space<vmem>>, vector<16xf32>,
        tpu.vector_store %arg10[%swap3A_680, %swap3A_681, %swap3A_682, %swap3A_683], %get3A_677 {strides = array<i32>} : memref<2x2x200x32xf32, #tpu.memory_space<vmem>>, vector<16xf32>,
        %add3A_685 = arith.constant 16 : i32
        %add3A_686 = arith.addi %mul3A_675, %add3A_685 : i32
        %get3A_687 = arith.index_cast %add3A_686 : i32 to index
        %get3A_688 = tpu.vector_load %arg11[%get3A_687] {strides = array<i32>} : memref<2048xf32, #tpu.memory_space<vmem>>, vector<16xf32>,
        %swap3A_689 = arith.constant 1 : i32
        %swap3A_690 = arith.constant 0 : i32
        %swap3A_691 = arith.index_cast %swap3A_689 : i32 to index
        %swap3A_692 = arith.index_cast %swap3A_690 : i32 to index
        %swap3A_693 = arith.index_cast %add3A_671 : i32 to index
        %swap3A_694 = arith.constant 16 : index
        %swap3A_695 = tpu.vector_load %arg10[%swap3A_691, %swap3A_692, %swap3A_693, %swap3A_694] {strides = array<i32>} : memref<2x2x200x32xf32, #tpu.memory_space<vmem>>, vector<16xf32>,
        tpu.vector_store %arg10[%swap3A_691, %swap3A_692, %swap3A_693, %swap3A_694], %get3A_688 {strides = array<i32>} : memref<2x2x200x32xf32, #tpu.memory_space<vmem>>, vector<16xf32>,
        %add3A_696 = arith.constant 11 : i32
        %add3A_697 = arith.addi %min3A_409, %add3A_696 : i32
        %slice3A_698 = vector.extract_strided_slice %get3A_412 {offsets = [11], sizes = [1], strides = [1]} : vector<16xi32> to vector<1xi32>
        %squeeze3A_699 = vector.extract %slice3A_698[0] : i32 from vector<1xi32>
        %mul3A_700 = arith.constant 32 : i32
        %mul3A_701 = arith.muli %squeeze3A_699, %mul3A_700 : i32
        %get3A_702 = arith.index_cast %mul3A_701 : i32 to index
        %get3A_703 = tpu.vector_load %arg11[%get3A_702] {strides = array<i32>} : memref<2048xf32, #tpu.memory_space<vmem>>, vector<16xf32>,
        %swap3A_704 = arith.constant 1 : i32
        %swap3A_705 = arith.constant 0 : i32
        %swap3A_706 = arith.index_cast %swap3A_704 : i32 to index
        %swap3A_707 = arith.index_cast %swap3A_705 : i32 to index
        %swap3A_708 = arith.index_cast %add3A_697 : i32 to index
        %swap3A_709 = arith.constant 0 : index
        %swap3A_710 = tpu.vector_load %arg10[%swap3A_706, %swap3A_707, %swap3A_708, %swap3A_709] {strides = array<i32>} : memref<2x2x200x32xf32, #tpu.memory_space<vmem>>, vector<16xf32>,
        tpu.vector_store %arg10[%swap3A_706, %swap3A_707, %swap3A_708, %swap3A_709], %get3A_703 {strides = array<i32>} : memref<2x2x200x32xf32, #tpu.memory_space<vmem>>, vector<16xf32>,
        %add3A_711 = arith.constant 16 : i32
        %add3A_712 = arith.addi %mul3A_701, %add3A_711 : i32
        %get3A_713 = arith.index_cast %add3A_712 : i32 to index
        %get3A_714 = tpu.vector_load %arg11[%get3A_713] {strides = array<i32>} : memref<2048xf32, #tpu.memory_space<vmem>>, vector<16xf32>,
        %swap3A_715 = arith.constant 1 : i32
        %swap3A_716 = arith.constant 0 : i32
        %swap3A_717 = arith.index_cast %swap3A_715 : i32 to index
        %swap3A_718 = arith.index_cast %swap3A_716 : i32 to index
        %swap3A_719 = arith.index_cast %add3A_697 : i32 to index
        %swap3A_720 = arith.constant 16 : index
        %swap3A_721 = tpu.vector_load %arg10[%swap3A_717, %swap3A_718, %swap3A_719, %swap3A_720] {strides = array<i32>} : memref<2x2x200x32xf32, #tpu.memory_space<vmem>>, vector<16xf32>,
        tpu.vector_store %arg10[%swap3A_717, %swap3A_718, %swap3A_719, %swap3A_720], %get3A_714 {strides = array<i32>} : memref<2x2x200x32xf32, #tpu.memory_space<vmem>>, vector<16xf32>,
        %add3A_722 = arith.constant 12 : i32
        %add3A_723 = arith.addi %min3A_409, %add3A_722 : i32
        %slice3A_724 = vector.extract_strided_slice %get3A_412 {offsets = [12], sizes = [1], strides = [1]} : vector<16xi32> to vector<1xi32>
        %squeeze3A_725 = vector.extract %slice3A_724[0] : i32 from vector<1xi32>
        %mul3A_726 = arith.constant 32 : i32
        %mul3A_727 = arith.muli %squeeze3A_725, %mul3A_726 : i32
        %get3A_728 = arith.index_cast %mul3A_727 : i32 to index
        %get3A_729 = tpu.vector_load %arg11[%get3A_728] {strides = array<i32>} : memref<2048xf32, #tpu.memory_space<vmem>>, vector<16xf32>,
        %swap3A_730 = arith.constant 1 : i32
        %swap3A_731 = arith.constant 0 : i32
        %swap3A_732 = arith.index_cast %swap3A_730 : i32 to index
        %swap3A_733 = arith.index_cast %swap3A_731 : i32 to index
        %swap3A_734 = arith.index_cast %add3A_723 : i32 to index
        %swap3A_735 = arith.constant 0 : index
        %swap3A_736 = tpu.vector_load %arg10[%swap3A_732, %swap3A_733, %swap3A_734, %swap3A_735] {strides = array<i32>} : memref<2x2x200x32xf32, #tpu.memory_space<vmem>>, vector<16xf32>,
        tpu.vector_store %arg10[%swap3A_732, %swap3A_733, %swap3A_734, %swap3A_735], %get3A_729 {strides = array<i32>} : memref<2x2x200x32xf32, #tpu.memory_space<vmem>>, vector<16xf32>,
        %add3A_737 = arith.constant 16 : i32
        %add3A_738 = arith.addi %mul3A_727, %add3A_737 : i32
        %get3A_739 = arith.index_cast %add3A_738 : i32 to index
        %get3A_740 = tpu.vector_load %arg11[%get3A_739] {strides = array<i32>} : memref<2048xf32, #tpu.memory_space<vmem>>, vector<16xf32>,
        %swap3A_741 = arith.constant 1 : i32
        %swap3A_742 = arith.constant 0 : i32
        %swap3A_743 = arith.index_cast %swap3A_741 : i32 to index
        %swap3A_744 = arith.index_cast %swap3A_742 : i32 to index
        %swap3A_745 = arith.index_cast %add3A_723 : i32 to index
        %swap3A_746 = arith.constant 16 : index
        %swap3A_747 = tpu.vector_load %arg10[%swap3A_743, %swap3A_744, %swap3A_745, %swap3A_746] {strides = array<i32>} : memref<2x2x200x32xf32, #tpu.memory_space<vmem>>, vector<16xf32>,
        tpu.vector_store %arg10[%swap3A_743, %swap3A_744, %swap3A_745, %swap3A_746], %get3A_740 {strides = array<i32>} : memref<2x2x200x32xf32, #tpu.memory_space<vmem>>, vector<16xf32>,
        %add3A_748 = arith.constant 13 : i32
        %add3A_749 = arith.addi %min3A_409, %add3A_748 : i32
        %slice3A_750 = vector.extract_strided_slice %get3A_412 {offsets = [13], sizes = [1], strides = [1]} : vector<16xi32> to vector<1xi32>
        %squeeze3A_751 = vector.extract %slice3A_750[0] : i32 from vector<1xi32>
        %mul3A_752 = arith.constant 32 : i32
        %mul3A_753 = arith.muli %squeeze3A_751, %mul3A_752 : i32
        %get3A_754 = arith.index_cast %mul3A_753 : i32 to index
        %get3A_755 = tpu.vector_load %arg11[%get3A_754] {strides = array<i32>} : memref<2048xf32, #tpu.memory_space<vmem>>, vector<16xf32>,
        %swap3A_756 = arith.constant 1 : i32
        %swap3A_757 = arith.constant 0 : i32
        %swap3A_758 = arith.index_cast %swap3A_756 : i32 to index
        %swap3A_759 = arith.index_cast %swap3A_757 : i32 to index
        %swap3A_760 = arith.index_cast %add3A_749 : i32 to index
        %swap3A_761 = arith.constant 0 : index
        %swap3A_762 = tpu.vector_load %arg10[%swap3A_758, %swap3A_759, %swap3A_760, %swap3A_761] {strides = array<i32>} : memref<2x2x200x32xf32, #tpu.memory_space<vmem>>, vector<16xf32>,
        tpu.vector_store %arg10[%swap3A_758, %swap3A_759, %swap3A_760, %swap3A_761], %get3A_755 {strides = array<i32>} : memref<2x2x200x32xf32, #tpu.memory_space<vmem>>, vector<16xf32>,
        %add3A_763 = arith.constant 16 : i32
        %add3A_764 = arith.addi %mul3A_753, %add3A_763 : i32
        %get3A_765 = arith.index_cast %add3A_764 : i32 to index
        %get3A_766 = tpu.vector_load %arg11[%get3A_765] {strides = array<i32>} : memref<2048xf32, #tpu.memory_space<vmem>>, vector<16xf32>,
        %swap3A_767 = arith.constant 1 : i32
        %swap3A_768 = arith.constant 0 : i32
        %swap3A_769 = arith.index_cast %swap3A_767 : i32 to index
        %swap3A_770 = arith.index_cast %swap3A_768 : i32 to index
        %swap3A_771 = arith.index_cast %add3A_749 : i32 to index
        %swap3A_772 = arith.constant 16 : index
        %swap3A_773 = tpu.vector_load %arg10[%swap3A_769, %swap3A_770, %swap3A_771, %swap3A_772] {strides = array<i32>} : memref<2x2x200x32xf32, #tpu.memory_space<vmem>>, vector<16xf32>,
        tpu.vector_store %arg10[%swap3A_769, %swap3A_770, %swap3A_771, %swap3A_772], %get3A_766 {strides = array<i32>} : memref<2x2x200x32xf32, #tpu.memory_space<vmem>>, vector<16xf32>,
        %add3A_774 = arith.constant 14 : i32
        %add3A_775 = arith.addi %min3A_409, %add3A_774 : i32
        %slice3A_776 = vector.extract_strided_slice %get3A_412 {offsets = [14], sizes = [1], strides = [1]} : vector<16xi32> to vector<1xi32>
        %squeeze3A_777 = vector.extract %slice3A_776[0] : i32 from vector<1xi32>
        %mul3A_778 = arith.constant 32 : i32
        %mul3A_779 = arith.muli %squeeze3A_777, %mul3A_778 : i32
        %get3A_780 = arith.index_cast %mul3A_779 : i32 to index
        %get3A_781 = tpu.vector_load %arg11[%get3A_780] {strides = array<i32>} : memref<2048xf32, #tpu.memory_space<vmem>>, vector<16xf32>,
        %swap3A_782 = arith.constant 1 : i32
        %swap3A_783 = arith.constant 0 : i32
        %swap3A_784 = arith.index_cast %swap3A_782 : i32 to index
        %swap3A_785 = arith.index_cast %swap3A_783 : i32 to index
        %swap3A_786 = arith.index_cast %add3A_775 : i32 to index
        %swap3A_787 = arith.constant 0 : index
        %swap3A_788 = tpu.vector_load %arg10[%swap3A_784, %swap3A_785, %swap3A_786, %swap3A_787] {strides = array<i32>} : memref<2x2x200x32xf32, #tpu.memory_space<vmem>>, vector<16xf32>,
        tpu.vector_store %arg10[%swap3A_784, %swap3A_785, %swap3A_786, %swap3A_787], %get3A_781 {strides = array<i32>} : memref<2x2x200x32xf32, #tpu.memory_space<vmem>>, vector<16xf32>,
        %add3A_789 = arith.constant 16 : i32
        %add3A_790 = arith.addi %mul3A_779, %add3A_789 : i32
        %get3A_791 = arith.index_cast %add3A_790 : i32 to index
        %get3A_792 = tpu.vector_load %arg11[%get3A_791] {strides = array<i32>} : memref<2048xf32, #tpu.memory_space<vmem>>, vector<16xf32>,
        %swap3A_793 = arith.constant 1 : i32
        %swap3A_794 = arith.constant 0 : i32
        %swap3A_795 = arith.index_cast %swap3A_793 : i32 to index
        %swap3A_796 = arith.index_cast %swap3A_794 : i32 to index
        %swap3A_797 = arith.index_cast %add3A_775 : i32 to index
        %swap3A_798 = arith.constant 16 : index
        %swap3A_799 = tpu.vector_load %arg10[%swap3A_795, %swap3A_796, %swap3A_797, %swap3A_798] {strides = array<i32>} : memref<2x2x200x32xf32, #tpu.memory_space<vmem>>, vector<16xf32>,
        tpu.vector_store %arg10[%swap3A_795, %swap3A_796, %swap3A_797, %swap3A_798], %get3A_792 {strides = array<i32>} : memref<2x2x200x32xf32, #tpu.memory_space<vmem>>, vector<16xf32>,
        %add3A_800 = arith.constant 15 : i32
        %add3A_801 = arith.addi %min3A_409, %add3A_800 : i32
        %slice3A_802 = vector.extract_strided_slice %get3A_412 {offsets = [15], sizes = [1], strides = [1]} : vector<16xi32> to vector<1xi32>
        %squeeze3A_803 = vector.extract %slice3A_802[0] : i32 from vector<1xi32>
        %mul3A_804 = arith.constant 32 : i32
        %mul3A_805 = arith.muli %squeeze3A_803, %mul3A_804 : i32
        %get3A_806 = arith.index_cast %mul3A_805 : i32 to index
        %get3A_807 = tpu.vector_load %arg11[%get3A_806] {strides = array<i32>} : memref<2048xf32, #tpu.memory_space<vmem>>, vector<16xf32>,
        %swap3A_808 = arith.constant 1 : i32
        %swap3A_809 = arith.constant 0 : i32
        %swap3A_810 = arith.index_cast %swap3A_808 : i32 to index
        %swap3A_811 = arith.index_cast %swap3A_809 : i32 to index
        %swap3A_812 = arith.index_cast %add3A_801 : i32 to index
        %swap3A_813 = arith.constant 0 : index
        %swap3A_814 = tpu.vector_load %arg10[%swap3A_810, %swap3A_811, %swap3A_812, %swap3A_813] {strides = array<i32>} : memref<2x2x200x32xf32, #tpu.memory_space<vmem>>, vector<16xf32>,
        tpu.vector_store %arg10[%swap3A_810, %swap3A_811, %swap3A_812, %swap3A_813], %get3A_807 {strides = array<i32>} : memref<2x2x200x32xf32, #tpu.memory_space<vmem>>, vector<16xf32>,
        %add3A_815 = arith.constant 16 : i32
        %add3A_816 = arith.addi %mul3A_805, %add3A_815 : i32
        %get3A_817 = arith.index_cast %add3A_816 : i32 to index
        %get3A_818 = tpu.vector_load %arg11[%get3A_817] {strides = array<i32>} : memref<2048xf32, #tpu.memory_space<vmem>>, vector<16xf32>,
        %swap3A_819 = arith.constant 1 : i32
        %swap3A_820 = arith.constant 0 : i32
        %swap3A_821 = arith.index_cast %swap3A_819 : i32 to index
        %swap3A_822 = arith.index_cast %swap3A_820 : i32 to index
        %swap3A_823 = arith.index_cast %add3A_801 : i32 to index
        %swap3A_824 = arith.constant 16 : index
        %swap3A_825 = tpu.vector_load %arg10[%swap3A_821, %swap3A_822, %swap3A_823, %swap3A_824] {strides = array<i32>} : memref<2x2x200x32xf32, #tpu.memory_space<vmem>>, vector<16xf32>,
        tpu.vector_store %arg10[%swap3A_821, %swap3A_822, %swap3A_823, %swap3A_824], %get3A_818 {strides = array<i32>} : memref<2x2x200x32xf32, #tpu.memory_space<vmem>>, vector<16xf32>,
      }
      %scan3A_153 = arith.constant 13 : i32
      %scan3A_154 = arith.constant 0 : i32
      %scan3A_155 = arith.constant 0 : i32
      %scan3A_156 = arith.constant 13 : i32
      %scan3A_157 = arith.addi %scan3A_155, %scan3A_156 : i32
      %scan3A_158 = arith.constant 1 : i32
      scf.for %scan3A_406 = %scan3A_155 to %scan3A_157 step %scan3A_158  : i32 {
        %mul3A_407 = arith.constant 16 : i32
        %mul3A_408 = arith.muli %scan3A_406, %mul3A_407 : i32
        %min3A = arith.constant 184 : i32
        %min3A_409 = arith.minsi %mul3A_408, %min3A : i32
        %get3A = arith.constant 3 : i32
        %get3A_410 = arith.index_cast %get3A : i32 to index
        %get3A_411 = arith.index_cast %min3A_409 : i32 to index
        %get3A_412 = tpu.vector_load %arg8[%get3A_410, %get3A_411] {strides = array<i32>} : memref<4x200xi32, #tpu.memory_space<vmem>>, vector<16xi32>,
        %add3A_413 = arith.constant 0 : i32
        %add3A_414 = arith.addi %min3A_409, %add3A_413 : i32
        %slice3A = vector.extract_strided_slice %get3A_412 {offsets = [0], sizes = [1], strides = [1]} : vector<16xi32> to vector<1xi32>
        %squeeze3A = vector.extract %slice3A[0] : i32 from vector<1xi32>
        %mul3A_415 = arith.constant 32 : i32
        %mul3A_416 = arith.muli %squeeze3A, %mul3A_415 : i32
        %get3A_417 = arith.index_cast %mul3A_416 : i32 to index
        %get3A_418 = tpu.vector_load %arg11[%get3A_417] {strides = array<i32>} : memref<2048xf32, #tpu.memory_space<vmem>>, vector<16xf32>,
        %swap3A = arith.constant 1 : i32
        %swap3A_419 = arith.constant 1 : i32
        %swap3A_420 = arith.index_cast %swap3A : i32 to index
        %swap3A_421 = arith.index_cast %swap3A_419 : i32 to index
        %swap3A_422 = arith.index_cast %add3A_414 : i32 to index
        %swap3A_423 = arith.constant 0 : index
        %swap3A_424 = tpu.vector_load %arg10[%swap3A_420, %swap3A_421, %swap3A_422, %swap3A_423] {strides = array<i32>} : memref<2x2x200x32xf32, #tpu.memory_space<vmem>>, vector<16xf32>,
        tpu.vector_store %arg10[%swap3A_420, %swap3A_421, %swap3A_422, %swap3A_423], %get3A_418 {strides = array<i32>} : memref<2x2x200x32xf32, #tpu.memory_space<vmem>>, vector<16xf32>,
        %add3A_425 = arith.constant 16 : i32
        %add3A_426 = arith.addi %mul3A_416, %add3A_425 : i32
        %get3A_427 = arith.index_cast %add3A_426 : i32 to index
        %get3A_428 = tpu.vector_load %arg11[%get3A_427] {strides = array<i32>} : memref<2048xf32, #tpu.memory_space<vmem>>, vector<16xf32>,
        %swap3A_429 = arith.constant 1 : i32
        %swap3A_430 = arith.constant 1 : i32
        %swap3A_431 = arith.index_cast %swap3A_429 : i32 to index
        %swap3A_432 = arith.index_cast %swap3A_430 : i32 to index
        %swap3A_433 = arith.index_cast %add3A_414 : i32 to index
        %swap3A_434 = arith.constant 16 : index
        %swap3A_435 = tpu.vector_load %arg10[%swap3A_431, %swap3A_432, %swap3A_433, %swap3A_434] {strides = array<i32>} : memref<2x2x200x32xf32, #tpu.memory_space<vmem>>, vector<16xf32>,
        tpu.vector_store %arg10[%swap3A_431, %swap3A_432, %swap3A_433, %swap3A_434], %get3A_428 {strides = array<i32>} : memref<2x2x200x32xf32, #tpu.memory_space<vmem>>, vector<16xf32>,
        %add3A_436 = arith.constant 1 : i32
        %add3A_437 = arith.addi %min3A_409, %add3A_436 : i32
        %slice3A_438 = vector.extract_strided_slice %get3A_412 {offsets = [1], sizes = [1], strides = [1]} : vector<16xi32> to vector<1xi32>
        %squeeze3A_439 = vector.extract %slice3A_438[0] : i32 from vector<1xi32>
        %mul3A_440 = arith.constant 32 : i32
        %mul3A_441 = arith.muli %squeeze3A_439, %mul3A_440 : i32
        %get3A_442 = arith.index_cast %mul3A_441 : i32 to index
        %get3A_443 = tpu.vector_load %arg11[%get3A_442] {strides = array<i32>} : memref<2048xf32, #tpu.memory_space<vmem>>, vector<16xf32>,
        %swap3A_444 = arith.constant 1 : i32
        %swap3A_445 = arith.constant 1 : i32
        %swap3A_446 = arith.index_cast %swap3A_444 : i32 to index
        %swap3A_447 = arith.index_cast %swap3A_445 : i32 to index
        %swap3A_448 = arith.index_cast %add3A_437 : i32 to index
        %swap3A_449 = arith.constant 0 : index
        %swap3A_450 = tpu.vector_load %arg10[%swap3A_446, %swap3A_447, %swap3A_448, %swap3A_449] {strides = array<i32>} : memref<2x2x200x32xf32, #tpu.memory_space<vmem>>, vector<16xf32>,
        tpu.vector_store %arg10[%swap3A_446, %swap3A_447, %swap3A_448, %swap3A_449], %get3A_443 {strides = array<i32>} : memref<2x2x200x32xf32, #tpu.memory_space<vmem>>, vector<16xf32>,
        %add3A_451 = arith.constant 16 : i32
        %add3A_452 = arith.addi %mul3A_441, %add3A_451 : i32
        %get3A_453 = arith.index_cast %add3A_452 : i32 to index
        %get3A_454 = tpu.vector_load %arg11[%get3A_453] {strides = array<i32>} : memref<2048xf32, #tpu.memory_space<vmem>>, vector<16xf32>,
        %swap3A_455 = arith.constant 1 : i32
        %swap3A_456 = arith.constant 1 : i32
        %swap3A_457 = arith.index_cast %swap3A_455 : i32 to index
        %swap3A_458 = arith.index_cast %swap3A_456 : i32 to index
        %swap3A_459 = arith.index_cast %add3A_437 : i32 to index
        %swap3A_460 = arith.constant 16 : index
        %swap3A_461 = tpu.vector_load %arg10[%swap3A_457, %swap3A_458, %swap3A_459, %swap3A_460] {strides = array<i32>} : memref<2x2x200x32xf32, #tpu.memory_space<vmem>>, vector<16xf32>,
        tpu.vector_store %arg10[%swap3A_457, %swap3A_458, %swap3A_459, %swap3A_460], %get3A_454 {strides = array<i32>} : memref<2x2x200x32xf32, #tpu.memory_space<vmem>>, vector<16xf32>,
        %add3A_462 = arith.constant 2 : i32
        %add3A_463 = arith.addi %min3A_409, %add3A_462 : i32
        %slice3A_464 = vector.extract_strided_slice %get3A_412 {offsets = [2], sizes = [1], strides = [1]} : vector<16xi32> to vector<1xi32>
        %squeeze3A_465 = vector.extract %slice3A_464[0] : i32 from vector<1xi32>
        %mul3A_466 = arith.constant 32 : i32
        %mul3A_467 = arith.muli %squeeze3A_465, %mul3A_466 : i32
        %get3A_468 = arith.index_cast %mul3A_467 : i32 to index
        %get3A_469 = tpu.vector_load %arg11[%get3A_468] {strides = array<i32>} : memref<2048xf32, #tpu.memory_space<vmem>>, vector<16xf32>,
        %swap3A_470 = arith.constant 1 : i32
        %swap3A_471 = arith.constant 1 : i32
        %swap3A_472 = arith.index_cast %swap3A_470 : i32 to index
        %swap3A_473 = arith.index_cast %swap3A_471 : i32 to index
        %swap3A_474 = arith.index_cast %add3A_463 : i32 to index
        %swap3A_475 = arith.constant 0 : index
        %swap3A_476 = tpu.vector_load %arg10[%swap3A_472, %swap3A_473, %swap3A_474, %swap3A_475] {strides = array<i32>} : memref<2x2x200x32xf32, #tpu.memory_space<vmem>>, vector<16xf32>,
        tpu.vector_store %arg10[%swap3A_472, %swap3A_473, %swap3A_474, %swap3A_475], %get3A_469 {strides = array<i32>} : memref<2x2x200x32xf32, #tpu.memory_space<vmem>>, vector<16xf32>,
        %add3A_477 = arith.constant 16 : i32
        %add3A_478 = arith.addi %mul3A_467, %add3A_477 : i32
        %get3A_479 = arith.index_cast %add3A_478 : i32 to index
        %get3A_480 = tpu.vector_load %arg11[%get3A_479] {strides = array<i32>} : memref<2048xf32, #tpu.memory_space<vmem>>, vector<16xf32>,
        %swap3A_481 = arith.constant 1 : i32
        %swap3A_482 = arith.constant 1 : i32
        %swap3A_483 = arith.index_cast %swap3A_481 : i32 to index
        %swap3A_484 = arith.index_cast %swap3A_482 : i32 to index
        %swap3A_485 = arith.index_cast %add3A_463 : i32 to index
        %swap3A_486 = arith.constant 16 : index
        %swap3A_487 = tpu.vector_load %arg10[%swap3A_483, %swap3A_484, %swap3A_485, %swap3A_486] {strides = array<i32>} : memref<2x2x200x32xf32, #tpu.memory_space<vmem>>, vector<16xf32>,
        tpu.vector_store %arg10[%swap3A_483, %swap3A_484, %swap3A_485, %swap3A_486], %get3A_480 {strides = array<i32>} : memref<2x2x200x32xf32, #tpu.memory_space<vmem>>, vector<16xf32>,
        %add3A_488 = arith.constant 3 : i32
        %add3A_489 = arith.addi %min3A_409, %add3A_488 : i32
        %slice3A_490 = vector.extract_strided_slice %get3A_412 {offsets = [3], sizes = [1], strides = [1]} : vector<16xi32> to vector<1xi32>
        %squeeze3A_491 = vector.extract %slice3A_490[0] : i32 from vector<1xi32>
        %mul3A_492 = arith.constant 32 : i32
        %mul3A_493 = arith.muli %squeeze3A_491, %mul3A_492 : i32
        %get3A_494 = arith.index_cast %mul3A_493 : i32 to index
        %get3A_495 = tpu.vector_load %arg11[%get3A_494] {strides = array<i32>} : memref<2048xf32, #tpu.memory_space<vmem>>, vector<16xf32>,
        %swap3A_496 = arith.constant 1 : i32
        %swap3A_497 = arith.constant 1 : i32
        %swap3A_498 = arith.index_cast %swap3A_496 : i32 to index
        %swap3A_499 = arith.index_cast %swap3A_497 : i32 to index
        %swap3A_500 = arith.index_cast %add3A_489 : i32 to index
        %swap3A_501 = arith.constant 0 : index
        %swap3A_502 = tpu.vector_load %arg10[%swap3A_498, %swap3A_499, %swap3A_500, %swap3A_501] {strides = array<i32>} : memref<2x2x200x32xf32, #tpu.memory_space<vmem>>, vector<16xf32>,
        tpu.vector_store %arg10[%swap3A_498, %swap3A_499, %swap3A_500, %swap3A_501], %get3A_495 {strides = array<i32>} : memref<2x2x200x32xf32, #tpu.memory_space<vmem>>, vector<16xf32>,
        %add3A_503 = arith.constant 16 : i32
        %add3A_504 = arith.addi %mul3A_493, %add3A_503 : i32
        %get3A_505 = arith.index_cast %add3A_504 : i32 to index
        %get3A_506 = tpu.vector_load %arg11[%get3A_505] {strides = array<i32>} : memref<2048xf32, #tpu.memory_space<vmem>>, vector<16xf32>,
        %swap3A_507 = arith.constant 1 : i32
        %swap3A_508 = arith.constant 1 : i32
        %swap3A_509 = arith.index_cast %swap3A_507 : i32 to index
        %swap3A_510 = arith.index_cast %swap3A_508 : i32 to index
        %swap3A_511 = arith.index_cast %add3A_489 : i32 to index
        %swap3A_512 = arith.constant 16 : index
        %swap3A_513 = tpu.vector_load %arg10[%swap3A_509, %swap3A_510, %swap3A_511, %swap3A_512] {strides = array<i32>} : memref<2x2x200x32xf32, #tpu.memory_space<vmem>>, vector<16xf32>,
        tpu.vector_store %arg10[%swap3A_509, %swap3A_510, %swap3A_511, %swap3A_512], %get3A_506 {strides = array<i32>} : memref<2x2x200x32xf32, #tpu.memory_space<vmem>>, vector<16xf32>,
        %add3A_514 = arith.constant 4 : i32
        %add3A_515 = arith.addi %min3A_409, %add3A_514 : i32
        %slice3A_516 = vector.extract_strided_slice %get3A_412 {offsets = [4], sizes = [1], strides = [1]} : vector<16xi32> to vector<1xi32>
        %squeeze3A_517 = vector.extract %slice3A_516[0] : i32 from vector<1xi32>
        %mul3A_518 = arith.constant 32 : i32
        %mul3A_519 = arith.muli %squeeze3A_517, %mul3A_518 : i32
        %get3A_520 = arith.index_cast %mul3A_519 : i32 to index
        %get3A_521 = tpu.vector_load %arg11[%get3A_520] {strides = array<i32>} : memref<2048xf32, #tpu.memory_space<vmem>>, vector<16xf32>,
        %swap3A_522 = arith.constant 1 : i32
        %swap3A_523 = arith.constant 1 : i32
        %swap3A_524 = arith.index_cast %swap3A_522 : i32 to index
        %swap3A_525 = arith.index_cast %swap3A_523 : i32 to index
        %swap3A_526 = arith.index_cast %add3A_515 : i32 to index
        %swap3A_527 = arith.constant 0 : index
        %swap3A_528 = tpu.vector_load %arg10[%swap3A_524, %swap3A_525, %swap3A_526, %swap3A_527] {strides = array<i32>} : memref<2x2x200x32xf32, #tpu.memory_space<vmem>>, vector<16xf32>,
        tpu.vector_store %arg10[%swap3A_524, %swap3A_525, %swap3A_526, %swap3A_527], %get3A_521 {strides = array<i32>} : memref<2x2x200x32xf32, #tpu.memory_space<vmem>>, vector<16xf32>,
        %add3A_529 = arith.constant 16 : i32
        %add3A_530 = arith.addi %mul3A_519, %add3A_529 : i32
        %get3A_531 = arith.index_cast %add3A_530 : i32 to index
        %get3A_532 = tpu.vector_load %arg11[%get3A_531] {strides = array<i32>} : memref<2048xf32, #tpu.memory_space<vmem>>, vector<16xf32>,
        %swap3A_533 = arith.constant 1 : i32
        %swap3A_534 = arith.constant 1 : i32
        %swap3A_535 = arith.index_cast %swap3A_533 : i32 to index
        %swap3A_536 = arith.index_cast %swap3A_534 : i32 to index
        %swap3A_537 = arith.index_cast %add3A_515 : i32 to index
        %swap3A_538 = arith.constant 16 : index
        %swap3A_539 = tpu.vector_load %arg10[%swap3A_535, %swap3A_536, %swap3A_537, %swap3A_538] {strides = array<i32>} : memref<2x2x200x32xf32, #tpu.memory_space<vmem>>, vector<16xf32>,
        tpu.vector_store %arg10[%swap3A_535, %swap3A_536, %swap3A_537, %swap3A_538], %get3A_532 {strides = array<i32>} : memref<2x2x200x32xf32, #tpu.memory_space<vmem>>, vector<16xf32>,
        %add3A_540 = arith.constant 5 : i32
        %add3A_541 = arith.addi %min3A_409, %add3A_540 : i32
        %slice3A_542 = vector.extract_strided_slice %get3A_412 {offsets = [5], sizes = [1], strides = [1]} : vector<16xi32> to vector<1xi32>
        %squeeze3A_543 = vector.extract %slice3A_542[0] : i32 from vector<1xi32>
        %mul3A_544 = arith.constant 32 : i32
        %mul3A_545 = arith.muli %squeeze3A_543, %mul3A_544 : i32
        %get3A_546 = arith.index_cast %mul3A_545 : i32 to index
        %get3A_547 = tpu.vector_load %arg11[%get3A_546] {strides = array<i32>} : memref<2048xf32, #tpu.memory_space<vmem>>, vector<16xf32>,
        %swap3A_548 = arith.constant 1 : i32
        %swap3A_549 = arith.constant 1 : i32
        %swap3A_550 = arith.index_cast %swap3A_548 : i32 to index
        %swap3A_551 = arith.index_cast %swap3A_549 : i32 to index
        %swap3A_552 = arith.index_cast %add3A_541 : i32 to index
        %swap3A_553 = arith.constant 0 : index
        %swap3A_554 = tpu.vector_load %arg10[%swap3A_550, %swap3A_551, %swap3A_552, %swap3A_553] {strides = array<i32>} : memref<2x2x200x32xf32, #tpu.memory_space<vmem>>, vector<16xf32>,
        tpu.vector_store %arg10[%swap3A_550, %swap3A_551, %swap3A_552, %swap3A_553], %get3A_547 {strides = array<i32>} : memref<2x2x200x32xf32, #tpu.memory_space<vmem>>, vector<16xf32>,
        %add3A_555 = arith.constant 16 : i32
        %add3A_556 = arith.addi %mul3A_545, %add3A_555 : i32
        %get3A_557 = arith.index_cast %add3A_556 : i32 to index
        %get3A_558 = tpu.vector_load %arg11[%get3A_557] {strides = array<i32>} : memref<2048xf32, #tpu.memory_space<vmem>>, vector<16xf32>,
        %swap3A_559 = arith.constant 1 : i32
        %swap3A_560 = arith.constant 1 : i32
        %swap3A_561 = arith.index_cast %swap3A_559 : i32 to index
        %swap3A_562 = arith.index_cast %swap3A_560 : i32 to index
        %swap3A_563 = arith.index_cast %add3A_541 : i32 to index
        %swap3A_564 = arith.constant 16 : index
        %swap3A_565 = tpu.vector_load %arg10[%swap3A_561, %swap3A_562, %swap3A_563, %swap3A_564] {strides = array<i32>} : memref<2x2x200x32xf32, #tpu.memory_space<vmem>>, vector<16xf32>,
        tpu.vector_store %arg10[%swap3A_561, %swap3A_562, %swap3A_563, %swap3A_564], %get3A_558 {strides = array<i32>} : memref<2x2x200x32xf32, #tpu.memory_space<vmem>>, vector<16xf32>,
        %add3A_566 = arith.constant 6 : i32
        %add3A_567 = arith.addi %min3A_409, %add3A_566 : i32
        %slice3A_568 = vector.extract_strided_slice %get3A_412 {offsets = [6], sizes = [1], strides = [1]} : vector<16xi32> to vector<1xi32>
        %squeeze3A_569 = vector.extract %slice3A_568[0] : i32 from vector<1xi32>
        %mul3A_570 = arith.constant 32 : i32
        %mul3A_571 = arith.muli %squeeze3A_569, %mul3A_570 : i32
        %get3A_572 = arith.index_cast %mul3A_571 : i32 to index
        %get3A_573 = tpu.vector_load %arg11[%get3A_572] {strides = array<i32>} : memref<2048xf32, #tpu.memory_space<vmem>>, vector<16xf32>,
        %swap3A_574 = arith.constant 1 : i32
        %swap3A_575 = arith.constant 1 : i32
        %swap3A_576 = arith.index_cast %swap3A_574 : i32 to index
        %swap3A_577 = arith.index_cast %swap3A_575 : i32 to index
        %swap3A_578 = arith.index_cast %add3A_567 : i32 to index
        %swap3A_579 = arith.constant 0 : index
        %swap3A_580 = tpu.vector_load %arg10[%swap3A_576, %swap3A_577, %swap3A_578, %swap3A_579] {strides = array<i32>} : memref<2x2x200x32xf32, #tpu.memory_space<vmem>>, vector<16xf32>,
        tpu.vector_store %arg10[%swap3A_576, %swap3A_577, %swap3A_578, %swap3A_579], %get3A_573 {strides = array<i32>} : memref<2x2x200x32xf32, #tpu.memory_space<vmem>>, vector<16xf32>,
        %add3A_581 = arith.constant 16 : i32
        %add3A_582 = arith.addi %mul3A_571, %add3A_581 : i32
        %get3A_583 = arith.index_cast %add3A_582 : i32 to index
        %get3A_584 = tpu.vector_load %arg11[%get3A_583] {strides = array<i32>} : memref<2048xf32, #tpu.memory_space<vmem>>, vector<16xf32>,
        %swap3A_585 = arith.constant 1 : i32
        %swap3A_586 = arith.constant 1 : i32
        %swap3A_587 = arith.index_cast %swap3A_585 : i32 to index
        %swap3A_588 = arith.index_cast %swap3A_586 : i32 to index
        %swap3A_589 = arith.index_cast %add3A_567 : i32 to index
        %swap3A_590 = arith.constant 16 : index
        %swap3A_591 = tpu.vector_load %arg10[%swap3A_587, %swap3A_588, %swap3A_589, %swap3A_590] {strides = array<i32>} : memref<2x2x200x32xf32, #tpu.memory_space<vmem>>, vector<16xf32>,
        tpu.vector_store %arg10[%swap3A_587, %swap3A_588, %swap3A_589, %swap3A_590], %get3A_584 {strides = array<i32>} : memref<2x2x200x32xf32, #tpu.memory_space<vmem>>, vector<16xf32>,
        %add3A_592 = arith.constant 7 : i32
        %add3A_593 = arith.addi %min3A_409, %add3A_592 : i32
        %slice3A_594 = vector.extract_strided_slice %get3A_412 {offsets = [7], sizes = [1], strides = [1]} : vector<16xi32> to vector<1xi32>
        %squeeze3A_595 = vector.extract %slice3A_594[0] : i32 from vector<1xi32>
        %mul3A_596 = arith.constant 32 : i32
        %mul3A_597 = arith.muli %squeeze3A_595, %mul3A_596 : i32
        %get3A_598 = arith.index_cast %mul3A_597 : i32 to index
        %get3A_599 = tpu.vector_load %arg11[%get3A_598] {strides = array<i32>} : memref<2048xf32, #tpu.memory_space<vmem>>, vector<16xf32>,
        %swap3A_600 = arith.constant 1 : i32
        %swap3A_601 = arith.constant 1 : i32
        %swap3A_602 = arith.index_cast %swap3A_600 : i32 to index
        %swap3A_603 = arith.index_cast %swap3A_601 : i32 to index
        %swap3A_604 = arith.index_cast %add3A_593 : i32 to index
        %swap3A_605 = arith.constant 0 : index
        %swap3A_606 = tpu.vector_load %arg10[%swap3A_602, %swap3A_603, %swap3A_604, %swap3A_605] {strides = array<i32>} : memref<2x2x200x32xf32, #tpu.memory_space<vmem>>, vector<16xf32>,
        tpu.vector_store %arg10[%swap3A_602, %swap3A_603, %swap3A_604, %swap3A_605], %get3A_599 {strides = array<i32>} : memref<2x2x200x32xf32, #tpu.memory_space<vmem>>, vector<16xf32>,
        %add3A_607 = arith.constant 16 : i32
        %add3A_608 = arith.addi %mul3A_597, %add3A_607 : i32
        %get3A_609 = arith.index_cast %add3A_608 : i32 to index
        %get3A_610 = tpu.vector_load %arg11[%get3A_609] {strides = array<i32>} : memref<2048xf32, #tpu.memory_space<vmem>>, vector<16xf32>,
        %swap3A_611 = arith.constant 1 : i32
        %swap3A_612 = arith.constant 1 : i32
        %swap3A_613 = arith.index_cast %swap3A_611 : i32 to index
        %swap3A_614 = arith.index_cast %swap3A_612 : i32 to index
        %swap3A_615 = arith.index_cast %add3A_593 : i32 to index
        %swap3A_616 = arith.constant 16 : index
        %swap3A_617 = tpu.vector_load %arg10[%swap3A_613, %swap3A_614, %swap3A_615, %swap3A_616] {strides = array<i32>} : memref<2x2x200x32xf32, #tpu.memory_space<vmem>>, vector<16xf32>,
        tpu.vector_store %arg10[%swap3A_613, %swap3A_614, %swap3A_615, %swap3A_616], %get3A_610 {strides = array<i32>} : memref<2x2x200x32xf32, #tpu.memory_space<vmem>>, vector<16xf32>,
        %add3A_618 = arith.constant 8 : i32
        %add3A_619 = arith.addi %min3A_409, %add3A_618 : i32
        %slice3A_620 = vector.extract_strided_slice %get3A_412 {offsets = [8], sizes = [1], strides = [1]} : vector<16xi32> to vector<1xi32>
        %squeeze3A_621 = vector.extract %slice3A_620[0] : i32 from vector<1xi32>
        %mul3A_622 = arith.constant 32 : i32
        %mul3A_623 = arith.muli %squeeze3A_621, %mul3A_622 : i32
        %get3A_624 = arith.index_cast %mul3A_623 : i32 to index
        %get3A_625 = tpu.vector_load %arg11[%get3A_624] {strides = array<i32>} : memref<2048xf32, #tpu.memory_space<vmem>>, vector<16xf32>,
        %swap3A_626 = arith.constant 1 : i32
        %swap3A_627 = arith.constant 1 : i32
        %swap3A_628 = arith.index_cast %swap3A_626 : i32 to index
        %swap3A_629 = arith.index_cast %swap3A_627 : i32 to index
        %swap3A_630 = arith.index_cast %add3A_619 : i32 to index
        %swap3A_631 = arith.constant 0 : index
        %swap3A_632 = tpu.vector_load %arg10[%swap3A_628, %swap3A_629, %swap3A_630, %swap3A_631] {strides = array<i32>} : memref<2x2x200x32xf32, #tpu.memory_space<vmem>>, vector<16xf32>,
        tpu.vector_store %arg10[%swap3A_628, %swap3A_629, %swap3A_630, %swap3A_631], %get3A_625 {strides = array<i32>} : memref<2x2x200x32xf32, #tpu.memory_space<vmem>>, vector<16xf32>,
        %add3A_633 = arith.constant 16 : i32
        %add3A_634 = arith.addi %mul3A_623, %add3A_633 : i32
        %get3A_635 = arith.index_cast %add3A_634 : i32 to index
        %get3A_636 = tpu.vector_load %arg11[%get3A_635] {strides = array<i32>} : memref<2048xf32, #tpu.memory_space<vmem>>, vector<16xf32>,
        %swap3A_637 = arith.constant 1 : i32
        %swap3A_638 = arith.constant 1 : i32
        %swap3A_639 = arith.index_cast %swap3A_637 : i32 to index
        %swap3A_640 = arith.index_cast %swap3A_638 : i32 to index
        %swap3A_641 = arith.index_cast %add3A_619 : i32 to index
        %swap3A_642 = arith.constant 16 : index
        %swap3A_643 = tpu.vector_load %arg10[%swap3A_639, %swap3A_640, %swap3A_641, %swap3A_642] {strides = array<i32>} : memref<2x2x200x32xf32, #tpu.memory_space<vmem>>, vector<16xf32>,
        tpu.vector_store %arg10[%swap3A_639, %swap3A_640, %swap3A_641, %swap3A_642], %get3A_636 {strides = array<i32>} : memref<2x2x200x32xf32, #tpu.memory_space<vmem>>, vector<16xf32>,
        %add3A_644 = arith.constant 9 : i32
        %add3A_645 = arith.addi %min3A_409, %add3A_644 : i32
        %slice3A_646 = vector.extract_strided_slice %get3A_412 {offsets = [9], sizes = [1], strides = [1]} : vector<16xi32> to vector<1xi32>
        %squeeze3A_647 = vector.extract %slice3A_646[0] : i32 from vector<1xi32>
        %mul3A_648 = arith.constant 32 : i32
        %mul3A_649 = arith.muli %squeeze3A_647, %mul3A_648 : i32
        %get3A_650 = arith.index_cast %mul3A_649 : i32 to index
        %get3A_651 = tpu.vector_load %arg11[%get3A_650] {strides = array<i32>} : memref<2048xf32, #tpu.memory_space<vmem>>, vector<16xf32>,
        %swap3A_652 = arith.constant 1 : i32
        %swap3A_653 = arith.constant 1 : i32
        %swap3A_654 = arith.index_cast %swap3A_652 : i32 to index
        %swap3A_655 = arith.index_cast %swap3A_653 : i32 to index
        %swap3A_656 = arith.index_cast %add3A_645 : i32 to index
        %swap3A_657 = arith.constant 0 : index
        %swap3A_658 = tpu.vector_load %arg10[%swap3A_654, %swap3A_655, %swap3A_656, %swap3A_657] {strides = array<i32>} : memref<2x2x200x32xf32, #tpu.memory_space<vmem>>, vector<16xf32>,
        tpu.vector_store %arg10[%swap3A_654, %swap3A_655, %swap3A_656, %swap3A_657], %get3A_651 {strides = array<i32>} : memref<2x2x200x32xf32, #tpu.memory_space<vmem>>, vector<16xf32>,
        %add3A_659 = arith.constant 16 : i32
        %add3A_660 = arith.addi %mul3A_649, %add3A_659 : i32
        %get3A_661 = arith.index_cast %add3A_660 : i32 to index
        %get3A_662 = tpu.vector_load %arg11[%get3A_661] {strides = array<i32>} : memref<2048xf32, #tpu.memory_space<vmem>>, vector<16xf32>,
        %swap3A_663 = arith.constant 1 : i32
        %swap3A_664 = arith.constant 1 : i32
        %swap3A_665 = arith.index_cast %swap3A_663 : i32 to index
        %swap3A_666 = arith.index_cast %swap3A_664 : i32 to index
        %swap3A_667 = arith.index_cast %add3A_645 : i32 to index
        %swap3A_668 = arith.constant 16 : index
        %swap3A_669 = tpu.vector_load %arg10[%swap3A_665, %swap3A_666, %swap3A_667, %swap3A_668] {strides = array<i32>} : memref<2x2x200x32xf32, #tpu.memory_space<vmem>>, vector<16xf32>,
        tpu.vector_store %arg10[%swap3A_665, %swap3A_666, %swap3A_667, %swap3A_668], %get3A_662 {strides = array<i32>} : memref<2x2x200x32xf32, #tpu.memory_space<vmem>>, vector<16xf32>,
        %add3A_670 = arith.constant 10 : i32
        %add3A_671 = arith.addi %min3A_409, %add3A_670 : i32
        %slice3A_672 = vector.extract_strided_slice %get3A_412 {offsets = [10], sizes = [1], strides = [1]} : vector<16xi32> to vector<1xi32>
        %squeeze3A_673 = vector.extract %slice3A_672[0] : i32 from vector<1xi32>
        %mul3A_674 = arith.constant 32 : i32
        %mul3A_675 = arith.muli %squeeze3A_673, %mul3A_674 : i32
        %get3A_676 = arith.index_cast %mul3A_675 : i32 to index
        %get3A_677 = tpu.vector_load %arg11[%get3A_676] {strides = array<i32>} : memref<2048xf32, #tpu.memory_space<vmem>>, vector<16xf32>,
        %swap3A_678 = arith.constant 1 : i32
        %swap3A_679 = arith.constant 1 : i32
        %swap3A_680 = arith.index_cast %swap3A_678 : i32 to index
        %swap3A_681 = arith.index_cast %swap3A_679 : i32 to index
        %swap3A_682 = arith.index_cast %add3A_671 : i32 to index
        %swap3A_683 = arith.constant 0 : index
        %swap3A_684 = tpu.vector_load %arg10[%swap3A_680, %swap3A_681, %swap3A_682, %swap3A_683] {strides = array<i32>} : memref<2x2x200x32xf32, #tpu.memory_space<vmem>>, vector<16xf32>,
        tpu.vector_store %arg10[%swap3A_680, %swap3A_681, %swap3A_682, %swap3A_683], %get3A_677 {strides = array<i32>} : memref<2x2x200x32xf32, #tpu.memory_space<vmem>>, vector<16xf32>,
        %add3A_685 = arith.constant 16 : i32
        %add3A_686 = arith.addi %mul3A_675, %add3A_685 : i32
        %get3A_687 = arith.index_cast %add3A_686 : i32 to index
        %get3A_688 = tpu.vector_load %arg11[%get3A_687] {strides = array<i32>} : memref<2048xf32, #tpu.memory_space<vmem>>, vector<16xf32>,
        %swap3A_689 = arith.constant 1 : i32
        %swap3A_690 = arith.constant 1 : i32
        %swap3A_691 = arith.index_cast %swap3A_689 : i32 to index
        %swap3A_692 = arith.index_cast %swap3A_690 : i32 to index
        %swap3A_693 = arith.index_cast %add3A_671 : i32 to index
        %swap3A_694 = arith.constant 16 : index
        %swap3A_695 = tpu.vector_load %arg10[%swap3A_691, %swap3A_692, %swap3A_693, %swap3A_694] {strides = array<i32>} : memref<2x2x200x32xf32, #tpu.memory_space<vmem>>, vector<16xf32>,
        tpu.vector_store %arg10[%swap3A_691, %swap3A_692, %swap3A_693, %swap3A_694], %get3A_688 {strides = array<i32>} : memref<2x2x200x32xf32, #tpu.memory_space<vmem>>, vector<16xf32>,
        %add3A_696 = arith.constant 11 : i32
        %add3A_697 = arith.addi %min3A_409, %add3A_696 : i32
        %slice3A_698 = vector.extract_strided_slice %get3A_412 {offsets = [11], sizes = [1], strides = [1]} : vector<16xi32> to vector<1xi32>
        %squeeze3A_699 = vector.extract %slice3A_698[0] : i32 from vector<1xi32>
        %mul3A_700 = arith.constant 32 : i32
        %mul3A_701 = arith.muli %squeeze3A_699, %mul3A_700 : i32
        %get3A_702 = arith.index_cast %mul3A_701 : i32 to index
        %get3A_703 = tpu.vector_load %arg11[%get3A_702] {strides = array<i32>} : memref<2048xf32, #tpu.memory_space<vmem>>, vector<16xf32>,
        %swap3A_704 = arith.constant 1 : i32
        %swap3A_705 = arith.constant 1 : i32
        %swap3A_706 = arith.index_cast %swap3A_704 : i32 to index
        %swap3A_707 = arith.index_cast %swap3A_705 : i32 to index
        %swap3A_708 = arith.index_cast %add3A_697 : i32 to index
        %swap3A_709 = arith.constant 0 : index
        %swap3A_710 = tpu.vector_load %arg10[%swap3A_706, %swap3A_707, %swap3A_708, %swap3A_709] {strides = array<i32>} : memref<2x2x200x32xf32, #tpu.memory_space<vmem>>, vector<16xf32>,
        tpu.vector_store %arg10[%swap3A_706, %swap3A_707, %swap3A_708, %swap3A_709], %get3A_703 {strides = array<i32>} : memref<2x2x200x32xf32, #tpu.memory_space<vmem>>, vector<16xf32>,
        %add3A_711 = arith.constant 16 : i32
        %add3A_712 = arith.addi %mul3A_701, %add3A_711 : i32
        %get3A_713 = arith.index_cast %add3A_712 : i32 to index
        %get3A_714 = tpu.vector_load %arg11[%get3A_713] {strides = array<i32>} : memref<2048xf32, #tpu.memory_space<vmem>>, vector<16xf32>,
        %swap3A_715 = arith.constant 1 : i32
        %swap3A_716 = arith.constant 1 : i32
        %swap3A_717 = arith.index_cast %swap3A_715 : i32 to index
        %swap3A_718 = arith.index_cast %swap3A_716 : i32 to index
        %swap3A_719 = arith.index_cast %add3A_697 : i32 to index
        %swap3A_720 = arith.constant 16 : index
        %swap3A_721 = tpu.vector_load %arg10[%swap3A_717, %swap3A_718, %swap3A_719, %swap3A_720] {strides = array<i32>} : memref<2x2x200x32xf32, #tpu.memory_space<vmem>>, vector<16xf32>,
        tpu.vector_store %arg10[%swap3A_717, %swap3A_718, %swap3A_719, %swap3A_720], %get3A_714 {strides = array<i32>} : memref<2x2x200x32xf32, #tpu.memory_space<vmem>>, vector<16xf32>,
        %add3A_722 = arith.constant 12 : i32
        %add3A_723 = arith.addi %min3A_409, %add3A_722 : i32
        %slice3A_724 = vector.extract_strided_slice %get3A_412 {offsets = [12], sizes = [1], strides = [1]} : vector<16xi32> to vector<1xi32>
        %squeeze3A_725 = vector.extract %slice3A_724[0] : i32 from vector<1xi32>
        %mul3A_726 = arith.constant 32 : i32
        %mul3A_727 = arith.muli %squeeze3A_725, %mul3A_726 : i32
        %get3A_728 = arith.index_cast %mul3A_727 : i32 to index
        %get3A_729 = tpu.vector_load %arg11[%get3A_728] {strides = array<i32>} : memref<2048xf32, #tpu.memory_space<vmem>>, vector<16xf32>,
        %swap3A_730 = arith.constant 1 : i32
        %swap3A_731 = arith.constant 1 : i32
        %swap3A_732 = arith.index_cast %swap3A_730 : i32 to index
        %swap3A_733 = arith.index_cast %swap3A_731 : i32 to index
        %swap3A_734 = arith.index_cast %add3A_723 : i32 to index
        %swap3A_735 = arith.constant 0 : index
        %swap3A_736 = tpu.vector_load %arg10[%swap3A_732, %swap3A_733, %swap3A_734, %swap3A_735] {strides = array<i32>} : memref<2x2x200x32xf32, #tpu.memory_space<vmem>>, vector<16xf32>,
        tpu.vector_store %arg10[%swap3A_732, %swap3A_733, %swap3A_734, %swap3A_735], %get3A_729 {strides = array<i32>} : memref<2x2x200x32xf32, #tpu.memory_space<vmem>>, vector<16xf32>,
        %add3A_737 = arith.constant 16 : i32
        %add3A_738 = arith.addi %mul3A_727, %add3A_737 : i32
        %get3A_739 = arith.index_cast %add3A_738 : i32 to index
        %get3A_740 = tpu.vector_load %arg11[%get3A_739] {strides = array<i32>} : memref<2048xf32, #tpu.memory_space<vmem>>, vector<16xf32>,
        %swap3A_741 = arith.constant 1 : i32
        %swap3A_742 = arith.constant 1 : i32
        %swap3A_743 = arith.index_cast %swap3A_741 : i32 to index
        %swap3A_744 = arith.index_cast %swap3A_742 : i32 to index
        %swap3A_745 = arith.index_cast %add3A_723 : i32 to index
        %swap3A_746 = arith.constant 16 : index
        %swap3A_747 = tpu.vector_load %arg10[%swap3A_743, %swap3A_744, %swap3A_745, %swap3A_746] {strides = array<i32>} : memref<2x2x200x32xf32, #tpu.memory_space<vmem>>, vector<16xf32>,
        tpu.vector_store %arg10[%swap3A_743, %swap3A_744, %swap3A_745, %swap3A_746], %get3A_740 {strides = array<i32>} : memref<2x2x200x32xf32, #tpu.memory_space<vmem>>, vector<16xf32>,
        %add3A_748 = arith.constant 13 : i32
        %add3A_749 = arith.addi %min3A_409, %add3A_748 : i32
        %slice3A_750 = vector.extract_strided_slice %get3A_412 {offsets = [13], sizes = [1], strides = [1]} : vector<16xi32> to vector<1xi32>
        %squeeze3A_751 = vector.extract %slice3A_750[0] : i32 from vector<1xi32>
        %mul3A_752 = arith.constant 32 : i32
        %mul3A_753 = arith.muli %squeeze3A_751, %mul3A_752 : i32
        %get3A_754 = arith.index_cast %mul3A_753 : i32 to index
        %get3A_755 = tpu.vector_load %arg11[%get3A_754] {strides = array<i32>} : memref<2048xf32, #tpu.memory_space<vmem>>, vector<16xf32>,
        %swap3A_756 = arith.constant 1 : i32
        %swap3A_757 = arith.constant 1 : i32
        %swap3A_758 = arith.index_cast %swap3A_756 : i32 to index
        %swap3A_759 = arith.index_cast %swap3A_757 : i32 to index
        %swap3A_760 = arith.index_cast %add3A_749 : i32 to index
        %swap3A_761 = arith.constant 0 : index
        %swap3A_762 = tpu.vector_load %arg10[%swap3A_758, %swap3A_759, %swap3A_760, %swap3A_761] {strides = array<i32>} : memref<2x2x200x32xf32, #tpu.memory_space<vmem>>, vector<16xf32>,
        tpu.vector_store %arg10[%swap3A_758, %swap3A_759, %swap3A_760, %swap3A_761], %get3A_755 {strides = array<i32>} : memref<2x2x200x32xf32, #tpu.memory_space<vmem>>, vector<16xf32>,
        %add3A_763 = arith.constant 16 : i32
        %add3A_764 = arith.addi %mul3A_753, %add3A_763 : i32
        %get3A_765 = arith.index_cast %add3A_764 : i32 to index
        %get3A_766 = tpu.vector_load %arg11[%get3A_765] {strides = array<i32>} : memref<2048xf32, #tpu.memory_space<vmem>>, vector<16xf32>,
        %swap3A_767 = arith.constant 1 : i32
        %swap3A_768 = arith.constant 1 : i32
        %swap3A_769 = arith.index_cast %swap3A_767 : i32 to index
        %swap3A_770 = arith.index_cast %swap3A_768 : i32 to index
        %swap3A_771 = arith.index_cast %add3A_749 : i32 to index
        %swap3A_772 = arith.constant 16 : index
        %swap3A_773 = tpu.vector_load %arg10[%swap3A_769, %swap3A_770, %swap3A_771, %swap3A_772] {strides = array<i32>} : memref<2x2x200x32xf32, #tpu.memory_space<vmem>>, vector<16xf32>,
        tpu.vector_store %arg10[%swap3A_769, %swap3A_770, %swap3A_771, %swap3A_772], %get3A_766 {strides = array<i32>} : memref<2x2x200x32xf32, #tpu.memory_space<vmem>>, vector<16xf32>,
        %add3A_774 = arith.constant 14 : i32
        %add3A_775 = arith.addi %min3A_409, %add3A_774 : i32
        %slice3A_776 = vector.extract_strided_slice %get3A_412 {offsets = [14], sizes = [1], strides = [1]} : vector<16xi32> to vector<1xi32>
        %squeeze3A_777 = vector.extract %slice3A_776[0] : i32 from vector<1xi32>
        %mul3A_778 = arith.constant 32 : i32
        %mul3A_779 = arith.muli %squeeze3A_777, %mul3A_778 : i32
        %get3A_780 = arith.index_cast %mul3A_779 : i32 to index
        %get3A_781 = tpu.vector_load %arg11[%get3A_780] {strides = array<i32>} : memref<2048xf32, #tpu.memory_space<vmem>>, vector<16xf32>,
        %swap3A_782 = arith.constant 1 : i32
        %swap3A_783 = arith.constant 1 : i32
        %swap3A_784 = arith.index_cast %swap3A_782 : i32 to index
        %swap3A_785 = arith.index_cast %swap3A_783 : i32 to index
        %swap3A_786 = arith.index_cast %add3A_775 : i32 to index
        %swap3A_787 = arith.constant 0 : index
        %swap3A_788 = tpu.vector_load %arg10[%swap3A_784, %swap3A_785, %swap3A_786, %swap3A_787] {strides = array<i32>} : memref<2x2x200x32xf32, #tpu.memory_space<vmem>>, vector<16xf32>,
        tpu.vector_store %arg10[%swap3A_784, %swap3A_785, %swap3A_786, %swap3A_787], %get3A_781 {strides = array<i32>} : memref<2x2x200x32xf32, #tpu.memory_space<vmem>>, vector<16xf32>,
        %add3A_789 = arith.constant 16 : i32
        %add3A_790 = arith.addi %mul3A_779, %add3A_789 : i32
        %get3A_791 = arith.index_cast %add3A_790 : i32 to index
        %get3A_792 = tpu.vector_load %arg11[%get3A_791] {strides = array<i32>} : memref<2048xf32, #tpu.memory_space<vmem>>, vector<16xf32>,
        %swap3A_793 = arith.constant 1 : i32
        %swap3A_794 = arith.constant 1 : i32
        %swap3A_795 = arith.index_cast %swap3A_793 : i32 to index
        %swap3A_796 = arith.index_cast %swap3A_794 : i32 to index
        %swap3A_797 = arith.index_cast %add3A_775 : i32 to index
        %swap3A_798 = arith.constant 16 : index
        %swap3A_799 = tpu.vector_load %arg10[%swap3A_795, %swap3A_796, %swap3A_797, %swap3A_798] {strides = array<i32>} : memref<2x2x200x32xf32, #tpu.memory_space<vmem>>, vector<16xf32>,
        tpu.vector_store %arg10[%swap3A_795, %swap3A_796, %swap3A_797, %swap3A_798], %get3A_792 {strides = array<i32>} : memref<2x2x200x32xf32, #tpu.memory_space<vmem>>, vector<16xf32>,
        %add3A_800 = arith.constant 15 : i32
        %add3A_801 = arith.addi %min3A_409, %add3A_800 : i32
        %slice3A_802 = vector.extract_strided_slice %get3A_412 {offsets = [15], sizes = [1], strides = [1]} : vector<16xi32> to vector<1xi32>
        %squeeze3A_803 = vector.extract %slice3A_802[0] : i32 from vector<1xi32>
        %mul3A_804 = arith.constant 32 : i32
        %mul3A_805 = arith.muli %squeeze3A_803, %mul3A_804 : i32
        %get3A_806 = arith.index_cast %mul3A_805 : i32 to index
        %get3A_807 = tpu.vector_load %arg11[%get3A_806] {strides = array<i32>} : memref<2048xf32, #tpu.memory_space<vmem>>, vector<16xf32>,
        %swap3A_808 = arith.constant 1 : i32
        %swap3A_809 = arith.constant 1 : i32
        %swap3A_810 = arith.index_cast %swap3A_808 : i32 to index
        %swap3A_811 = arith.index_cast %swap3A_809 : i32 to index
        %swap3A_812 = arith.index_cast %add3A_801 : i32 to index
        %swap3A_813 = arith.constant 0 : index
        %swap3A_814 = tpu.vector_load %arg10[%swap3A_810, %swap3A_811, %swap3A_812, %swap3A_813] {strides = array<i32>} : memref<2x2x200x32xf32, #tpu.memory_space<vmem>>, vector<16xf32>,
        tpu.vector_store %arg10[%swap3A_810, %swap3A_811, %swap3A_812, %swap3A_813], %get3A_807 {strides = array<i32>} : memref<2x2x200x32xf32, #tpu.memory_space<vmem>>, vector<16xf32>,
        %add3A_815 = arith.constant 16 : i32
        %add3A_816 = arith.addi %mul3A_805, %add3A_815 : i32
        %get3A_817 = arith.index_cast %add3A_816 : i32 to index
        %get3A_818 = tpu.vector_load %arg11[%get3A_817] {strides = array<i32>} : memref<2048xf32, #tpu.memory_space<vmem>>, vector<16xf32>,
        %swap3A_819 = arith.constant 1 : i32
        %swap3A_820 = arith.constant 1 : i32
        %swap3A_821 = arith.index_cast %swap3A_819 : i32 to index
        %swap3A_822 = arith.index_cast %swap3A_820 : i32 to index
        %swap3A_823 = arith.index_cast %add3A_801 : i32 to index
        %swap3A_824 = arith.constant 16 : index
        %swap3A_825 = tpu.vector_load %arg10[%swap3A_821, %swap3A_822, %swap3A_823, %swap3A_824] {strides = array<i32>} : memref<2x2x200x32xf32, #tpu.memory_space<vmem>>, vector<16xf32>,
        tpu.vector_store %arg10[%swap3A_821, %swap3A_822, %swap3A_823, %swap3A_824], %get3A_818 {strides = array<i32>} : memref<2x2x200x32xf32, #tpu.memory_space<vmem>>, vector<16xf32>,
      }
      %scan3A_159 = arith.constant 13 : i32
      %dma_wait3A_160 = arith.constant 0 : i32
      %dma_wait3A_161 = arith.constant 0 : i32
      %dma_wait3A_162 = arith.constant 0 : i32
      %dma_wait3A_163 = arith.constant 0 : i32
      %dma_wait3A_164 = arith.constant 0 : i32
      %dma_wait3A_165 = tpu.memref_slice %arg9[%dma_wait3A_161, %dma_wait3A_162, %dma_wait3A_163, %dma_wait3A_164] : memref<2x2x200x64xf32, #tpu.memory_space<vmem>> -> memref<1x1x128x64xf32, #tpu.memory_space<vmem>>
      %dma_wait3A_166 = tpu.memref_squeeze %dma_wait3A_165 : memref<1x1x128x64xf32, #tpu.memory_space<vmem>> -> memref<128x64xf32, #tpu.memory_space<vmem>>
      %dma_wait3A_167 = arith.constant 0 : i32
      %dma_wait3A_168 = tpu.memref_slice %arg7[%dma_wait3A_160, %dma_wait3A_167] : memref<4x200xi32, #tpu.memory_space<vmem>> -> memref<1x128xi32, #tpu.memory_space<vmem>>
      %dma_wait3A_169 = tpu.memref_squeeze %dma_wait3A_168 : memref<1x128xi32, #tpu.memory_space<vmem>> -> memref<128xi32, #tpu.memory_space<vmem>>
      %dma_wait3A_170 = arith.constant 0 : i32
      %dma_wait3A_171 = arith.constant 0 : i32
      %dma_wait3A_172 = tpu.memref_slice %arg4[%dma_wait3A_170, %dma_wait3A_171] : memref<100000x64xf32, #tpu.memory_space<hbm>> -> memref<100000x64xf32, #tpu.memory_space<hbm>>
      tpu.wait_indirect_dma semaphore(%arg12 : memref<!tpu.dma_semaphore, #tpu.memory_space<semaphore_mem>>) src(%dma_wait3A_172 : memref<100000x64xf32, #tpu.memory_space<hbm>>) dst(%dma_wait3A_166 : memref<128x64xf32, #tpu.memory_space<vmem>>)
      %dma_wait3A_173 = arith.constant 0 : i32
      %dma_wait3A_174 = arith.constant 0 : i32
      %dma_wait3A_175 = arith.constant 0 : i32
      %dma_wait3A_176 = arith.constant 128 : i32
      %dma_wait3A_177 = arith.constant 0 : i32
      %dma_wait3A_178 = tpu.memref_slice %arg9[%dma_wait3A_174, %dma_wait3A_175, %dma_wait3A_176, %dma_wait3A_177] : memref<2x2x200x64xf32, #tpu.memory_space<vmem>> -> memref<1x1x72x64xf32, #tpu.memory_space<vmem>>
      %dma_wait3A_179 = tpu.memref_squeeze %dma_wait3A_178 : memref<1x1x72x64xf32, #tpu.memory_space<vmem>> -> memref<72x64xf32, #tpu.memory_space<vmem>>
      %dma_wait3A_180 = arith.constant 128 : i32
      %dma_wait3A_181 = tpu.memref_slice %arg7[%dma_wait3A_173, %dma_wait3A_180] : memref<4x200xi32, #tpu.memory_space<vmem>> -> memref<1x72xi32, #tpu.memory_space<vmem>>
      %dma_wait3A_182 = tpu.memref_squeeze %dma_wait3A_181 : memref<1x72xi32, #tpu.memory_space<vmem>> -> memref<72xi32, #tpu.memory_space<vmem>>
      %dma_wait3A_183 = arith.constant 0 : i32
      %dma_wait3A_184 = arith.constant 0 : i32
      %dma_wait3A_185 = tpu.memref_slice %arg4[%dma_wait3A_183, %dma_wait3A_184] : memref<100000x64xf32, #tpu.memory_space<hbm>> -> memref<100000x64xf32, #tpu.memory_space<hbm>>
      tpu.wait_indirect_dma semaphore(%arg12 : memref<!tpu.dma_semaphore, #tpu.memory_space<semaphore_mem>>) src(%dma_wait3A_185 : memref<100000x64xf32, #tpu.memory_space<hbm>>) dst(%dma_wait3A_179 : memref<72x64xf32, #tpu.memory_space<vmem>>)
      %dma_wait3A_186 = arith.constant 1 : i32
      %dma_wait3A_187 = arith.constant 0 : i32
      %dma_wait3A_188 = arith.constant 1 : i32
      %dma_wait3A_189 = arith.constant 0 : i32
      %dma_wait3A_190 = arith.constant 0 : i32
      %dma_wait3A_191 = tpu.memref_slice %arg9[%dma_wait3A_187, %dma_wait3A_188, %dma_wait3A_189, %dma_wait3A_190] : memref<2x2x200x64xf32, #tpu.memory_space<vmem>> -> memref<1x1x128x64xf32, #tpu.memory_space<vmem>>
      %dma_wait3A_192 = tpu.memref_squeeze %dma_wait3A_191 : memref<1x1x128x64xf32, #tpu.memory_space<vmem>> -> memref<128x64xf32, #tpu.memory_space<vmem>>
      %dma_wait3A_193 = arith.constant 0 : i32
      %dma_wait3A_194 = tpu.memref_slice %arg7[%dma_wait3A_186, %dma_wait3A_193] : memref<4x200xi32, #tpu.memory_space<vmem>> -> memref<1x128xi32, #tpu.memory_space<vmem>>
      %dma_wait3A_195 = tpu.memref_squeeze %dma_wait3A_194 : memref<1x128xi32, #tpu.memory_space<vmem>> -> memref<128xi32, #tpu.memory_space<vmem>>
      %dma_wait3A_196 = arith.constant 0 : i32
      %dma_wait3A_197 = arith.constant 0 : i32
      %dma_wait3A_198 = tpu.memref_slice %arg4[%dma_wait3A_196, %dma_wait3A_197] : memref<100000x64xf32, #tpu.memory_space<hbm>> -> memref<100000x64xf32, #tpu.memory_space<hbm>>
      tpu.wait_indirect_dma semaphore(%arg12 : memref<!tpu.dma_semaphore, #tpu.memory_space<semaphore_mem>>) src(%dma_wait3A_198 : memref<100000x64xf32, #tpu.memory_space<hbm>>) dst(%dma_wait3A_192 : memref<128x64xf32, #tpu.memory_space<vmem>>)
      %dma_wait3A_199 = arith.constant 1 : i32
      %dma_wait3A_200 = arith.constant 0 : i32
      %dma_wait3A_201 = arith.constant 1 : i32
      %dma_wait3A_202 = arith.constant 128 : i32
      %dma_wait3A_203 = arith.constant 0 : i32
      %dma_wait3A_204 = tpu.memref_slice %arg9[%dma_wait3A_200, %dma_wait3A_201, %dma_wait3A_202, %dma_wait3A_203] : memref<2x2x200x64xf32, #tpu.memory_space<vmem>> -> memref<1x1x72x64xf32, #tpu.memory_space<vmem>>
      %dma_wait3A_205 = tpu.memref_squeeze %dma_wait3A_204 : memref<1x1x72x64xf32, #tpu.memory_space<vmem>> -> memref<72x64xf32, #tpu.memory_space<vmem>>
      %dma_wait3A_206 = arith.constant 128 : i32
      %dma_wait3A_207 = tpu.memref_slice %arg7[%dma_wait3A_199, %dma_wait3A_206] : memref<4x200xi32, #tpu.memory_space<vmem>> -> memref<1x72xi32, #tpu.memory_space<vmem>>
      %dma_wait3A_208 = tpu.memref_squeeze %dma_wait3A_207 : memref<1x72xi32, #tpu.memory_space<vmem>> -> memref<72xi32, #tpu.memory_space<vmem>>
      %dma_wait3A_209 = arith.constant 0 : i32
      %dma_wait3A_210 = arith.constant 0 : i32
      %dma_wait3A_211 = tpu.memref_slice %arg4[%dma_wait3A_209, %dma_wait3A_210] : memref<100000x64xf32, #tpu.memory_space<hbm>> -> memref<100000x64xf32, #tpu.memory_space<hbm>>
      tpu.wait_indirect_dma semaphore(%arg12 : memref<!tpu.dma_semaphore, #tpu.memory_space<semaphore_mem>>) src(%dma_wait3A_211 : memref<100000x64xf32, #tpu.memory_space<hbm>>) dst(%dma_wait3A_205 : memref<72x64xf32, #tpu.memory_space<vmem>>)
      %mul3A_212 = arith.constant 2 : i32
      %mul3A_213 = arith.muli %mul3A_10, %mul3A_212 : i32
      %add3A_214 = arith.addi %mul3A_2, %mul3A_213 : i32
      %dma_start3A_215 = arith.constant 0 : i32
      %dma_start3A_216 = arith.constant 0 : i32
      %dma_start3A_217 = arith.constant 0 : i32
      %dma_start3A_218 = arith.constant 0 : i32
      %dma_start3A_219 = tpu.memref_slice %arg9[%dma_start3A_215, %dma_start3A_216, %dma_start3A_217, %dma_start3A_218] : memref<2x2x200x64xf32, #tpu.memory_space<vmem>> -> memref<1x2x200x64xf32, #tpu.memory_space<vmem>>
      %dma_start3A_220 = tpu.memref_squeeze %dma_start3A_219 : memref<1x2x200x64xf32, #tpu.memory_space<vmem>> -> memref<2x200x64xf32, #tpu.memory_space<vmem>>
      %dma_start3A_221 = arith.constant 0 : i32
      %dma_start3A_222 = arith.constant 0 : i32
      %dma_start3A_223 = tpu.memref_slice %arg6[%add3A_214, %dma_start3A_221, %dma_start3A_222] : memref<4096x200x96xf32, #tpu.memory_space<hbm>> -> memref<2x200x64xf32, #tpu.memory_space<hbm>>
      %dma_start3A_224 = arith.constant 0 : i32
      %dma_start3A_225 = arith.constant 0 : i32
      %dma_start3A_226 = tpu.memref_slice %arg6[%add3A_214, %dma_start3A_224, %dma_start3A_225] : memref<4096x200x96xf32, #tpu.memory_space<hbm>> -> memref<2x200x64xf32, #tpu.memory_space<hbm>>
      %dma_start3A_227 = arith.constant 0 : i32
      %dma_start3A_228 = arith.constant 0 : i32
      %dma_start3A_229 = arith.constant 0 : i32
      %dma_start3A_230 = tpu.memref_slice %arg9[%dma_start3A_215, %dma_start3A_227, %dma_start3A_228, %dma_start3A_229] : memref<2x2x200x64xf32, #tpu.memory_space<vmem>> -> memref<1x2x200x64xf32, #tpu.memory_space<vmem>>
      %dma_start3A_231 = tpu.memref_squeeze %dma_start3A_230 : memref<1x2x200x64xf32, #tpu.memory_space<vmem>> -> memref<2x200x64xf32, #tpu.memory_space<vmem>>
      tpu.enqueue_dma source(%dma_start3A_231 : memref<2x200x64xf32, #tpu.memory_space<vmem>>) target(%dma_start3A_226 : memref<2x200x64xf32, #tpu.memory_space<hbm>>) target_semaphore(%arg14 : memref<!tpu.dma_semaphore, #tpu.memory_space<semaphore_mem>>)
      %dma_start3A_232 = arith.constant 0 : i32
      %dma_start3A_233 = arith.constant 0 : i32
      %dma_start3A_234 = arith.constant 0 : i32
      %dma_start3A_235 = arith.constant 0 : i32
      %dma_start3A_236 = tpu.memref_slice %arg10[%dma_start3A_232, %dma_start3A_233, %dma_start3A_234, %dma_start3A_235] : memref<2x2x200x32xf32, #tpu.memory_space<vmem>> -> memref<1x2x200x32xf32, #tpu.memory_space<vmem>>
      %dma_start3A_237 = tpu.memref_squeeze %dma_start3A_236 : memref<1x2x200x32xf32, #tpu.memory_space<vmem>> -> memref<2x200x32xf32, #tpu.memory_space<vmem>>
      %dma_start3A_238 = arith.constant 0 : i32
      %dma_start3A_239 = arith.constant 64 : i32
      %dma_start3A_240 = tpu.memref_slice %arg6[%add3A_214, %dma_start3A_238, %dma_start3A_239] : memref<4096x200x96xf32, #tpu.memory_space<hbm>> -> memref<2x200x32xf32, #tpu.memory_space<hbm>>
      %dma_start3A_241 = arith.constant 0 : i32
      %dma_start3A_242 = arith.constant 64 : i32
      %dma_start3A_243 = tpu.memref_slice %arg6[%add3A_214, %dma_start3A_241, %dma_start3A_242] : memref<4096x200x96xf32, #tpu.memory_space<hbm>> -> memref<2x200x32xf32, #tpu.memory_space<hbm>>
      %dma_start3A_244 = arith.constant 0 : i32
      %dma_start3A_245 = arith.constant 0 : i32
      %dma_start3A_246 = arith.constant 0 : i32
      %dma_start3A_247 = tpu.memref_slice %arg10[%dma_start3A_232, %dma_start3A_244, %dma_start3A_245, %dma_start3A_246] : memref<2x2x200x32xf32, #tpu.memory_space<vmem>> -> memref<1x2x200x32xf32, #tpu.memory_space<vmem>>
      %dma_start3A_248 = tpu.memref_squeeze %dma_start3A_247 : memref<1x2x200x32xf32, #tpu.memory_space<vmem>> -> memref<2x200x32xf32, #tpu.memory_space<vmem>>
      tpu.enqueue_dma source(%dma_start3A_248 : memref<2x200x32xf32, #tpu.memory_space<vmem>>) target(%dma_start3A_243 : memref<2x200x32xf32, #tpu.memory_space<hbm>>) target_semaphore(%arg14 : memref<!tpu.dma_semaphore, #tpu.memory_space<semaphore_mem>>)
      %dma_wait3A_249 = arith.constant 2 : i32
      %dma_wait3A_250 = arith.constant 1 : i32
      %dma_wait3A_251 = arith.constant 0 : i32
      %dma_wait3A_252 = arith.constant 0 : i32
      %dma_wait3A_253 = arith.constant 0 : i32
      %dma_wait3A_254 = tpu.memref_slice %arg9[%dma_wait3A_250, %dma_wait3A_251, %dma_wait3A_252, %dma_wait3A_253] : memref<2x2x200x64xf32, #tpu.memory_space<vmem>> -> memref<1x1x128x64xf32, #tpu.memory_space<vmem>>
      %dma_wait3A_255 = tpu.memref_squeeze %dma_wait3A_254 : memref<1x1x128x64xf32, #tpu.memory_space<vmem>> -> memref<128x64xf32, #tpu.memory_space<vmem>>
      %dma_wait3A_256 = arith.constant 0 : i32
      %dma_wait3A_257 = tpu.memref_slice %arg7[%dma_wait3A_249, %dma_wait3A_256] : memref<4x200xi32, #tpu.memory_space<vmem>> -> memref<1x128xi32, #tpu.memory_space<vmem>>
      %dma_wait3A_258 = tpu.memref_squeeze %dma_wait3A_257 : memref<1x128xi32, #tpu.memory_space<vmem>> -> memref<128xi32, #tpu.memory_space<vmem>>
      %dma_wait3A_259 = arith.constant 0 : i32
      %dma_wait3A_260 = arith.constant 0 : i32
      %dma_wait3A_261 = tpu.memref_slice %arg4[%dma_wait3A_259, %dma_wait3A_260] : memref<100000x64xf32, #tpu.memory_space<hbm>> -> memref<100000x64xf32, #tpu.memory_space<hbm>>
      tpu.wait_indirect_dma semaphore(%arg13 : memref<!tpu.dma_semaphore, #tpu.memory_space<semaphore_mem>>) src(%dma_wait3A_261 : memref<100000x64xf32, #tpu.memory_space<hbm>>) dst(%dma_wait3A_255 : memref<128x64xf32, #tpu.memory_space<vmem>>)
      %dma_wait3A_262 = arith.constant 2 : i32
      %dma_wait3A_263 = arith.constant 1 : i32
      %dma_wait3A_264 = arith.constant 0 : i32
      %dma_wait3A_265 = arith.constant 128 : i32
      %dma_wait3A_266 = arith.constant 0 : i32
      %dma_wait3A_267 = tpu.memref_slice %arg9[%dma_wait3A_263, %dma_wait3A_264, %dma_wait3A_265, %dma_wait3A_266] : memref<2x2x200x64xf32, #tpu.memory_space<vmem>> -> memref<1x1x72x64xf32, #tpu.memory_space<vmem>>
      %dma_wait3A_268 = tpu.memref_squeeze %dma_wait3A_267 : memref<1x1x72x64xf32, #tpu.memory_space<vmem>> -> memref<72x64xf32, #tpu.memory_space<vmem>>
      %dma_wait3A_269 = arith.constant 128 : i32
      %dma_wait3A_270 = tpu.memref_slice %arg7[%dma_wait3A_262, %dma_wait3A_269] : memref<4x200xi32, #tpu.memory_space<vmem>> -> memref<1x72xi32, #tpu.memory_space<vmem>>
      %dma_wait3A_271 = tpu.memref_squeeze %dma_wait3A_270 : memref<1x72xi32, #tpu.memory_space<vmem>> -> memref<72xi32, #tpu.memory_space<vmem>>
      %dma_wait3A_272 = arith.constant 0 : i32
      %dma_wait3A_273 = arith.constant 0 : i32
      %dma_wait3A_274 = tpu.memref_slice %arg4[%dma_wait3A_272, %dma_wait3A_273] : memref<100000x64xf32, #tpu.memory_space<hbm>> -> memref<100000x64xf32, #tpu.memory_space<hbm>>
      tpu.wait_indirect_dma semaphore(%arg13 : memref<!tpu.dma_semaphore, #tpu.memory_space<semaphore_mem>>) src(%dma_wait3A_274 : memref<100000x64xf32, #tpu.memory_space<hbm>>) dst(%dma_wait3A_268 : memref<72x64xf32, #tpu.memory_space<vmem>>)
      %dma_wait3A_275 = arith.constant 3 : i32
      %dma_wait3A_276 = arith.constant 1 : i32
      %dma_wait3A_277 = arith.constant 1 : i32
      %dma_wait3A_278 = arith.constant 0 : i32
      %dma_wait3A_279 = arith.constant 0 : i32
      %dma_wait3A_280 = tpu.memref_slice %arg9[%dma_wait3A_276, %dma_wait3A_277, %dma_wait3A_278, %dma_wait3A_279] : memref<2x2x200x64xf32, #tpu.memory_space<vmem>> -> memref<1x1x128x64xf32, #tpu.memory_space<vmem>>
      %dma_wait3A_281 = tpu.memref_squeeze %dma_wait3A_280 : memref<1x1x128x64xf32, #tpu.memory_space<vmem>> -> memref<128x64xf32, #tpu.memory_space<vmem>>
      %dma_wait3A_282 = arith.constant 0 : i32
      %dma_wait3A_283 = tpu.memref_slice %arg7[%dma_wait3A_275, %dma_wait3A_282] : memref<4x200xi32, #tpu.memory_space<vmem>> -> memref<1x128xi32, #tpu.memory_space<vmem>>
      %dma_wait3A_284 = tpu.memref_squeeze %dma_wait3A_283 : memref<1x128xi32, #tpu.memory_space<vmem>> -> memref<128xi32, #tpu.memory_space<vmem>>
      %dma_wait3A_285 = arith.constant 0 : i32
      %dma_wait3A_286 = arith.constant 0 : i32
      %dma_wait3A_287 = tpu.memref_slice %arg4[%dma_wait3A_285, %dma_wait3A_286] : memref<100000x64xf32, #tpu.memory_space<hbm>> -> memref<100000x64xf32, #tpu.memory_space<hbm>>
      tpu.wait_indirect_dma semaphore(%arg13 : memref<!tpu.dma_semaphore, #tpu.memory_space<semaphore_mem>>) src(%dma_wait3A_287 : memref<100000x64xf32, #tpu.memory_space<hbm>>) dst(%dma_wait3A_281 : memref<128x64xf32, #tpu.memory_space<vmem>>)
      %dma_wait3A_288 = arith.constant 3 : i32
      %dma_wait3A_289 = arith.constant 1 : i32
      %dma_wait3A_290 = arith.constant 1 : i32
      %dma_wait3A_291 = arith.constant 128 : i32
      %dma_wait3A_292 = arith.constant 0 : i32
      %dma_wait3A_293 = tpu.memref_slice %arg9[%dma_wait3A_289, %dma_wait3A_290, %dma_wait3A_291, %dma_wait3A_292] : memref<2x2x200x64xf32, #tpu.memory_space<vmem>> -> memref<1x1x72x64xf32, #tpu.memory_space<vmem>>
      %dma_wait3A_294 = tpu.memref_squeeze %dma_wait3A_293 : memref<1x1x72x64xf32, #tpu.memory_space<vmem>> -> memref<72x64xf32, #tpu.memory_space<vmem>>
      %dma_wait3A_295 = arith.constant 128 : i32
      %dma_wait3A_296 = tpu.memref_slice %arg7[%dma_wait3A_288, %dma_wait3A_295] : memref<4x200xi32, #tpu.memory_space<vmem>> -> memref<1x72xi32, #tpu.memory_space<vmem>>
      %dma_wait3A_297 = tpu.memref_squeeze %dma_wait3A_296 : memref<1x72xi32, #tpu.memory_space<vmem>> -> memref<72xi32, #tpu.memory_space<vmem>>
      %dma_wait3A_298 = arith.constant 0 : i32
      %dma_wait3A_299 = arith.constant 0 : i32
      %dma_wait3A_300 = tpu.memref_slice %arg4[%dma_wait3A_298, %dma_wait3A_299] : memref<100000x64xf32, #tpu.memory_space<hbm>> -> memref<100000x64xf32, #tpu.memory_space<hbm>>
      tpu.wait_indirect_dma semaphore(%arg13 : memref<!tpu.dma_semaphore, #tpu.memory_space<semaphore_mem>>) src(%dma_wait3A_300 : memref<100000x64xf32, #tpu.memory_space<hbm>>) dst(%dma_wait3A_294 : memref<72x64xf32, #tpu.memory_space<vmem>>)
      %mul3A_301 = arith.constant 2 : i32
      %mul3A_302 = arith.muli %add3A_12, %mul3A_301 : i32
      %add3A_303 = arith.addi %mul3A_2, %mul3A_302 : i32
      %dma_start3A_304 = arith.constant 1 : i32
      %dma_start3A_305 = arith.constant 0 : i32
      %dma_start3A_306 = arith.constant 0 : i32
      %dma_start3A_307 = arith.constant 0 : i32
      %dma_start3A_308 = tpu.memref_slice %arg9[%dma_start3A_304, %dma_start3A_305, %dma_start3A_306, %dma_start3A_307] : memref<2x2x200x64xf32, #tpu.memory_space<vmem>> -> memref<1x2x200x64xf32, #tpu.memory_space<vmem>>
      %dma_start3A_309 = tpu.memref_squeeze %dma_start3A_308 : memref<1x2x200x64xf32, #tpu.memory_space<vmem>> -> memref<2x200x64xf32, #tpu.memory_space<vmem>>
      %dma_start3A_310 = arith.constant 0 : i32
      %dma_start3A_311 = arith.constant 0 : i32
      %dma_start3A_312 = tpu.memref_slice %arg6[%add3A_303, %dma_start3A_310, %dma_start3A_311] : memref<4096x200x96xf32, #tpu.memory_space<hbm>> -> memref<2x200x64xf32, #tpu.memory_space<hbm>>
      %dma_start3A_313 = arith.constant 0 : i32
      %dma_start3A_314 = arith.constant 0 : i32
      %dma_start3A_315 = tpu.memref_slice %arg6[%add3A_303, %dma_start3A_313, %dma_start3A_314] : memref<4096x200x96xf32, #tpu.memory_space<hbm>> -> memref<2x200x64xf32, #tpu.memory_space<hbm>>
      %dma_start3A_316 = arith.constant 0 : i32
      %dma_start3A_317 = arith.constant 0 : i32
      %dma_start3A_318 = arith.constant 0 : i32
      %dma_start3A_319 = tpu.memref_slice %arg9[%dma_start3A_304, %dma_start3A_316, %dma_start3A_317, %dma_start3A_318] : memref<2x2x200x64xf32, #tpu.memory_space<vmem>> -> memref<1x2x200x64xf32, #tpu.memory_space<vmem>>
      %dma_start3A_320 = tpu.memref_squeeze %dma_start3A_319 : memref<1x2x200x64xf32, #tpu.memory_space<vmem>> -> memref<2x200x64xf32, #tpu.memory_space<vmem>>
      tpu.enqueue_dma source(%dma_start3A_320 : memref<2x200x64xf32, #tpu.memory_space<vmem>>) target(%dma_start3A_315 : memref<2x200x64xf32, #tpu.memory_space<hbm>>) target_semaphore(%arg15 : memref<!tpu.dma_semaphore, #tpu.memory_space<semaphore_mem>>)
      %dma_start3A_321 = arith.constant 1 : i32
      %dma_start3A_322 = arith.constant 0 : i32
      %dma_start3A_323 = arith.constant 0 : i32
      %dma_start3A_324 = arith.constant 0 : i32
      %dma_start3A_325 = tpu.memref_slice %arg10[%dma_start3A_321, %dma_start3A_322, %dma_start3A_323, %dma_start3A_324] : memref<2x2x200x32xf32, #tpu.memory_space<vmem>> -> memref<1x2x200x32xf32, #tpu.memory_space<vmem>>
      %dma_start3A_326 = tpu.memref_squeeze %dma_start3A_325 : memref<1x2x200x32xf32, #tpu.memory_space<vmem>> -> memref<2x200x32xf32, #tpu.memory_space<vmem>>
      %dma_start3A_327 = arith.constant 0 : i32
      %dma_start3A_328 = arith.constant 64 : i32
      %dma_start3A_329 = tpu.memref_slice %arg6[%add3A_303, %dma_start3A_327, %dma_start3A_328] : memref<4096x200x96xf32, #tpu.memory_space<hbm>> -> memref<2x200x32xf32, #tpu.memory_space<hbm>>
      %dma_start3A_330 = arith.constant 0 : i32
      %dma_start3A_331 = arith.constant 64 : i32
      %dma_start3A_332 = tpu.memref_slice %arg6[%add3A_303, %dma_start3A_330, %dma_start3A_331] : memref<4096x200x96xf32, #tpu.memory_space<hbm>> -> memref<2x200x32xf32, #tpu.memory_space<hbm>>
      %dma_start3A_333 = arith.constant 0 : i32
      %dma_start3A_334 = arith.constant 0 : i32
      %dma_start3A_335 = arith.constant 0 : i32
      %dma_start3A_336 = tpu.memref_slice %arg10[%dma_start3A_321, %dma_start3A_333, %dma_start3A_334, %dma_start3A_335] : memref<2x2x200x32xf32, #tpu.memory_space<vmem>> -> memref<1x2x200x32xf32, #tpu.memory_space<vmem>>
      %dma_start3A_337 = tpu.memref_squeeze %dma_start3A_336 : memref<1x2x200x32xf32, #tpu.memory_space<vmem>> -> memref<2x200x32xf32, #tpu.memory_space<vmem>>
      tpu.enqueue_dma source(%dma_start3A_337 : memref<2x200x32xf32, #tpu.memory_space<vmem>>) target(%dma_start3A_332 : memref<2x200x32xf32, #tpu.memory_space<hbm>>) target_semaphore(%arg15 : memref<!tpu.dma_semaphore, #tpu.memory_space<semaphore_mem>>)
      %dma_wait3A_338 = arith.constant 0 : i32
      %dma_wait3A_339 = arith.constant 0 : i32
      %dma_wait3A_340 = arith.constant 0 : i32
      %dma_wait3A_341 = arith.constant 0 : i32
      %dma_wait3A_342 = tpu.memref_slice %arg9[%dma_wait3A_338, %dma_wait3A_339, %dma_wait3A_340, %dma_wait3A_341] : memref<2x2x200x64xf32, #tpu.memory_space<vmem>> -> memref<1x2x200x64xf32, #tpu.memory_space<vmem>>
      %dma_wait3A_343 = tpu.memref_squeeze %dma_wait3A_342 : memref<1x2x200x64xf32, #tpu.memory_space<vmem>> -> memref<2x200x64xf32, #tpu.memory_space<vmem>>
      %dma_wait3A_344 = arith.constant 0 : i32
      %dma_wait3A_345 = arith.constant 0 : i32
      %dma_wait3A_346 = tpu.memref_slice %arg6[%add3A_214, %dma_wait3A_344, %dma_wait3A_345] : memref<4096x200x96xf32, #tpu.memory_space<hbm>> -> memref<2x200x64xf32, #tpu.memory_space<hbm>>
      %dma_wait3A_347 = arith.constant 0 : i32
      %dma_wait3A_348 = arith.constant 0 : i32
      %dma_wait3A_349 = tpu.memref_slice %arg6[%add3A_214, %dma_wait3A_347, %dma_wait3A_348] : memref<4096x200x96xf32, #tpu.memory_space<hbm>> -> memref<2x200x64xf32, #tpu.memory_space<hbm>>
      %dma_wait3A_350 = arith.constant 0 : i32
      %dma_wait3A_351 = arith.constant 0 : i32
      %dma_wait3A_352 = arith.constant 0 : i32
      %dma_wait3A_353 = tpu.memref_slice %arg9[%dma_wait3A_338, %dma_wait3A_350, %dma_wait3A_351, %dma_wait3A_352] : memref<2x2x200x64xf32, #tpu.memory_space<vmem>> -> memref<1x2x200x64xf32, #tpu.memory_space<vmem>>
      %dma_wait3A_354 = tpu.memref_squeeze %dma_wait3A_353 : memref<1x2x200x64xf32, #tpu.memory_space<vmem>> -> memref<2x200x64xf32, #tpu.memory_space<vmem>>
      tpu.wait_dma2 semaphore(%arg14 : memref<!tpu.dma_semaphore, #tpu.memory_space<semaphore_mem>>) src(%dma_wait3A_354 : memref<2x200x64xf32, #tpu.memory_space<vmem>>) dst(%dma_wait3A_349 : memref<2x200x64xf32, #tpu.memory_space<hbm>>)
      %dma_wait3A_355 = arith.constant 0 : i32
      %dma_wait3A_356 = arith.constant 0 : i32
      %dma_wait3A_357 = arith.constant 0 : i32
      %dma_wait3A_358 = arith.constant 0 : i32
      %dma_wait3A_359 = tpu.memref_slice %arg10[%dma_wait3A_355, %dma_wait3A_356, %dma_wait3A_357, %dma_wait3A_358] : memref<2x2x200x32xf32, #tpu.memory_space<vmem>> -> memref<1x2x200x32xf32, #tpu.memory_space<vmem>>
      %dma_wait3A_360 = tpu.memref_squeeze %dma_wait3A_359 : memref<1x2x200x32xf32, #tpu.memory_space<vmem>> -> memref<2x200x32xf32, #tpu.memory_space<vmem>>
      %dma_wait3A_361 = arith.constant 0 : i32
      %dma_wait3A_362 = arith.constant 64 : i32
      %dma_wait3A_363 = tpu.memref_slice %arg6[%add3A_214, %dma_wait3A_361, %dma_wait3A_362] : memref<4096x200x96xf32, #tpu.memory_space<hbm>> -> memref<2x200x32xf32, #tpu.memory_space<hbm>>
      %dma_wait3A_364 = arith.constant 0 : i32
      %dma_wait3A_365 = arith.constant 64 : i32
      %dma_wait3A_366 = tpu.memref_slice %arg6[%add3A_214, %dma_wait3A_364, %dma_wait3A_365] : memref<4096x200x96xf32, #tpu.memory_space<hbm>> -> memref<2x200x32xf32, #tpu.memory_space<hbm>>
      %dma_wait3A_367 = arith.constant 0 : i32
      %dma_wait3A_368 = arith.constant 0 : i32
      %dma_wait3A_369 = arith.constant 0 : i32
      %dma_wait3A_370 = tpu.memref_slice %arg10[%dma_wait3A_355, %dma_wait3A_367, %dma_wait3A_368, %dma_wait3A_369] : memref<2x2x200x32xf32, #tpu.memory_space<vmem>> -> memref<1x2x200x32xf32, #tpu.memory_space<vmem>>
      %dma_wait3A_371 = tpu.memref_squeeze %dma_wait3A_370 : memref<1x2x200x32xf32, #tpu.memory_space<vmem>> -> memref<2x200x32xf32, #tpu.memory_space<vmem>>
      tpu.wait_dma2 semaphore(%arg14 : memref<!tpu.dma_semaphore, #tpu.memory_space<semaphore_mem>>) src(%dma_wait3A_371 : memref<2x200x32xf32, #tpu.memory_space<vmem>>) dst(%dma_wait3A_366 : memref<2x200x32xf32, #tpu.memory_space<hbm>>)
      %dma_wait3A_372 = arith.constant 1 : i32
      %dma_wait3A_373 = arith.constant 0 : i32
      %dma_wait3A_374 = arith.constant 0 : i32
      %dma_wait3A_375 = arith.constant 0 : i32
      %dma_wait3A_376 = tpu.memref_slice %arg9[%dma_wait3A_372, %dma_wait3A_373, %dma_wait3A_374, %dma_wait3A_375] : memref<2x2x200x64xf32, #tpu.memory_space<vmem>> -> memref<1x2x200x64xf32, #tpu.memory_space<vmem>>
      %dma_wait3A_377 = tpu.memref_squeeze %dma_wait3A_376 : memref<1x2x200x64xf32, #tpu.memory_space<vmem>> -> memref<2x200x64xf32, #tpu.memory_space<vmem>>
      %dma_wait3A_378 = arith.constant 0 : i32
      %dma_wait3A_379 = arith.constant 0 : i32
      %dma_wait3A_380 = tpu.memref_slice %arg6[%add3A_303, %dma_wait3A_378, %dma_wait3A_379] : memref<4096x200x96xf32, #tpu.memory_space<hbm>> -> memref<2x200x64xf32, #tpu.memory_space<hbm>>
      %dma_wait3A_381 = arith.constant 0 : i32
      %dma_wait3A_382 = arith.constant 0 : i32
      %dma_wait3A_383 = tpu.memref_slice %arg6[%add3A_303, %dma_wait3A_381, %dma_wait3A_382] : memref<4096x200x96xf32, #tpu.memory_space<hbm>> -> memref<2x200x64xf32, #tpu.memory_space<hbm>>
      %dma_wait3A_384 = arith.constant 0 : i32
      %dma_wait3A_385 = arith.constant 0 : i32
      %dma_wait3A_386 = arith.constant 0 : i32
      %dma_wait3A_387 = tpu.memref_slice %arg9[%dma_wait3A_372, %dma_wait3A_384, %dma_wait3A_385, %dma_wait3A_386] : memref<2x2x200x64xf32, #tpu.memory_space<vmem>> -> memref<1x2x200x64xf32, #tpu.memory_space<vmem>>
      %dma_wait3A_388 = tpu.memref_squeeze %dma_wait3A_387 : memref<1x2x200x64xf32, #tpu.memory_space<vmem>> -> memref<2x200x64xf32, #tpu.memory_space<vmem>>
      tpu.wait_dma2 semaphore(%arg15 : memref<!tpu.dma_semaphore, #tpu.memory_space<semaphore_mem>>) src(%dma_wait3A_388 : memref<2x200x64xf32, #tpu.memory_space<vmem>>) dst(%dma_wait3A_383 : memref<2x200x64xf32, #tpu.memory_space<hbm>>)
      %dma_wait3A_389 = arith.constant 1 : i32
      %dma_wait3A_390 = arith.constant 0 : i32
      %dma_wait3A_391 = arith.constant 0 : i32
      %dma_wait3A_392 = arith.constant 0 : i32
      %dma_wait3A_393 = tpu.memref_slice %arg10[%dma_wait3A_389, %dma_wait3A_390, %dma_wait3A_391, %dma_wait3A_392] : memref<2x2x200x32xf32, #tpu.memory_space<vmem>> -> memref<1x2x200x32xf32, #tpu.memory_space<vmem>>
      %dma_wait3A_394 = tpu.memref_squeeze %dma_wait3A_393 : memref<1x2x200x32xf32, #tpu.memory_space<vmem>> -> memref<2x200x32xf32, #tpu.memory_space<vmem>>
      %dma_wait3A_395 = arith.constant 0 : i32
      %dma_wait3A_396 = arith.constant 64 : i32
      %dma_wait3A_397 = tpu.memref_slice %arg6[%add3A_303, %dma_wait3A_395, %dma_wait3A_396] : memref<4096x200x96xf32, #tpu.memory_space<hbm>> -> memref<2x200x32xf32, #tpu.memory_space<hbm>>
      %dma_wait3A_398 = arith.constant 0 : i32
      %dma_wait3A_399 = arith.constant 64 : i32
      %dma_wait3A_400 = tpu.memref_slice %arg6[%add3A_303, %dma_wait3A_398, %dma_wait3A_399] : memref<4096x200x96xf32, #tpu.memory_space<hbm>> -> memref<2x200x32xf32, #tpu.memory_space<hbm>>
      %dma_wait3A_401 = arith.constant 0 : i32
      %dma_wait3A_402 = arith.constant 0 : i32
      %dma_wait3A_403 = arith.constant 0 : i32
      %dma_wait3A_404 = tpu.memref_slice %arg10[%dma_wait3A_389, %dma_wait3A_401, %dma_wait3A_402, %dma_wait3A_403] : memref<2x2x200x32xf32, #tpu.memory_space<vmem>> -> memref<1x2x200x32xf32, #tpu.memory_space<vmem>>
      %dma_wait3A_405 = tpu.memref_squeeze %dma_wait3A_404 : memref<1x2x200x32xf32, #tpu.memory_space<vmem>> -> memref<2x200x32xf32, #tpu.memory_space<vmem>>
      tpu.wait_dma2 semaphore(%arg15 : memref<!tpu.dma_semaphore, #tpu.memory_space<semaphore_mem>>) src(%dma_wait3A_405 : memref<2x200x32xf32, #tpu.memory_space<vmem>>) dst(%dma_wait3A_400 : memref<2x200x32xf32, #tpu.memory_space<hbm>>)
    }
    %scan3A_7 = arith.constant 32 : i32
    return
  }
}

</mosaic_0001>

<sc_bundles>
// kernel: kernel.3.cloned.1.call-start
scs
__scs_entry_jumppad:
0x0: {  	(pc) =	sbr.rel $0x88, $3  }
0x1: {  	(tag) =	ssettag $0x0;
	lr =	simm.s32 $0x1  }
0x2: {  	[smem:$0x3F9D] =	sst lr;
	_ =	strace $0xD0000000  }
0x3: {  	_ = 	snop  }
0x4: {  	_ = 	snop  }
0x5: {  	_ = 	snop  }
0x6: {  	_ = 	snop  }
0x7: {  	_ = 	snop  }
__scs_overlays_trampoline_lowered:
0x8: {  	[smem:$0x3FAC] =	sst s0  }
0x9: {  	[smem:$0x3FAD] =	sst s1  }
0xa: {  	[smem:$0x3FAE] =	sst s2  }
0xb: {  	[smem:$0x3FAF] =	sst s3  }
0xc: {  	[smem:$0x3FB0] =	sst s4  }
0xd: {  	[smem:$0x3FB1] =	sst s5  }
0xe: {  	[smem:$0x3FB2] =	sst s6  }
0xf: {  	[smem:$0x3FB3] =	sst s7  }
0x10: {  	[smem:$0x3FB4] =	sst s8  }
0x11: {  	[smem:$0x3FB5] =	sst s9;
	s0 =	simm.s32 @!p0 $0x0  }
0x12: {  	s1 =	sld [smem:$0x3F9B];
	s0 =	simm.s32 @p0 $0x1  }
0x13: {  	[smem:$0x3FB6] =	sst s0;
	s0 =	simm.s32 @!p1 $0x0  }
0x14: {  	s2 =	sld [smem:$0x3F9A];
	s0 =	simm.s32 @p1 $0x1  }
0x15: {  	[smem:$0x3FB7] =	sst s0;
	s0 =	simm.s32 @!p2 $0x0  }
0x16: {  	s3 =	sld [smem:$0x3FDB];
	s0 =	simm.s32 @p2 $0x1  }
0x17: {  	s4 =	simm.s32 $0x1BF5;
	[smem:$0x3FB9] =	sst s0  }
0x18: {  	s0 =	sld [smem:$0x3F9C];
	_ =	swait.ge [sflag:s4], $0x0  }
0x19: {  	s7 =	sld [smem:$0x3F9D]  }
0x1a: {  	s8 =	sadd.s32 $0xFFFFE003, lr  }
0x1b: {  	s9 =	sadd.s32 $0xFFFFFEF7, lr;
	s5 =	simm.s32 $0xFFFFFFFF;
	p2 =	slt.u32 s8, $0xFFFFF086  }
0x1c: {  	p1 =	slt.u32 s9, $0xF7A;
	s5 =	simm.s32 @!p2 $0x0  }
0x1d: {  	s5 =	simm.s32 @p1 $0x1;
	p0 =	seq.s32 s7, s2  }
0x1e: {  	s7 =	smul.u32 @!p0 $0xF7A, s2;
	p2 =	seq.s32 @!p0 s5, $0x0  }
0x1f: {  	s9 =	smul.u32 $0xF7A, s1;
	s8 =	simm.s32 @!p0 $0x1BF5;
	p2 =	por !p2, p0  }
0x20: {  	[sflag:s8] =	ssyncset.s32 @!p0 $0xFFFFF086;
	s6 =	sadd.s32 @!p0 s3, s7;
	s7 =	simm.s32 @!p0 $0x108  }
0x21: {  	s3 =	sadd.s32 s3, s9;
	s6 =	sadd.s32 @!p0 $0x88, s6;
	s7 =	simm.s32 @p2 $0x1082  }
0x22: {  	[simem:s7], [sflag:s8] =	dma.local @!p0 [hbm:s6], $0xF7A  }
0x23: {  	s9 =	sor.u32 $0xD0000000, s2;
	s6 =	simm.s32 $0x108;
	_ =	swait.ge @!p0 [sflag:s8], $0x0  }
0x24: {  	s3 =	sadd.s32 $0x88, s3;
	s6 =	simm.s32 @!p1 $0x1082;
	[sflag:s4] =	ssyncset.s32 $0xFFFFF086  }
0x25: {  	[simem:s6], [sflag:s4] =	dma.local [hbm:s3], $0xF7A  }
0x26: {  	[smem:$0x3F9D] =	sst s1;
	(tag) =	ssettag s2;
	_ =	strace s9  }
0x27: {  	s1 =	sld [smem:$0x3FAD]  }
0x28: {  	s2 =	sld [smem:$0x3FAE]  }
0x29: {  	s4 =	sld [smem:$0x3FB0]  }
0x2a: {  	p0 =	seq.s32 s5, $0x0;
	s5 =	sld [smem:$0x3FB1]  }
0x2b: {  	s6 =	sld [smem:$0x3FB2]  }
0x2c: {  	s7 =	sld [smem:$0x3FB3]  }
0x2d: {  	s3 =	simm.s32 $0x108;
	s8 =	sld [smem:$0x3FB4]  }
0x2e: {  	s3 =	simm.s32 @!p0 $0x1082;
	s9 =	sld [smem:$0x3FB5]  }
0x2f: {  	lr =	sadd.s32 s0, s3;
	s0 =	sld [smem:$0x3FAC]  }
0x30: {  	s3 =	sld [smem:$0x3FAF]  }
0x31: {  	[smem:$0x3FB8] =	sst s10  }
0x32: {  	s10 =	sld [smem:$0x3FB6];
	_ =	sdelay $0x3  }
0x33: {  	p0 =	seq.s32 s10, $0x1;
	s10 =	sld [smem:$0x3FB8];
	_ =	sdelay $0x3  }
0x34: {  	[smem:$0x3FB8] =	sst s10  }
0x35: {  	s10 =	sld [smem:$0x3FB7];
	_ =	sdelay $0x3  }
0x36: {  	p1 =	seq.s32 s10, $0x1;
	s10 =	sld [smem:$0x3FB8];
	_ =	sdelay $0x3  }
0x37: {  	[smem:$0x3FB8] =	sst s10  }
0x38: {  	s10 =	sld [smem:$0x3FB9]  }
0x39: {  	_ = 	snop;
	(pc) =	sbr.ind lr, $3  }
0x3a: {  	_ = 	snop  }
0x3b: {  	_ = 	snop  }
0x3c: {  	p2 =	seq.s32 s10, $0x1;
	s10 =	sld [smem:$0x3FB8]  }
0x3d: {  	_ =	shalt  }
0x3e: {  	_ =	shalt  }
0x3f: {  	_ =	shalt  }
0x40: {  	_ =	shalt  }
0x41: {  	_ =	shalt  }
0x42: {  	_ =	shalt  }
0x43: {  	_ =	shalt  }
0x44: {  	_ =	shalt  }
0x45: {  	_ =	shalt  }
0x46: {  	_ =	shalt  }
0x47: {  	_ =	shalt  }
0x48: {  	_ =	shalt  }
0x49: {  	_ =	shalt  }
0x4a: {  	_ =	shalt  }
0x4b: {  	_ =	shalt  }
0x4c: {  	_ =	shalt  }
0x4d: {  	_ =	shalt  }
0x4e: {  	_ =	shalt  }
0x4f: {  	_ =	shalt  }
0x50: {  	_ =	shalt  }
0x51: {  	_ =	shalt  }
0x52: {  	_ =	shalt  }
0x53: {  	_ =	shalt  }
0x54: {  	_ =	shalt  }
0x55: {  	_ =	shalt  }
0x56: {  	_ =	shalt  }
0x57: {  	_ =	shalt  }
0x58: {  	_ =	shalt  }
0x59: {  	_ =	shalt  }
0x5a: {  	_ =	shalt  }
0x5b: {  	_ =	shalt  }
0x5c: {  	_ =	shalt  }
0x5d: {  	_ =	shalt  }
0x5e: {  	_ =	shalt  }
0x5f: {  	_ =	shalt  }
0x60: {  	_ =	shalt  }
0x61: {  	_ =	shalt  }
0x62: {  	_ =	shalt  }
0x63: {  	_ =	shalt  }
0x64: {  	_ =	shalt  }
0x65: {  	_ =	shalt  }
0x66: {  	_ =	shalt  }
0x67: {  	_ =	shalt  }
0x68: {  	_ =	shalt  }
0x69: {  	_ =	shalt  }
0x6a: {  	_ =	shalt  }
0x6b: {  	_ =	shalt  }
0x6c: {  	_ =	shalt  }
0x6d: {  	_ =	shalt  }
0x6e: {  	_ =	shalt  }
0x6f: {  	_ =	shalt  }
0x70: {  	_ =	shalt  }
0x71: {  	_ =	shalt  }
0x72: {  	_ =	shalt  }
0x73: {  	_ =	shalt  }
0x74: {  	_ =	shalt  }
0x75: {  	_ =	shalt  }
0x76: {  	_ =	shalt  }
0x77: {  	_ =	shalt  }
0x78: {  	_ =	shalt  }
0x79: {  	_ =	shalt  }
0x7a: {  	_ =	shalt  }
0x7b: {  	_ =	shalt  }
0x7c: {  	_ =	shalt  }
0x7d: {  	_ =	shalt  }
0x7e: {  	_ =	shalt  }
0x7f: {  	_ =	shalt  }
0x80: {  	_ =	shalt  }
0x81: {  	_ =	shalt  }
0x82: {  	_ =	shalt  }
0x83: {  	_ =	shalt  }
0x84: {  	_ =	shalt  }
0x85: {  	_ =	shalt  }
0x86: {  	_ =	shalt  }
0x87: {  	_ =	shalt  }
.Lfunc_end0:
.L_simem_size_0:
called_computation.1_lowered:
.L_overlay_start_0:
0x88: {  	s2 =	sld [smem:$0x3FD9]  }
0x89: {  	s3 =	sld [smem:$0x3FFE];
	_ =	sdelay $0x1  }
0x8a: {  	s1 =	srdreg.scid  }
0x8b: {  	s0 =	sand.u32 $0x1, s1  }
0x8c: {  	s17 =	sshll.u32 s0, $0xA;
	s2 =	sadd.s32 s3, s2  }
0x8d: {  	s2 =	sadd.s32 s2, s17  }
0x8e: {  	[smem:$0x3FC4] =	sst s2  }
0x8f: {  	_ = 	snop  }
0x90: {  	s2 =	sld [smem:$0x3FD0];
	(tm) =	ssettm $0x1  }
0x91: {  	s18 =	sld [smem:$0x3FFB];
	_ =	sdelay $0x3  }
0x92: {  	_ =	strace s18  }
0x93: {  	s3 =	sld [smem:$0x3FFC];
	_ =	sdelay $0x3  }
0x94: {  	_ =	strace s3  }
0x95: {  	s3 =	sld [smem:$0x3FFD];
	_ =	sdelay $0x3  }
0x96: {  	_ =	strace s3  }
0x97: {  	_ =	strace $0x8FFFFFFF  }
0x98: {  	s19 =	sld [smem:$0x3FDB];
	_ =	sdelay $0x1  }
0x99: {  	s4 =	simm.s32 $_scs_section_size  }
0x9a: {  	s5 =	simm.s32 $_size__tile_overlayer_lowered;
	s6 =	simm.s32 $_tile_overlayer_lowered  }
0x9b: {  	s22 =	simm.s32 $0x1BFF;
	s21 =	sshll.u32 s6, $0x1;
	s3 =	sadd.s32 s4, s19  }
0x9c: {  	s7 =	simm.s32 $0x0;
	s20 =	sshll.u32 s5, $0x1;
	s5 =	sadd.s32 s21, s3  }
0x9d: {  	[timem:s7], [sflag:s22] =	dma.local [hbm:s5], s20  }
0x9e: {  	_ =	swait.ge [sflag:s22], s20  }
0x9f: {  	s4 =	ssub.s32 $0x0, s20;
	[sflag:s22] =	ssyncset.done $0x0  }
0xa0: {  	[sflag:s22] =	ssyncadd.s32 s4;
	_ =	sdelay $0x1  }
0xa1: {  	s23 =	simm.s32 $0x1B8B  }
0xa2: {  	_ =	swait.ge [sflag:s23], $0x1  }
0xa3: {  	[sflag:s23] =	ssyncset.done $0x0  }
0xa4: {  	s25 =	simm.s32 $0x1B8E;
	s24 =	sld [smem:$0x3FFE];
	[sflag:s23] =	ssyncadd.s32 $0xFFFFFFFF  }
0xa5: {  	s26 =	simm.s32 $execute0_lowered;
	[smem:$0x3FD2] =	sst s25  }
0xa6: {  	s5 =	sshll.u32 s26, $0x1;
	_ =	strace $0x80000046;
	[dreg:$0x1] =	wrdreg $0xFFFFFFFF  }
0xa7: {  	s28 =	simm.s32 $_size_execute0_lowered;
	s3 =	sadd.s32 s3, s5;
	[dreg:$0x0] =	wrdreg $0x0  }
0xa8: {  	s5 =	sshll.u32 s28, $0x1;
	[dreg:$0x2] =	wrdreg s3  }
0xa9: {  	[dreg:$0x3] =	wrdreg s5  }
0xaa: {  	[dreg:$0x4] =	wrdreg $0xC0  }
0xab: {  	_ =	task [dreg:s7], $0x5FFFF  }
0xac: {  	[dreg:$0x1] =	wrdreg $0xFFFFFFFF  }
0xad: {  	[dreg:$0x0] =	wrdreg $0x60  }
0xae: {  	[dreg:$0x2] =	wrdreg s24  }
0xaf: {  	[dreg:$0x3] =	wrdreg s2  }
0xb0: {  	[dreg:$0x4] =	wrdreg $0x9  }
0xb1: {  	_ =	task.clear_ibuf [dreg:s7], $0x5FFFF;
	_ =	strace $0x90000046  }
0xb2: {  	s29 =	simm.s32 $0x9;
	_ =	strace $0x80000048  }
0xb3: {  	_ =	swait.ge [sflag:s29], $0x1  }
0xb4: {  	[sflag:s29] =	ssyncadd.s32 $0xFFFFFFFF  }
0xb5: {  	_ =	strace $0x90000048  }
0xb6: {  	_ =	sfence  }
0xb7: {  	s30 =	sld [smem:$0x0];
	_ =	sdelay $0x2  }
0xb8: {  	s31 =	sshll.u32 s1, $0xD;
	s1 =	sshrl.u32 s1, $0x2  }
0xb9: {  	s3 =	sand.u32 $0x4000, s31;
	s1 =	sadd.s32 s1, s30  }
0xba: {  	s0 =	sor.u32 s3, s0;
	s1 =	sshll.u32 s1, $0x11  }
0xbb: {  	s0 =	sor.u32 s1, s0  }
0xbc: {  	s0 =	sadd.s32 $0x8F2B, s0  }
0xbd: {  	[sflag:s0] =	ssyncadd.remote.s32 $0x1  }
0xbe: {  	_ =	sfence.sel $0xFFFF  }
0xbf: {  	[dreg:$0x0] =	wrdreg $0xFFFFFFFF;
	(pc) =	sbr.abs _section_cstart, $3  }
0xc0: {  	[dreg:$0x1] =	wrdreg $0xFFFFFFFF  }
0xc1: {  	_ =	task.clear_ibuf [dreg:s7], $0x2FFFF;
	_ =	strace $0x9FFFFFFF  }
0xc2: {  	(tm) =	ssettm $0x7FFFFFFF  }
0xc3: {  	_ =	shalt  }
tec
execute0_lowered:
.L_overlay_start_1:
0x0: {  	(tag) =	ssettag $0x1  }
0x1: {  	s0 =	rddreg [dreg:$0x0]  }
0x2: {  	s1 =	rddreg [dreg:$0x1];
	s2 =	simm.s32 $0x0;
	s26 =	srdreg.scid  }
0x3: {  	s7 =	stileid.u32;
	s14 =	simm.s32 $0x1;
	s15 =	simm.s32 $0x80  }
0x4: {  	s16 =	simm.s32 $0x640;
	s17 =	simm.s32 $0x48;
	s24 =	simm.s32 $0x6A40  }
0x5: {  	s29 =	simm.s32 $0x9C40;
	s30 =	simm.s32 $0x2D8;
	s31 =	simm.s32 $0xBC40  }
0x6: {  	s11 =	simm.s32 $0x20;
	s10 =	simm.s32 $0x10040;
	s12 =	simm.s32 $0x3  }
0x7: {  	s13 =	simm.s32 $0x4;
	s19 =	simm.s32 $0x0;
	[smem:$0x7FF] =	sst s2  }
0x8: {  	s3 =	sadd.s32 $0xC00, s0;
	s5 =	sadd.s32 $0x19C00, s0;
	s6 =	sadd.s32 $0x32C00, s0  }
0x9: {  	s2 =	sand.u32 $0x1, s26;
	s0 =	sadd.s32 $0xA00, s0;
	s7 =	sshll.u32 s7, $0x8  }
.Ltmp0:
0xa: {  	s9 =	sadd.s32 $0x8, s1;
	s28 =	ssub.s32 $0x2, s2;
	(pc) =	sbr.rel .LBB2_1-.Ltmp0, $4  }
0xb: {  	_ =	strace $0x80000047;
	s2 =	sshll.u32 s2, $0x7;
	s4 =	sshrl.u32 s28, $0x1  }
0xc: {  	[dreg:$0x3] =	wrdreg s0;
	s8 =	sor.u32 s2, s7;
	s0 =	ssub.s32 s28, s4  }
0xd: {  	s2 =	simm.s32 $0xCE40;
	s7 =	simm.s32 $0x2;
	s0 =	smax.u32 s0, $0x1  }
0xe: {  	s4 =	simm.s32 $0x60;
	[dreg:$0x4] =	wrdreg s0;
	s0 =	simm.s32 $0x40  }
.LBB2_17:
0xf: {  	s19 =	rddreg [dreg:$0x5]  }
0x10: {  	s18 =	rddreg [dreg:$0x4];
	s19 =	sadd.s32 $0x1, s19  }
0x11: {  	p0 =	sne.s32 s19, s18  }
.Ltmp1:
0x12: {  	_ = 	snop;
	(pc) =	sbr.rel @!p0 .LBB2_18-.Ltmp1, $1  }
0x13: {  	_ =	sdelay $0x3  }
.LBB2_1:
0x14: {  	[dreg:$0x5] =	wrdreg s19;
	s18 =	simm.s32 $0x0  }
0x15: {  	s26 =	rddreg [dreg:$0x3];
	s20 =	simm.s32 $0x13240;
	s28 =	simm.s32 $0x5  }
0x16: {  	[tilespmem:s20], [sflag:$0x5] =	stream.linear.gather [hbm4b:s26+s18], $0x800, $0x38;
	[tilespmem:$0x13A40] =	vst v63  }
0x17: {  	_ =	swait.ge [sflag:s28], $0x800  }
0x18: {  	[sflag:s28] =	ssyncset.done $0x0  }
0x19: {  	s18 =	simm.s32 $0x0;
	[sflag:s28] =	ssyncadd.s32 $0xFFFFF800  }
.LBB2_2:
0x1a: {  	s19 =	sshll.u32 s18, $0x2  }
0x1b: {  	s19 =	sor.u32 s8, s19  }
0x1c: {  	s20 =	smul.u32 $0x19, s19;
	_ =	sdelay $0x1  }
0x1d: {  	s22 =	simm.s32 $0x0;
	s21 =	sadd.s32 s3, s20  }
0x1e: {  	[tilespmem:s22], [sflag:$0x1] =	stream.linear.gather [hbm4b:s21+s22], $0x320, $0x38;
	[tilespmem:$0x13A40] =	vst v63  }
0x1f: {  	s23 =	simm.s32 $0x320;
	s20 =	sadd.s32 s5, s20  }
0x20: {  	[tilespmem:s23], [sflag:$0x1] =	stream.linear.gather [hbm4b:s20+s22], $0x320, $0x38;
	[tilespmem:$0x13A40] =	vst v63  }
0x21: {  	_ =	swait.ge [sflag:s14], $0x320  }
0x22: {  	[sflag:s14] =	ssyncset.done $0x0  }
0x23: {  	[sflag:s14] =	ssyncadd.s32 $0xFFFFFCE0  }
0x24: {  	_ =	swait.ge [sflag:s14], $0x320  }
0x25: {  	[sflag:s14] =	ssyncset.done $0x0  }
0x26: {  	[sflag:s14] =	ssyncadd.s32 $0xFFFFFCE0  }
0x27: {  	[tilespmem:s16], [sflag:$0x1] =	stream.indirect.gather [hbm4b:s6+s15], $0x40, s22, s15, $0xb8;
	[tilespmem:$0x13A40] =	vst v63  }
0x28: {  	s25 =	simm.s32 $0x2640  }
0x29: {  	[tilespmem:s25], [sflag:$0x1] =	stream.indirect.gather [hbm4b:s6+s17], $0x40, s15, s17, $0xb8;
	[tilespmem:$0x13A40] =	vst v63  }
0x2a: {  	s26 =	simm.s32 $0xC8;
	s28 =	simm.s32 $0x3840  }
0x2b: {  	[tilespmem:s28], [sflag:$0x1] =	stream.indirect.gather [hbm4b:s6+s15], $0x40, s26, s15, $0xb8;
	[tilespmem:$0x13A40] =	vst v63  }
0x2c: {  	s21 =	simm.s32 $0x148;
	s23 =	simm.s32 $0x5840  }
0x2d: {  	[tilespmem:s23], [sflag:$0x1] =	stream.indirect.gather [hbm4b:s6+s17], $0x40, s21, s17, $0xb8;
	[tilespmem:$0x13A40] =	vst v63  }
0x2e: {  	s25 =	simm.s32 $0x190  }
0x2f: {  	[tilespmem:s24], [sflag:$0x2] =	stream.indirect.gather [hbm4b:s6+s15], $0x40, s25, s15, $0xb8;
	[tilespmem:$0x13A40] =	vst v63  }
0x30: {  	s26 =	simm.s32 $0x210;
	s28 =	simm.s32 $0x8A40  }
0x31: {  	[tilespmem:s28], [sflag:$0x2] =	stream.indirect.gather [hbm4b:s6+s17], $0x40, s26, s17, $0xb8;
	[tilespmem:$0x13A40] =	vst v63  }
0x32: {  	s23 =	simm.s32 $0x258  }
0x33: {  	[tilespmem:s29], [sflag:$0x2] =	stream.indirect.gather [hbm4b:s6+s15], $0x40, s23, s15, $0xb8;
	[tilespmem:$0x13A40] =	vst v63  }
0x34: {  	s21 =	smin.u32 s22, $0xB8  }
0x35: {  	[tilespmem:s31], [sflag:$0x2] =	stream.indirect.gather [hbm4b:s6+s17], $0x40, s30, s17, $0xb8;
	[tilespmem:$0x13A40] =	vst v63  }
0x36: {  	v0 =	vld [tilespmem:s21+$0x320];
	_ =	sdelay $0x4  }
0x37: {  	v0 =	vshll.u32 v0, $0x7  }
0x38: {  	v0 =	vshra.s32 v0, $0x2  }
0x39: {  	(v2sf) =	vpush v0, $0x0;
	_ =	sdelay $0xb  }
0x3a: {  	(v2sf) =	vpush v0, $0x1;
	_ =	sdelay $0x2  }
0x3b: {  	s25 =	spop (v2sf)  }
0x3c: {  	v1 =	vld [tilespmem:s25+$0x13240];
	_ =	sdelay $0x3  }
0x3d: {  	s22 =	sshll.u32 s21, $0x5  }
0x3e: {  	[tilespmem:s22+$0xCE40] =	vst v1  }
0x3f: {  	v1 =	vld [tilespmem:s25+$0x13250];
	_ =	sdelay $0x1  }
0x40: {  	(v2sf) =	vpush v0, $0x2;
	_ =	sdelay $0x2  }
0x41: {  	s26 =	spop (v2sf);
	[tilespmem:s22+$0xCE50] =	vst v1  }
0x42: {  	v1 =	vld [tilespmem:s26+$0x13240];
	_ =	sdelay $0x4  }
0x43: {  	[tilespmem:s22+$0xCE60] =	vst v1  }
0x44: {  	v1 =	vld [tilespmem:s26+$0x13250];
	_ =	sdelay $0x1  }
0x45: {  	(v2sf) =	vpush v0, $0x3;
	_ =	sdelay $0x2  }
0x46: {  	s28 =	spop (v2sf);
	[tilespmem:s22+$0xCE70] =	vst v1  }
0x47: {  	v1 =	vld [tilespmem:s28+$0x13240];
	_ =	sdelay $0x4  }
0x48: {  	[tilespmem:s22+$0xCE80] =	vst v1  }
0x49: {  	v1 =	vld [tilespmem:s28+$0x13250];
	_ =	sdelay $0x1  }
0x4a: {  	(v2sf) =	vpush v0, $0x4;
	_ =	sdelay $0x2  }
0x4b: {  	s23 =	spop (v2sf);
	[tilespmem:s22+$0xCE90] =	vst v1  }
0x4c: {  	v1 =	vld [tilespmem:s23+$0x13240];
	_ =	sdelay $0x4  }
0x4d: {  	[tilespmem:s22+$0xCEA0] =	vst v1  }
0x4e: {  	v1 =	vld [tilespmem:s23+$0x13250];
	_ =	sdelay $0x1  }
0x4f: {  	(v2sf) =	vpush v0, $0x5;
	_ =	sdelay $0x2  }
0x50: {  	s25 =	spop (v2sf);
	[tilespmem:s22+$0xCEB0] =	vst v1  }
0x51: {  	v1 =	vld [tilespmem:s25+$0x13240];
	_ =	sdelay $0x4  }
0x52: {  	[tilespmem:s22+$0xCEC0] =	vst v1  }
0x53: {  	v1 =	vld [tilespmem:s25+$0x13250];
	_ =	sdelay $0x1  }
0x54: {  	(v2sf) =	vpush v0, $0x6;
	_ =	sdelay $0x2  }
0x55: {  	s26 =	spop (v2sf);
	[tilespmem:s22+$0xCED0] =	vst v1  }
0x56: {  	v1 =	vld [tilespmem:s26+$0x13240];
	_ =	sdelay $0x4  }
0x57: {  	[tilespmem:s22+$0xCEE0] =	vst v1  }
0x58: {  	v1 =	vld [tilespmem:s26+$0x13250];
	_ =	sdelay $0x1  }
0x59: {  	(v2sf) =	vpush v0, $0x7;
	_ =	sdelay $0x2  }
0x5a: {  	s28 =	spop (v2sf);
	[tilespmem:s22+$0xCEF0] =	vst v1  }
0x5b: {  	v1 =	vld [tilespmem:s28+$0x13240];
	_ =	sdelay $0x4  }
0x5c: {  	[tilespmem:s22+$0xCF00] =	vst v1  }
0x5d: {  	v1 =	vld [tilespmem:s28+$0x13250];
	_ =	sdelay $0x1  }
0x5e: {  	(v2sf) =	vpush v0, $0x8;
	_ =	sdelay $0x2  }
0x5f: {  	s23 =	spop (v2sf);
	[tilespmem:s22+$0xCF10] =	vst v1  }
0x60: {  	v1 =	vld [tilespmem:s23+$0x13240];
	_ =	sdelay $0x4  }
0x61: {  	[tilespmem:s22+$0xCF20] =	vst v1  }
0x62: {  	v1 =	vld [tilespmem:s23+$0x13250];
	_ =	sdelay $0x1  }
0x63: {  	(v2sf) =	vpush v0, $0x9;
	_ =	sdelay $0x2  }
0x64: {  	s25 =	spop (v2sf);
	[tilespmem:s22+$0xCF30] =	vst v1  }
0x65: {  	v1 =	vld [tilespmem:s25+$0x13240];
	_ =	sdelay $0x4  }
0x66: {  	[tilespmem:s22+$0xCF40] =	vst v1  }
0x67: {  	v1 =	vld [tilespmem:s25+$0x13250];
	_ =	sdelay $0x1  }
0x68: {  	(v2sf) =	vpush v0, $0xA;
	_ =	sdelay $0x2  }
0x69: {  	s26 =	spop (v2sf);
	[tilespmem:s22+$0xCF50] =	vst v1  }
0x6a: {  	v1 =	vld [tilespmem:s26+$0x13240];
	_ =	sdelay $0x4  }
0x6b: {  	[tilespmem:s22+$0xCF60] =	vst v1  }
0x6c: {  	v1 =	vld [tilespmem:s26+$0x13250];
	_ =	sdelay $0x1  }
0x6d: {  	(v2sf) =	vpush v0, $0xB;
	_ =	sdelay $0x2  }
0x6e: {  	s28 =	spop (v2sf);
	[tilespmem:s22+$0xCF70] =	vst v1  }
0x6f: {  	v1 =	vld [tilespmem:s28+$0x13240];
	_ =	sdelay $0x4  }
0x70: {  	[tilespmem:s22+$0xCF80] =	vst v1  }
0x71: {  	v1 =	vld [tilespmem:s28+$0x13250];
	_ =	sdelay $0x1  }
0x72: {  	(v2sf) =	vpush v0, $0xC;
	_ =	sdelay $0x2  }
0x73: {  	s23 =	spop (v2sf);
	[tilespmem:s22+$0xCF90] =	vst v1  }
0x74: {  	v1 =	vld [tilespmem:s23+$0x13240];
	_ =	sdelay $0x4  }
0x75: {  	[tilespmem:s22+$0xCFA0] =	vst v1  }
0x76: {  	v1 =	vld [tilespmem:s23+$0x13250];
	_ =	sdelay $0x1  }
0x77: {  	(v2sf) =	vpush v0, $0xD;
	_ =	sdelay $0x2  }
0x78: {  	s25 =	spop (v2sf);
	[tilespmem:s22+$0xCFB0] =	vst v1  }
0x79: {  	v1 =	vld [tilespmem:s25+$0x13240];
	_ =	sdelay $0x4  }
0x7a: {  	[tilespmem:s22+$0xCFC0] =	vst v1  }
0x7b: {  	v1 =	vld [tilespmem:s25+$0x13250];
	_ =	sdelay $0x1  }
0x7c: {  	(v2sf) =	vpush v0, $0xE;
	_ =	sdelay $0x2  }
0x7d: {  	s26 =	spop (v2sf);
	[tilespmem:s22+$0xCFD0] =	vst v1  }
0x7e: {  	v1 =	vld [tilespmem:s26+$0x13240];
	_ =	sdelay $0x4  }
0x7f: {  	[tilespmem:s22+$0xCFE0] =	vst v1  }
0x80: {  	v1 =	vld [tilespmem:s26+$0x13250];
	_ =	sdelay $0x1  }
0x81: {  	(v2sf) =	vpush v0, $0xF;
	_ =	sdelay $0x2  }
0x82: {  	s28 =	spop (v2sf);
	[tilespmem:s22+$0xCFF0] =	vst v1  }
0x83: {  	v0 =	vld [tilespmem:s28+$0x13240];
	_ =	sdelay $0x4  }
0x84: {  	[tilespmem:s22+$0xD000] =	vst v0  }
0x85: {  	v0 =	vld [tilespmem:s28+$0x13250];
	_ =	sdelay $0x4  }
0x86: {  	s25 =	spop (v2sf);
	[tilespmem:s22+$0xD010] =	vst v0  }
0x87: {  	v0 =	vld [tilespmem:s25+$0x13240];
	_ =	sdelay $0x4  }
0x88: {  	[tilespmem:s22+$0xD020] =	vst v0  }
0x89: {  	s20 =	simm.s32 $0x10;
	s23 =	simm.s32 $0x20;
	v0 =	vld [tilespmem:s25+$0x13250];
	s25 =	simm.s32 $0x10  }
.LBB2_3:
0x8a: {  	_ =	sdelay $0x2  }
0x8b: {  	p0 =	sne.s32 s23, $0xC0  }
0x8c: {  	s26 =	smin.u32 s25, $0xB8;
	s25 =	smov.u32 s23;
	s23 =	sadd.s32 $0x10, s23;
	[tilespmem:s22+$0xD030] =	vst v0  }
0x8d: {  	v0 =	vld [tilespmem:s26+$0x320];
	_ =	sdelay $0x4  }
0x8e: {  	v0 =	vshll.u32 v0, $0x7  }
0x8f: {  	v0 =	vshra.s32 v0, $0x2  }
0x90: {  	(v2sf) =	vpush v0, $0x0;
	_ =	sdelay $0xb  }
0x91: {  	(v2sf) =	vpush v0, $0x1;
	_ =	sdelay $0x2  }
0x92: {  	s28 =	spop (v2sf)  }
0x93: {  	v1 =	vld [tilespmem:s28+$0x13240];
	_ =	sdelay $0x3  }
0x94: {  	s22 =	sshll.u32 s26, $0x5  }
0x95: {  	[tilespmem:s22+$0xCE40] =	vst v1  }
0x96: {  	v1 =	vld [tilespmem:s28+$0x13250];
	_ =	sdelay $0x1  }
0x97: {  	(v2sf) =	vpush v0, $0x2;
	_ =	sdelay $0x2  }
0x98: {  	[tilespmem:s22+$0xCE50] =	vst v1;
	s26 =	spop (v2sf)  }
0x99: {  	v1 =	vld [tilespmem:s26+$0x13240];
	_ =	sdelay $0x4  }
0x9a: {  	[tilespmem:s22+$0xCE60] =	vst v1  }
0x9b: {  	v1 =	vld [tilespmem:s26+$0x13250];
	_ =	sdelay $0x1  }
0x9c: {  	(v2sf) =	vpush v0, $0x3;
	_ =	sdelay $0x2  }
0x9d: {  	[tilespmem:s22+$0xCE70] =	vst v1;
	s26 =	spop (v2sf)  }
0x9e: {  	v1 =	vld [tilespmem:s26+$0x13240];
	_ =	sdelay $0x4  }
0x9f: {  	[tilespmem:s22+$0xCE80] =	vst v1  }
0xa0: {  	v1 =	vld [tilespmem:s26+$0x13250];
	_ =	sdelay $0x1  }
0xa1: {  	(v2sf) =	vpush v0, $0x4;
	_ =	sdelay $0x2  }
0xa2: {  	[tilespmem:s22+$0xCE90] =	vst v1;
	s26 =	spop (v2sf)  }
0xa3: {  	v1 =	vld [tilespmem:s26+$0x13240];
	_ =	sdelay $0x4  }
0xa4: {  	[tilespmem:s22+$0xCEA0] =	vst v1  }
0xa5: {  	v1 =	vld [tilespmem:s26+$0x13250];
	_ =	sdelay $0x1  }
0xa6: {  	(v2sf) =	vpush v0, $0x5;
	_ =	sdelay $0x2  }
0xa7: {  	[tilespmem:s22+$0xCEB0] =	vst v1;
	s26 =	spop (v2sf)  }
0xa8: {  	v1 =	vld [tilespmem:s26+$0x13240];
	_ =	sdelay $0x4  }
0xa9: {  	[tilespmem:s22+$0xCEC0] =	vst v1  }
0xaa: {  	v1 =	vld [tilespmem:s26+$0x13250];
	_ =	sdelay $0x1  }
0xab: {  	(v2sf) =	vpush v0, $0x6;
	_ =	sdelay $0x2  }
0xac: {  	[tilespmem:s22+$0xCED0] =	vst v1;
	s26 =	spop (v2sf)  }
0xad: {  	v1 =	vld [tilespmem:s26+$0x13240];
	_ =	sdelay $0x4  }
0xae: {  	[tilespmem:s22+$0xCEE0] =	vst v1  }
0xaf: {  	v1 =	vld [tilespmem:s26+$0x13250];
	_ =	sdelay $0x1  }
0xb0: {  	(v2sf) =	vpush v0, $0x7;
	_ =	sdelay $0x2  }
0xb1: {  	[tilespmem:s22+$0xCEF0] =	vst v1;
	s26 =	spop (v2sf)  }
0xb2: {  	v1 =	vld [tilespmem:s26+$0x13240];
	_ =	sdelay $0x4  }
0xb3: {  	[tilespmem:s22+$0xCF00] =	vst v1  }
0xb4: {  	v1 =	vld [tilespmem:s26+$0x13250];
	_ =	sdelay $0x1  }
0xb5: {  	(v2sf) =	vpush v0, $0x8;
	_ =	sdelay $0x2  }
0xb6: {  	[tilespmem:s22+$0xCF10] =	vst v1;
	s26 =	spop (v2sf)  }
0xb7: {  	v1 =	vld [tilespmem:s26+$0x13240];
	_ =	sdelay $0x4  }
0xb8: {  	[tilespmem:s22+$0xCF20] =	vst v1  }
0xb9: {  	v1 =	vld [tilespmem:s26+$0x13250];
	_ =	sdelay $0x1  }
0xba: {  	(v2sf) =	vpush v0, $0x9;
	_ =	sdelay $0x2  }
0xbb: {  	[tilespmem:s22+$0xCF30] =	vst v1;
	s26 =	spop (v2sf)  }
0xbc: {  	v1 =	vld [tilespmem:s26+$0x13240];
	_ =	sdelay $0x4  }
0xbd: {  	[tilespmem:s22+$0xCF40] =	vst v1  }
0xbe: {  	v1 =	vld [tilespmem:s26+$0x13250];
	_ =	sdelay $0x1  }
0xbf: {  	(v2sf) =	vpush v0, $0xA;
	_ =	sdelay $0x2  }
0xc0: {  	[tilespmem:s22+$0xCF50] =	vst v1;
	s26 =	spop (v2sf)  }
0xc1: {  	v1 =	vld [tilespmem:s26+$0x13240];
	_ =	sdelay $0x4  }
0xc2: {  	[tilespmem:s22+$0xCF60] =	vst v1  }
0xc3: {  	v1 =	vld [tilespmem:s26+$0x13250];
	_ =	sdelay $0x1  }
0xc4: {  	(v2sf) =	vpush v0, $0xB;
	_ =	sdelay $0x2  }
0xc5: {  	[tilespmem:s22+$0xCF70] =	vst v1;
	s26 =	spop (v2sf)  }
0xc6: {  	v1 =	vld [tilespmem:s26+$0x13240];
	_ =	sdelay $0x4  }
0xc7: {  	[tilespmem:s22+$0xCF80] =	vst v1  }
0xc8: {  	v1 =	vld [tilespmem:s26+$0x13250];
	_ =	sdelay $0x1  }
0xc9: {  	(v2sf) =	vpush v0, $0xC;
	_ =	sdelay $0x2  }
0xca: {  	[tilespmem:s22+$0xCF90] =	vst v1;
	s26 =	spop (v2sf)  }
0xcb: {  	v1 =	vld [tilespmem:s26+$0x13240];
	_ =	sdelay $0x4  }
0xcc: {  	[tilespmem:s22+$0xCFA0] =	vst v1  }
0xcd: {  	v1 =	vld [tilespmem:s26+$0x13250];
	_ =	sdelay $0x1  }
0xce: {  	(v2sf) =	vpush v0, $0xD;
	_ =	sdelay $0x2  }
0xcf: {  	[tilespmem:s22+$0xCFB0] =	vst v1;
	s26 =	spop (v2sf)  }
0xd0: {  	v1 =	vld [tilespmem:s26+$0x13240];
	_ =	sdelay $0x4  }
0xd1: {  	[tilespmem:s22+$0xCFC0] =	vst v1  }
0xd2: {  	v1 =	vld [tilespmem:s26+$0x13250];
	_ =	sdelay $0x1  }
0xd3: {  	(v2sf) =	vpush v0, $0xE;
	_ =	sdelay $0x2  }
0xd4: {  	[tilespmem:s22+$0xCFD0] =	vst v1;
	s26 =	spop (v2sf)  }
0xd5: {  	v1 =	vld [tilespmem:s26+$0x13240];
	_ =	sdelay $0x4  }
0xd6: {  	[tilespmem:s22+$0xCFE0] =	vst v1  }
0xd7: {  	v1 =	vld [tilespmem:s26+$0x13250];
	_ =	sdelay $0x1  }
0xd8: {  	(v2sf) =	vpush v0, $0xF;
	_ =	sdelay $0x2  }
0xd9: {  	[tilespmem:s22+$0xCFF0] =	vst v1;
	s26 =	spop (v2sf)  }
0xda: {  	v0 =	vld [tilespmem:s26+$0x13240];
	_ =	sdelay $0x4  }
0xdb: {  	[tilespmem:s22+$0xD000] =	vst v0  }
0xdc: {  	v0 =	vld [tilespmem:s26+$0x13250];
	_ =	sdelay $0x4  }
0xdd: {  	[tilespmem:s22+$0xD010] =	vst v0;
	s26 =	spop (v2sf)  }
0xde: {  	v0 =	vld [tilespmem:s26+$0x13240];
	_ =	sdelay $0x1  }
.Ltmp2:
0xdf: {  	(pc) =	sbr.rel @p0 .LBB2_3-.Ltmp2, $3  }
0xe0: {  	_ =	sdelay $0x1  }
0xe1: {  	[tilespmem:s22+$0xD020] =	vst v0  }
0xe2: {  	v0 =	vld [tilespmem:s26+$0x13250]  }
0xe3: {  	_ =	sdelay $0x3  }
0xe4: {  	s23 =	smin.u32 s25, $0xB8;
	[tilespmem:s22+$0xD030] =	vst v0  }
0xe5: {  	v0 =	vld [tilespmem:s23+$0x320];
	_ =	sdelay $0x4  }
0xe6: {  	v0 =	vshll.u32 v0, $0x7  }
0xe7: {  	v0 =	vshra.s32 v0, $0x2  }
0xe8: {  	(v2sf) =	vpush v0, $0x0;
	_ =	sdelay $0xb  }
0xe9: {  	(v2sf) =	vpush v0, $0x1;
	_ =	sdelay $0x2  }
0xea: {  	s28 =	spop (v2sf)  }
0xeb: {  	v1 =	vld [tilespmem:s28+$0x13240];
	_ =	sdelay $0x3  }
0xec: {  	s22 =	sshll.u32 s23, $0x5  }
0xed: {  	[tilespmem:s22+$0xCE40] =	vst v1  }
0xee: {  	v1 =	vld [tilespmem:s28+$0x13250];
	_ =	sdelay $0x1  }
0xef: {  	(v2sf) =	vpush v0, $0x2;
	_ =	sdelay $0x2  }
0xf0: {  	s25 =	spop (v2sf);
	[tilespmem:s22+$0xCE50] =	vst v1  }
0xf1: {  	v1 =	vld [tilespmem:s25+$0x13240];
	_ =	sdelay $0x4  }
0xf2: {  	[tilespmem:s22+$0xCE60] =	vst v1  }
0xf3: {  	v1 =	vld [tilespmem:s25+$0x13250];
	_ =	sdelay $0x1  }
0xf4: {  	(v2sf) =	vpush v0, $0x3;
	_ =	sdelay $0x2  }
0xf5: {  	s26 =	spop (v2sf);
	[tilespmem:s22+$0xCE70] =	vst v1  }
0xf6: {  	v1 =	vld [tilespmem:s26+$0x13240];
	_ =	sdelay $0x4  }
0xf7: {  	[tilespmem:s22+$0xCE80] =	vst v1  }
0xf8: {  	v1 =	vld [tilespmem:s26+$0x13250];
	_ =	sdelay $0x1  }
0xf9: {  	(v2sf) =	vpush v0, $0x4;
	_ =	sdelay $0x2  }
0xfa: {  	s28 =	spop (v2sf);
	[tilespmem:s22+$0xCE90] =	vst v1  }
0xfb: {  	v1 =	vld [tilespmem:s28+$0x13240];
	_ =	sdelay $0x4  }
0xfc: {  	[tilespmem:s22+$0xCEA0] =	vst v1  }
0xfd: {  	v1 =	vld [tilespmem:s28+$0x13250];
	_ =	sdelay $0x1  }
0xfe: {  	(v2sf) =	vpush v0, $0x5;
	_ =	sdelay $0x2  }
0xff: {  	s25 =	spop (v2sf);
	[tilespmem:s22+$0xCEB0] =	vst v1  }
0x100: {  	v1 =	vld [tilespmem:s25+$0x13240];
	_ =	sdelay $0x4  }
0x101: {  	[tilespmem:s22+$0xCEC0] =	vst v1  }
0x102: {  	v1 =	vld [tilespmem:s25+$0x13250];
	_ =	sdelay $0x1  }
0x103: {  	(v2sf) =	vpush v0, $0x6;
	_ =	sdelay $0x2  }
0x104: {  	s26 =	spop (v2sf);
	[tilespmem:s22+$0xCED0] =	vst v1  }
0x105: {  	v1 =	vld [tilespmem:s26+$0x13240];
	_ =	sdelay $0x4  }
0x106: {  	[tilespmem:s22+$0xCEE0] =	vst v1  }
0x107: {  	v1 =	vld [tilespmem:s26+$0x13250];
	_ =	sdelay $0x1  }
0x108: {  	(v2sf) =	vpush v0, $0x7;
	_ =	sdelay $0x2  }
0x109: {  	s28 =	spop (v2sf);
	[tilespmem:s22+$0xCEF0] =	vst v1  }
0x10a: {  	v1 =	vld [tilespmem:s28+$0x13240];
	_ =	sdelay $0x4  }
0x10b: {  	[tilespmem:s22+$0xCF00] =	vst v1  }
0x10c: {  	v1 =	vld [tilespmem:s28+$0x13250];
	_ =	sdelay $0x1  }
0x10d: {  	(v2sf) =	vpush v0, $0x8;
	_ =	sdelay $0x2  }
0x10e: {  	s25 =	spop (v2sf);
	[tilespmem:s22+$0xCF10] =	vst v1  }
0x10f: {  	v1 =	vld [tilespmem:s25+$0x13240];
	_ =	sdelay $0x4  }
0x110: {  	[tilespmem:s22+$0xCF20] =	vst v1  }
0x111: {  	v1 =	vld [tilespmem:s25+$0x13250];
	_ =	sdelay $0x1  }
0x112: {  	(v2sf) =	vpush v0, $0x9;
	_ =	sdelay $0x2  }
0x113: {  	s26 =	spop (v2sf);
	[tilespmem:s22+$0xCF30] =	vst v1  }
0x114: {  	v1 =	vld [tilespmem:s26+$0x13240];
	_ =	sdelay $0x4  }
0x115: {  	[tilespmem:s22+$0xCF40] =	vst v1  }
0x116: {  	v1 =	vld [tilespmem:s26+$0x13250];
	_ =	sdelay $0x1  }
0x117: {  	(v2sf) =	vpush v0, $0xA;
	_ =	sdelay $0x2  }
0x118: {  	s28 =	spop (v2sf);
	[tilespmem:s22+$0xCF50] =	vst v1  }
0x119: {  	v1 =	vld [tilespmem:s28+$0x13240];
	_ =	sdelay $0x4  }
0x11a: {  	[tilespmem:s22+$0xCF60] =	vst v1  }
0x11b: {  	v1 =	vld [tilespmem:s28+$0x13250];
	_ =	sdelay $0x1  }
0x11c: {  	(v2sf) =	vpush v0, $0xB;
	_ =	sdelay $0x2  }
0x11d: {  	s25 =	spop (v2sf);
	[tilespmem:s22+$0xCF70] =	vst v1  }
0x11e: {  	v1 =	vld [tilespmem:s25+$0x13240];
	_ =	sdelay $0x4  }
0x11f: {  	[tilespmem:s22+$0xCF80] =	vst v1  }
0x120: {  	v1 =	vld [tilespmem:s25+$0x13250];
	_ =	sdelay $0x1  }
0x121: {  	(v2sf) =	vpush v0, $0xC;
	_ =	sdelay $0x2  }
0x122: {  	s26 =	spop (v2sf);
	[tilespmem:s22+$0xCF90] =	vst v1  }
0x123: {  	v1 =	vld [tilespmem:s26+$0x13240];
	_ =	sdelay $0x4  }
0x124: {  	[tilespmem:s22+$0xCFA0] =	vst v1  }
0x125: {  	v1 =	vld [tilespmem:s26+$0x13250];
	_ =	sdelay $0x1  }
0x126: {  	(v2sf) =	vpush v0, $0xD;
	_ =	sdelay $0x2  }
0x127: {  	s28 =	spop (v2sf);
	[tilespmem:s22+$0xCFB0] =	vst v1  }
0x128: {  	v1 =	vld [tilespmem:s28+$0x13240];
	_ =	sdelay $0x4  }
0x129: {  	[tilespmem:s22+$0xCFC0] =	vst v1  }
0x12a: {  	v1 =	vld [tilespmem:s28+$0x13250];
	_ =	sdelay $0x1  }
0x12b: {  	(v2sf) =	vpush v0, $0xE;
	_ =	sdelay $0x2  }
0x12c: {  	s25 =	spop (v2sf);
	[tilespmem:s22+$0xCFD0] =	vst v1  }
0x12d: {  	v1 =	vld [tilespmem:s25+$0x13240];
	_ =	sdelay $0x4  }
0x12e: {  	[tilespmem:s22+$0xCFE0] =	vst v1  }
0x12f: {  	v1 =	vld [tilespmem:s25+$0x13250];
	_ =	sdelay $0x1  }
0x130: {  	(v2sf) =	vpush v0, $0xF;
	_ =	sdelay $0x2  }
0x131: {  	s26 =	spop (v2sf);
	[tilespmem:s22+$0xCFF0] =	vst v1  }
0x132: {  	v0 =	vld [tilespmem:s26+$0x13240];
	_ =	sdelay $0x4  }
0x133: {  	[tilespmem:s22+$0xD000] =	vst v0  }
0x134: {  	v0 =	vld [tilespmem:s26+$0x13250];
	_ =	sdelay $0x4  }
0x135: {  	s28 =	spop (v2sf);
	[tilespmem:s22+$0xD010] =	vst v0  }
0x136: {  	v0 =	vld [tilespmem:s28+$0x13240];
	_ =	sdelay $0x4  }
0x137: {  	[tilespmem:s22+$0xD020] =	vst v0  }
0x138: {  	v0 =	vld [tilespmem:s28+$0x13250];
	_ =	sdelay $0x4  }
0x139: {  	[tilespmem:s22+$0xD030] =	vst v0  }
0x13a: {  	v0 =	vld [tilespmem:s21+$0x3E8];
	_ =	sdelay $0x4  }
0x13b: {  	v0 =	vshll.u32 v0, $0x7  }
0x13c: {  	v0 =	vshra.s32 v0, $0x2  }
0x13d: {  	(v2sf) =	vpush v0, $0x0;
	_ =	sdelay $0xb  }
0x13e: {  	(v2sf) =	vpush v0, $0x1;
	_ =	sdelay $0x2  }
0x13f: {  	s23 =	spop (v2sf)  }
0x140: {  	v1 =	vld [tilespmem:s23+$0x13240];
	_ =	sdelay $0x3  }
0x141: {  	s21 =	sshll.u32 s21, $0x5  }
0x142: {  	[tilespmem:s21+$0xE740] =	vst v1  }
0x143: {  	v1 =	vld [tilespmem:s23+$0x13250];
	_ =	sdelay $0x1  }
0x144: {  	(v2sf) =	vpush v0, $0x2;
	_ =	sdelay $0x2  }
0x145: {  	s25 =	spop (v2sf);
	[tilespmem:s21+$0xE750] =	vst v1  }
0x146: {  	v1 =	vld [tilespmem:s25+$0x13240];
	_ =	sdelay $0x4  }
0x147: {  	[tilespmem:s21+$0xE760] =	vst v1  }
0x148: {  	v1 =	vld [tilespmem:s25+$0x13250];
	_ =	sdelay $0x1  }
0x149: {  	(v2sf) =	vpush v0, $0x3;
	_ =	sdelay $0x2  }
0x14a: {  	s26 =	spop (v2sf);
	[tilespmem:s21+$0xE770] =	vst v1  }
0x14b: {  	v1 =	vld [tilespmem:s26+$0x13240];
	_ =	sdelay $0x4  }
0x14c: {  	[tilespmem:s21+$0xE780] =	vst v1  }
0x14d: {  	v1 =	vld [tilespmem:s26+$0x13250];
	_ =	sdelay $0x1  }
0x14e: {  	(v2sf) =	vpush v0, $0x4;
	_ =	sdelay $0x2  }
0x14f: {  	s28 =	spop (v2sf);
	[tilespmem:s21+$0xE790] =	vst v1  }
0x150: {  	v1 =	vld [tilespmem:s28+$0x13240];
	_ =	sdelay $0x4  }
0x151: {  	[tilespmem:s21+$0xE7A0] =	vst v1  }
0x152: {  	v1 =	vld [tilespmem:s28+$0x13250];
	_ =	sdelay $0x1  }
0x153: {  	(v2sf) =	vpush v0, $0x5;
	_ =	sdelay $0x2  }
0x154: {  	s23 =	spop (v2sf);
	[tilespmem:s21+$0xE7B0] =	vst v1  }
0x155: {  	v1 =	vld [tilespmem:s23+$0x13240];
	_ =	sdelay $0x4  }
0x156: {  	[tilespmem:s21+$0xE7C0] =	vst v1  }
0x157: {  	v1 =	vld [tilespmem:s23+$0x13250];
	_ =	sdelay $0x1  }
0x158: {  	(v2sf) =	vpush v0, $0x6;
	_ =	sdelay $0x2  }
0x159: {  	s25 =	spop (v2sf);
	[tilespmem:s21+$0xE7D0] =	vst v1  }
0x15a: {  	v1 =	vld [tilespmem:s25+$0x13240];
	_ =	sdelay $0x4  }
0x15b: {  	[tilespmem:s21+$0xE7E0] =	vst v1  }
0x15c: {  	v1 =	vld [tilespmem:s25+$0x13250];
	_ =	sdelay $0x1  }
0x15d: {  	(v2sf) =	vpush v0, $0x7;
	_ =	sdelay $0x2  }
0x15e: {  	s26 =	spop (v2sf);
	[tilespmem:s21+$0xE7F0] =	vst v1  }
0x15f: {  	v1 =	vld [tilespmem:s26+$0x13240];
	_ =	sdelay $0x4  }
0x160: {  	[tilespmem:s21+$0xE800] =	vst v1  }
0x161: {  	v1 =	vld [tilespmem:s26+$0x13250];
	_ =	sdelay $0x1  }
0x162: {  	(v2sf) =	vpush v0, $0x8;
	_ =	sdelay $0x2  }
0x163: {  	s28 =	spop (v2sf);
	[tilespmem:s21+$0xE810] =	vst v1  }
0x164: {  	v1 =	vld [tilespmem:s28+$0x13240];
	_ =	sdelay $0x4  }
0x165: {  	[tilespmem:s21+$0xE820] =	vst v1  }
0x166: {  	v1 =	vld [tilespmem:s28+$0x13250];
	_ =	sdelay $0x1  }
0x167: {  	(v2sf) =	vpush v0, $0x9;
	_ =	sdelay $0x2  }
0x168: {  	s23 =	spop (v2sf);
	[tilespmem:s21+$0xE830] =	vst v1  }
0x169: {  	v1 =	vld [tilespmem:s23+$0x13240];
	_ =	sdelay $0x4  }
0x16a: {  	[tilespmem:s21+$0xE840] =	vst v1  }
0x16b: {  	v1 =	vld [tilespmem:s23+$0x13250];
	_ =	sdelay $0x1  }
0x16c: {  	(v2sf) =	vpush v0, $0xA;
	_ =	sdelay $0x2  }
0x16d: {  	s25 =	spop (v2sf);
	[tilespmem:s21+$0xE850] =	vst v1  }
0x16e: {  	v1 =	vld [tilespmem:s25+$0x13240];
	_ =	sdelay $0x4  }
0x16f: {  	[tilespmem:s21+$0xE860] =	vst v1  }
0x170: {  	v1 =	vld [tilespmem:s25+$0x13250];
	_ =	sdelay $0x1  }
0x171: {  	(v2sf) =	vpush v0, $0xB;
	_ =	sdelay $0x2  }
0x172: {  	s26 =	spop (v2sf);
	[tilespmem:s21+$0xE870] =	vst v1  }
0x173: {  	v1 =	vld [tilespmem:s26+$0x13240];
	_ =	sdelay $0x4  }
0x174: {  	[tilespmem:s21+$0xE880] =	vst v1  }
0x175: {  	v1 =	vld [tilespmem:s26+$0x13250];
	_ =	sdelay $0x1  }
0x176: {  	(v2sf) =	vpush v0, $0xC;
	_ =	sdelay $0x2  }
0x177: {  	s28 =	spop (v2sf);
	[tilespmem:s21+$0xE890] =	vst v1  }
0x178: {  	v1 =	vld [tilespmem:s28+$0x13240];
	_ =	sdelay $0x4  }
0x179: {  	[tilespmem:s21+$0xE8A0] =	vst v1  }
0x17a: {  	v1 =	vld [tilespmem:s28+$0x13250];
	_ =	sdelay $0x1  }
0x17b: {  	(v2sf) =	vpush v0, $0xD;
	_ =	sdelay $0x2  }
0x17c: {  	s23 =	spop (v2sf);
	[tilespmem:s21+$0xE8B0] =	vst v1  }
0x17d: {  	v1 =	vld [tilespmem:s23+$0x13240];
	_ =	sdelay $0x4  }
0x17e: {  	[tilespmem:s21+$0xE8C0] =	vst v1  }
0x17f: {  	v1 =	vld [tilespmem:s23+$0x13250];
	_ =	sdelay $0x1  }
0x180: {  	(v2sf) =	vpush v0, $0xE;
	_ =	sdelay $0x2  }
0x181: {  	s25 =	spop (v2sf);
	[tilespmem:s21+$0xE8D0] =	vst v1  }
0x182: {  	v1 =	vld [tilespmem:s25+$0x13240];
	_ =	sdelay $0x4  }
0x183: {  	[tilespmem:s21+$0xE8E0] =	vst v1  }
0x184: {  	v1 =	vld [tilespmem:s25+$0x13250];
	_ =	sdelay $0x1  }
0x185: {  	(v2sf) =	vpush v0, $0xF;
	_ =	sdelay $0x2  }
0x186: {  	s26 =	spop (v2sf);
	[tilespmem:s21+$0xE8F0] =	vst v1  }
0x187: {  	v0 =	vld [tilespmem:s26+$0x13240];
	_ =	sdelay $0x4  }
0x188: {  	[tilespmem:s21+$0xE900] =	vst v0  }
0x189: {  	v0 =	vld [tilespmem:s26+$0x13250];
	_ =	sdelay $0x4  }
0x18a: {  	s28 =	spop (v2sf);
	[tilespmem:s21+$0xE910] =	vst v0  }
0x18b: {  	v0 =	vld [tilespmem:s28+$0x13240];
	_ =	sdelay $0x4  }
0x18c: {  	[tilespmem:s21+$0xE920] =	vst v0  }
0x18d: {  	v0 =	vld [tilespmem:s28+$0x13250];
	_ =	sdelay $0x2  }
0x18e: {  	s22 =	simm.s32 $0x20  }
.LBB2_5:
0x18f: {  	p0 =	sne.s32 s22, $0xC0  }
0x190: {  	s23 =	smin.u32 s20, $0xB8;
	[tilespmem:s21+$0xE930] =	vst v0;
	s20 =	smov.u32 s22;
	s22 =	sadd.s32 $0x10, s22  }
0x191: {  	v0 =	vld [tilespmem:s23+$0x3E8];
	_ =	sdelay $0x4  }
0x192: {  	v0 =	vshll.u32 v0, $0x7  }
0x193: {  	v0 =	vshra.s32 v0, $0x2  }
0x194: {  	(v2sf) =	vpush v0, $0x0;
	_ =	sdelay $0xb  }
0x195: {  	(v2sf) =	vpush v0, $0x1;
	_ =	sdelay $0x2  }
0x196: {  	s25 =	spop (v2sf)  }
0x197: {  	v1 =	vld [tilespmem:s25+$0x13240];
	_ =	sdelay $0x3  }
0x198: {  	s21 =	sshll.u32 s23, $0x5  }
0x199: {  	[tilespmem:s21+$0xE740] =	vst v1  }
0x19a: {  	v1 =	vld [tilespmem:s25+$0x13250];
	_ =	sdelay $0x1  }
0x19b: {  	(v2sf) =	vpush v0, $0x2;
	_ =	sdelay $0x2  }
0x19c: {  	[tilespmem:s21+$0xE750] =	vst v1;
	s23 =	spop (v2sf)  }
0x19d: {  	v1 =	vld [tilespmem:s23+$0x13240];
	_ =	sdelay $0x4  }
0x19e: {  	[tilespmem:s21+$0xE760] =	vst v1  }
0x19f: {  	v1 =	vld [tilespmem:s23+$0x13250];
	_ =	sdelay $0x1  }
0x1a0: {  	(v2sf) =	vpush v0, $0x3;
	_ =	sdelay $0x2  }
0x1a1: {  	[tilespmem:s21+$0xE770] =	vst v1;
	s23 =	spop (v2sf)  }
0x1a2: {  	v1 =	vld [tilespmem:s23+$0x13240];
	_ =	sdelay $0x4  }
0x1a3: {  	[tilespmem:s21+$0xE780] =	vst v1  }
0x1a4: {  	v1 =	vld [tilespmem:s23+$0x13250];
	_ =	sdelay $0x1  }
0x1a5: {  	(v2sf) =	vpush v0, $0x4;
	_ =	sdelay $0x2  }
0x1a6: {  	[tilespmem:s21+$0xE790] =	vst v1;
	s23 =	spop (v2sf)  }
0x1a7: {  	v1 =	vld [tilespmem:s23+$0x13240];
	_ =	sdelay $0x4  }
0x1a8: {  	[tilespmem:s21+$0xE7A0] =	vst v1  }
0x1a9: {  	v1 =	vld [tilespmem:s23+$0x13250];
	_ =	sdelay $0x1  }
0x1aa: {  	(v2sf) =	vpush v0, $0x5;
	_ =	sdelay $0x2  }
0x1ab: {  	[tilespmem:s21+$0xE7B0] =	vst v1;
	s23 =	spop (v2sf)  }
0x1ac: {  	v1 =	vld [tilespmem:s23+$0x13240];
	_ =	sdelay $0x4  }
0x1ad: {  	[tilespmem:s21+$0xE7C0] =	vst v1  }
0x1ae: {  	v1 =	vld [tilespmem:s23+$0x13250];
	_ =	sdelay $0x1  }
0x1af: {  	(v2sf) =	vpush v0, $0x6;
	_ =	sdelay $0x2  }
0x1b0: {  	[tilespmem:s21+$0xE7D0] =	vst v1;
	s23 =	spop (v2sf)  }
0x1b1: {  	v1 =	vld [tilespmem:s23+$0x13240];
	_ =	sdelay $0x4  }
0x1b2: {  	[tilespmem:s21+$0xE7E0] =	vst v1  }
0x1b3: {  	v1 =	vld [tilespmem:s23+$0x13250];
	_ =	sdelay $0x1  }
0x1b4: {  	(v2sf) =	vpush v0, $0x7;
	_ =	sdelay $0x2  }
0x1b5: {  	[tilespmem:s21+$0xE7F0] =	vst v1;
	s23 =	spop (v2sf)  }
0x1b6: {  	v1 =	vld [tilespmem:s23+$0x13240];
	_ =	sdelay $0x4  }
0x1b7: {  	[tilespmem:s21+$0xE800] =	vst v1  }
0x1b8: {  	v1 =	vld [tilespmem:s23+$0x13250];
	_ =	sdelay $0x1  }
0x1b9: {  	(v2sf) =	vpush v0, $0x8;
	_ =	sdelay $0x2  }
0x1ba: {  	[tilespmem:s21+$0xE810] =	vst v1;
	s23 =	spop (v2sf)  }
0x1bb: {  	v1 =	vld [tilespmem:s23+$0x13240];
	_ =	sdelay $0x4  }
0x1bc: {  	[tilespmem:s21+$0xE820] =	vst v1  }
0x1bd: {  	v1 =	vld [tilespmem:s23+$0x13250];
	_ =	sdelay $0x1  }
0x1be: {  	(v2sf) =	vpush v0, $0x9;
	_ =	sdelay $0x2  }
0x1bf: {  	[tilespmem:s21+$0xE830] =	vst v1;
	s23 =	spop (v2sf)  }
0x1c0: {  	v1 =	vld [tilespmem:s23+$0x13240];
	_ =	sdelay $0x4  }
0x1c1: {  	[tilespmem:s21+$0xE840] =	vst v1  }
0x1c2: {  	v1 =	vld [tilespmem:s23+$0x13250];
	_ =	sdelay $0x1  }
0x1c3: {  	(v2sf) =	vpush v0, $0xA;
	_ =	sdelay $0x2  }
0x1c4: {  	[tilespmem:s21+$0xE850] =	vst v1;
	s23 =	spop (v2sf)  }
0x1c5: {  	v1 =	vld [tilespmem:s23+$0x13240];
	_ =	sdelay $0x4  }
0x1c6: {  	[tilespmem:s21+$0xE860] =	vst v1  }
0x1c7: {  	v1 =	vld [tilespmem:s23+$0x13250];
	_ =	sdelay $0x1  }
0x1c8: {  	(v2sf) =	vpush v0, $0xB;
	_ =	sdelay $0x2  }
0x1c9: {  	[tilespmem:s21+$0xE870] =	vst v1;
	s23 =	spop (v2sf)  }
0x1ca: {  	v1 =	vld [tilespmem:s23+$0x13240];
	_ =	sdelay $0x4  }
0x1cb: {  	[tilespmem:s21+$0xE880] =	vst v1  }
0x1cc: {  	v1 =	vld [tilespmem:s23+$0x13250];
	_ =	sdelay $0x1  }
0x1cd: {  	(v2sf) =	vpush v0, $0xC;
	_ =	sdelay $0x2  }
0x1ce: {  	[tilespmem:s21+$0xE890] =	vst v1;
	s23 =	spop (v2sf)  }
0x1cf: {  	v1 =	vld [tilespmem:s23+$0x13240];
	_ =	sdelay $0x4  }
0x1d0: {  	[tilespmem:s21+$0xE8A0] =	vst v1  }
0x1d1: {  	v1 =	vld [tilespmem:s23+$0x13250];
	_ =	sdelay $0x1  }
0x1d2: {  	(v2sf) =	vpush v0, $0xD;
	_ =	sdelay $0x2  }
0x1d3: {  	[tilespmem:s21+$0xE8B0] =	vst v1;
	s23 =	spop (v2sf)  }
0x1d4: {  	v1 =	vld [tilespmem:s23+$0x13240];
	_ =	sdelay $0x4  }
0x1d5: {  	[tilespmem:s21+$0xE8C0] =	vst v1  }
0x1d6: {  	v1 =	vld [tilespmem:s23+$0x13250];
	_ =	sdelay $0x1  }
0x1d7: {  	(v2sf) =	vpush v0, $0xE;
	_ =	sdelay $0x2  }
0x1d8: {  	[tilespmem:s21+$0xE8D0] =	vst v1;
	s23 =	spop (v2sf)  }
0x1d9: {  	v1 =	vld [tilespmem:s23+$0x13240];
	_ =	sdelay $0x4  }
0x1da: {  	[tilespmem:s21+$0xE8E0] =	vst v1  }
0x1db: {  	v1 =	vld [tilespmem:s23+$0x13250];
	_ =	sdelay $0x1  }
0x1dc: {  	(v2sf) =	vpush v0, $0xF;
	_ =	sdelay $0x2  }
0x1dd: {  	[tilespmem:s21+$0xE8F0] =	vst v1;
	s23 =	spop (v2sf)  }
0x1de: {  	v0 =	vld [tilespmem:s23+$0x13240];
	_ =	sdelay $0x4  }
0x1df: {  	[tilespmem:s21+$0xE900] =	vst v0  }
0x1e0: {  	v0 =	vld [tilespmem:s23+$0x13250];
	_ =	sdelay $0x4  }
0x1e1: {  	[tilespmem:s21+$0xE910] =	vst v0;
	s23 =	spop (v2sf)  }
0x1e2: {  	v0 =	vld [tilespmem:s23+$0x13240];
	_ =	sdelay $0x4  }
0x1e3: {  	[tilespmem:s21+$0xE920] =	vst v0  }
.Ltmp3:
0x1e4: {  	v0 =	vld [tilespmem:s23+$0x13250];
	(pc) =	sbr.rel @p0 .LBB2_5-.Ltmp3, $1  }
0x1e5: {  	_ =	sdelay $0x3  }
0x1e6: {  	s20 =	smin.u32 s20, $0xB8;
	[tilespmem:s21+$0xE930] =	vst v0  }
0x1e7: {  	v0 =	vld [tilespmem:s20+$0x3E8];
	_ =	sdelay $0x4  }
0x1e8: {  	v0 =	vshll.u32 v0, $0x7  }
0x1e9: {  	v0 =	vshra.s32 v0, $0x2  }
0x1ea: {  	(v2sf) =	vpush v0, $0x0;
	_ =	sdelay $0xb  }
0x1eb: {  	(v2sf) =	vpush v0, $0x1;
	_ =	sdelay $0x2  }
0x1ec: {  	s28 =	spop (v2sf)  }
0x1ed: {  	v1 =	vld [tilespmem:s28+$0x13240];
	_ =	sdelay $0x3  }
0x1ee: {  	s22 =	sshll.u32 s20, $0x5  }
0x1ef: {  	[tilespmem:s22+$0xE740] =	vst v1  }
0x1f0: {  	v1 =	vld [tilespmem:s28+$0x13250];
	_ =	sdelay $0x1  }
0x1f1: {  	(v2sf) =	vpush v0, $0x2;
	_ =	sdelay $0x2  }
0x1f2: {  	s21 =	spop (v2sf);
	[tilespmem:s22+$0xE750] =	vst v1  }
0x1f3: {  	v1 =	vld [tilespmem:s21+$0x13240];
	_ =	sdelay $0x4  }
0x1f4: {  	[tilespmem:s22+$0xE760] =	vst v1  }
0x1f5: {  	v1 =	vld [tilespmem:s21+$0x13250];
	_ =	sdelay $0x1  }
0x1f6: {  	(v2sf) =	vpush v0, $0x3;
	_ =	sdelay $0x2  }
0x1f7: {  	s23 =	spop (v2sf);
	[tilespmem:s22+$0xE770] =	vst v1  }
0x1f8: {  	v1 =	vld [tilespmem:s23+$0x13240];
	_ =	sdelay $0x4  }
0x1f9: {  	[tilespmem:s22+$0xE780] =	vst v1  }
0x1fa: {  	v1 =	vld [tilespmem:s23+$0x13250];
	_ =	sdelay $0x1  }
0x1fb: {  	(v2sf) =	vpush v0, $0x4;
	_ =	sdelay $0x2  }
0x1fc: {  	s25 =	spop (v2sf);
	[tilespmem:s22+$0xE790] =	vst v1  }
0x1fd: {  	v1 =	vld [tilespmem:s25+$0x13240];
	_ =	sdelay $0x4  }
0x1fe: {  	[tilespmem:s22+$0xE7A0] =	vst v1  }
0x1ff: {  	v1 =	vld [tilespmem:s25+$0x13250];
	_ =	sdelay $0x1  }
0x200: {  	(v2sf) =	vpush v0, $0x5;
	_ =	sdelay $0x2  }
0x201: {  	s26 =	spop (v2sf);
	[tilespmem:s22+$0xE7B0] =	vst v1  }
0x202: {  	v1 =	vld [tilespmem:s26+$0x13240];
	_ =	sdelay $0x4  }
0x203: {  	[tilespmem:s22+$0xE7C0] =	vst v1  }
0x204: {  	v1 =	vld [tilespmem:s26+$0x13250];
	_ =	sdelay $0x1  }
0x205: {  	(v2sf) =	vpush v0, $0x6;
	_ =	sdelay $0x2  }
0x206: {  	s28 =	spop (v2sf);
	[tilespmem:s22+$0xE7D0] =	vst v1  }
0x207: {  	v1 =	vld [tilespmem:s28+$0x13240];
	_ =	sdelay $0x4  }
0x208: {  	[tilespmem:s22+$0xE7E0] =	vst v1  }
0x209: {  	v1 =	vld [tilespmem:s28+$0x13250];
	_ =	sdelay $0x1  }
0x20a: {  	(v2sf) =	vpush v0, $0x7;
	_ =	sdelay $0x2  }
0x20b: {  	s21 =	spop (v2sf);
	[tilespmem:s22+$0xE7F0] =	vst v1  }
0x20c: {  	v1 =	vld [tilespmem:s21+$0x13240];
	_ =	sdelay $0x4  }
0x20d: {  	[tilespmem:s22+$0xE800] =	vst v1  }
0x20e: {  	v1 =	vld [tilespmem:s21+$0x13250];
	_ =	sdelay $0x1  }
0x20f: {  	(v2sf) =	vpush v0, $0x8;
	_ =	sdelay $0x2  }
0x210: {  	s23 =	spop (v2sf);
	[tilespmem:s22+$0xE810] =	vst v1  }
0x211: {  	v1 =	vld [tilespmem:s23+$0x13240];
	_ =	sdelay $0x4  }
0x212: {  	[tilespmem:s22+$0xE820] =	vst v1  }
0x213: {  	v1 =	vld [tilespmem:s23+$0x13250];
	_ =	sdelay $0x1  }
0x214: {  	(v2sf) =	vpush v0, $0x9;
	_ =	sdelay $0x2  }
0x215: {  	s25 =	spop (v2sf);
	[tilespmem:s22+$0xE830] =	vst v1  }
0x216: {  	v1 =	vld [tilespmem:s25+$0x13240];
	_ =	sdelay $0x4  }
0x217: {  	[tilespmem:s22+$0xE840] =	vst v1  }
0x218: {  	v1 =	vld [tilespmem:s25+$0x13250];
	_ =	sdelay $0x1  }
0x219: {  	(v2sf) =	vpush v0, $0xA;
	_ =	sdelay $0x2  }
0x21a: {  	s26 =	spop (v2sf);
	[tilespmem:s22+$0xE850] =	vst v1  }
0x21b: {  	v1 =	vld [tilespmem:s26+$0x13240];
	_ =	sdelay $0x4  }
0x21c: {  	[tilespmem:s22+$0xE860] =	vst v1  }
0x21d: {  	v1 =	vld [tilespmem:s26+$0x13250];
	_ =	sdelay $0x1  }
0x21e: {  	(v2sf) =	vpush v0, $0xB;
	_ =	sdelay $0x2  }
0x21f: {  	s28 =	spop (v2sf);
	[tilespmem:s22+$0xE870] =	vst v1  }
0x220: {  	v1 =	vld [tilespmem:s28+$0x13240];
	_ =	sdelay $0x4  }
0x221: {  	[tilespmem:s22+$0xE880] =	vst v1  }
0x222: {  	v1 =	vld [tilespmem:s28+$0x13250];
	_ =	sdelay $0x1  }
0x223: {  	(v2sf) =	vpush v0, $0xC;
	_ =	sdelay $0x2  }
0x224: {  	s21 =	spop (v2sf);
	[tilespmem:s22+$0xE890] =	vst v1  }
0x225: {  	v1 =	vld [tilespmem:s21+$0x13240];
	_ =	sdelay $0x4  }
0x226: {  	[tilespmem:s22+$0xE8A0] =	vst v1  }
0x227: {  	v1 =	vld [tilespmem:s21+$0x13250];
	_ =	sdelay $0x1  }
0x228: {  	(v2sf) =	vpush v0, $0xD;
	_ =	sdelay $0x2  }
0x229: {  	s23 =	spop (v2sf);
	[tilespmem:s22+$0xE8B0] =	vst v1  }
0x22a: {  	v1 =	vld [tilespmem:s23+$0x13240];
	_ =	sdelay $0x4  }
0x22b: {  	[tilespmem:s22+$0xE8C0] =	vst v1  }
0x22c: {  	v1 =	vld [tilespmem:s23+$0x13250];
	_ =	sdelay $0x1  }
0x22d: {  	(v2sf) =	vpush v0, $0xE;
	_ =	sdelay $0x2  }
0x22e: {  	s25 =	spop (v2sf);
	[tilespmem:s22+$0xE8D0] =	vst v1  }
0x22f: {  	v1 =	vld [tilespmem:s25+$0x13240];
	_ =	sdelay $0x4  }
0x230: {  	[tilespmem:s22+$0xE8E0] =	vst v1  }
0x231: {  	v1 =	vld [tilespmem:s25+$0x13250];
	_ =	sdelay $0x1  }
0x232: {  	(v2sf) =	vpush v0, $0xF;
	_ =	sdelay $0x2  }
0x233: {  	s26 =	spop (v2sf);
	[tilespmem:s22+$0xE8F0] =	vst v1  }
0x234: {  	v0 =	vld [tilespmem:s26+$0x13240];
	_ =	sdelay $0x4  }
0x235: {  	[tilespmem:s22+$0xE900] =	vst v0  }
0x236: {  	v0 =	vld [tilespmem:s26+$0x13250];
	_ =	sdelay $0x4  }
0x237: {  	s28 =	spop (v2sf);
	[tilespmem:s22+$0xE910] =	vst v0  }
0x238: {  	v0 =	vld [tilespmem:s28+$0x13240];
	_ =	sdelay $0x4  }
0x239: {  	[tilespmem:s22+$0xE920] =	vst v0  }
0x23a: {  	p1 =	por $0x1, $0x1;
	v0 =	vld [tilespmem:s28+$0x13250]  }
.Ltmp4:
0x23b: {  	_ = 	snop;
	(pc) =	sbr.rel @!p1 .LBB2_10-.Ltmp4, $3  }
0x23c: {  	_ =	sdelay $0x1  }
0x23d: {  	p0 =	por $0x0, $0x0;
	p2 =	por $0x0, $0x0  }
0x23e: {  	s20 =	simm.s32 $0x10;
	s21 =	simm.s32 $0x0;
	s23 =	simm.s32 $0x0;
	[tilespmem:s22+$0xE930] =	vst v0  }
0x23f: {  	s22 =	smin.u32 s21, $0xB8  }
0x240: {  	v0 =	vld [tilespmem:s22+$0x4B0];
	_ =	sdelay $0x4  }
0x241: {  	v0 =	vshll.u32 v0, $0x7  }
0x242: {  	v0 =	vshra.s32 v0, $0x2  }
0x243: {  	(v2sf) =	vpush v0, $0x0;
	_ =	sdelay $0xb  }
0x244: {  	(v2sf) =	vpush v0, $0x1;
	_ =	sdelay $0x2  }
0x245: {  	s23 =	spop (v2sf)  }
0x246: {  	v1 =	vld [tilespmem:s23+$0x13240];
	_ =	sdelay $0x3  }
0x247: {  	s22 =	sshll.u32 s22, $0x5  }
0x248: {  	[tilespmem:s22+$0x10040] =	vst v1  }
0x249: {  	v1 =	vld [tilespmem:s23+$0x13250];
	_ =	sdelay $0x1  }
0x24a: {  	(v2sf) =	vpush v0, $0x2;
	_ =	sdelay $0x2  }
0x24b: {  	s25 =	spop (v2sf);
	[tilespmem:s22+$0x10050] =	vst v1  }
0x24c: {  	v1 =	vld [tilespmem:s25+$0x13240];
	_ =	sdelay $0x4  }
0x24d: {  	[tilespmem:s22+$0x10060] =	vst v1  }
0x24e: {  	v1 =	vld [tilespmem:s25+$0x13250];
	_ =	sdelay $0x1  }
0x24f: {  	(v2sf) =	vpush v0, $0x3;
	_ =	sdelay $0x2  }
0x250: {  	s26 =	spop (v2sf);
	[tilespmem:s22+$0x10070] =	vst v1  }
0x251: {  	v1 =	vld [tilespmem:s26+$0x13240];
	_ =	sdelay $0x4  }
0x252: {  	[tilespmem:s22+$0x10080] =	vst v1  }
0x253: {  	v1 =	vld [tilespmem:s26+$0x13250];
	_ =	sdelay $0x1  }
0x254: {  	(v2sf) =	vpush v0, $0x4;
	_ =	sdelay $0x2  }
0x255: {  	s28 =	spop (v2sf);
	[tilespmem:s22+$0x10090] =	vst v1  }
0x256: {  	v1 =	vld [tilespmem:s28+$0x13240];
	_ =	sdelay $0x4  }
0x257: {  	[tilespmem:s22+$0x100A0] =	vst v1  }
0x258: {  	v1 =	vld [tilespmem:s28+$0x13250];
	_ =	sdelay $0x1  }
0x259: {  	(v2sf) =	vpush v0, $0x5;
	_ =	sdelay $0x2  }
0x25a: {  	s25 =	spop (v2sf);
	[tilespmem:s22+$0x100B0] =	vst v1  }
0x25b: {  	v1 =	vld [tilespmem:s25+$0x13240];
	_ =	sdelay $0x4  }
0x25c: {  	[tilespmem:s22+$0x100C0] =	vst v1  }
0x25d: {  	v1 =	vld [tilespmem:s25+$0x13250];
	_ =	sdelay $0x1  }
0x25e: {  	(v2sf) =	vpush v0, $0x6;
	_ =	sdelay $0x2  }
0x25f: {  	s26 =	spop (v2sf);
	[tilespmem:s22+$0x100D0] =	vst v1  }
0x260: {  	v1 =	vld [tilespmem:s26+$0x13240];
	_ =	sdelay $0x4  }
0x261: {  	[tilespmem:s22+$0x100E0] =	vst v1  }
0x262: {  	v1 =	vld [tilespmem:s26+$0x13250];
	_ =	sdelay $0x1  }
0x263: {  	(v2sf) =	vpush v0, $0x7;
	_ =	sdelay $0x2  }
0x264: {  	s28 =	spop (v2sf);
	[tilespmem:s22+$0x100F0] =	vst v1  }
0x265: {  	v1 =	vld [tilespmem:s28+$0x13240];
	_ =	sdelay $0x4  }
0x266: {  	[tilespmem:s22+$0x10100] =	vst v1  }
0x267: {  	v1 =	vld [tilespmem:s28+$0x13250];
	_ =	sdelay $0x1  }
0x268: {  	(v2sf) =	vpush v0, $0x8;
	_ =	sdelay $0x2  }
0x269: {  	s25 =	spop (v2sf);
	[tilespmem:s22+$0x10110] =	vst v1  }
0x26a: {  	v1 =	vld [tilespmem:s25+$0x13240];
	_ =	sdelay $0x4  }
0x26b: {  	[tilespmem:s22+$0x10120] =	vst v1  }
0x26c: {  	v1 =	vld [tilespmem:s25+$0x13250];
	_ =	sdelay $0x1  }
0x26d: {  	(v2sf) =	vpush v0, $0x9;
	_ =	sdelay $0x2  }
0x26e: {  	s26 =	spop (v2sf);
	[tilespmem:s22+$0x10130] =	vst v1  }
0x26f: {  	v1 =	vld [tilespmem:s26+$0x13240];
	_ =	sdelay $0x4  }
0x270: {  	[tilespmem:s22+$0x10140] =	vst v1  }
0x271: {  	v1 =	vld [tilespmem:s26+$0x13250];
	_ =	sdelay $0x1  }
0x272: {  	(v2sf) =	vpush v0, $0xA;
	_ =	sdelay $0x2  }
0x273: {  	s28 =	spop (v2sf);
	[tilespmem:s22+$0x10150] =	vst v1  }
0x274: {  	v1 =	vld [tilespmem:s28+$0x13240];
	_ =	sdelay $0x4  }
0x275: {  	[tilespmem:s22+$0x10160] =	vst v1  }
0x276: {  	v1 =	vld [tilespmem:s28+$0x13250];
	_ =	sdelay $0x1  }
0x277: {  	(v2sf) =	vpush v0, $0xB;
	_ =	sdelay $0x2  }
0x278: {  	s25 =	spop (v2sf);
	[tilespmem:s22+$0x10170] =	vst v1  }
0x279: {  	v1 =	vld [tilespmem:s25+$0x13240];
	_ =	sdelay $0x4  }
0x27a: {  	[tilespmem:s22+$0x10180] =	vst v1  }
0x27b: {  	v1 =	vld [tilespmem:s25+$0x13250];
	_ =	sdelay $0x1  }
0x27c: {  	(v2sf) =	vpush v0, $0xC;
	_ =	sdelay $0x2  }
0x27d: {  	s26 =	spop (v2sf);
	[tilespmem:s22+$0x10190] =	vst v1  }
0x27e: {  	v1 =	vld [tilespmem:s26+$0x13240];
	_ =	sdelay $0x4  }
0x27f: {  	[tilespmem:s22+$0x101A0] =	vst v1  }
0x280: {  	v1 =	vld [tilespmem:s26+$0x13250];
	_ =	sdelay $0x1  }
0x281: {  	(v2sf) =	vpush v0, $0xD;
	_ =	sdelay $0x2  }
0x282: {  	s28 =	spop (v2sf);
	[tilespmem:s22+$0x101B0] =	vst v1  }
0x283: {  	v1 =	vld [tilespmem:s28+$0x13240];
	_ =	sdelay $0x4  }
0x284: {  	[tilespmem:s22+$0x101C0] =	vst v1  }
0x285: {  	v1 =	vld [tilespmem:s28+$0x13250];
	_ =	sdelay $0x1  }
0x286: {  	(v2sf) =	vpush v0, $0xE;
	_ =	sdelay $0x2  }
0x287: {  	s25 =	spop (v2sf);
	[tilespmem:s22+$0x101D0] =	vst v1  }
0x288: {  	v1 =	vld [tilespmem:s25+$0x13240];
	_ =	sdelay $0x4  }
0x289: {  	[tilespmem:s22+$0x101E0] =	vst v1  }
0x28a: {  	v1 =	vld [tilespmem:s25+$0x13250];
	_ =	sdelay $0x1  }
0x28b: {  	(v2sf) =	vpush v0, $0xF;
	_ =	sdelay $0x2  }
0x28c: {  	s26 =	spop (v2sf);
	[tilespmem:s22+$0x101F0] =	vst v1  }
0x28d: {  	v0 =	vld [tilespmem:s26+$0x13240];
	_ =	sdelay $0x4  }
0x28e: {  	[tilespmem:s22+$0x10200] =	vst v0  }
0x28f: {  	v0 =	vld [tilespmem:s26+$0x13250];
	_ =	sdelay $0x4  }
0x290: {  	s28 =	spop (v2sf);
	[tilespmem:s22+$0x10210] =	vst v0  }
0x291: {  	v0 =	vld [tilespmem:s28+$0x13240]  }
0x292: {  	p3 =	por $0x1, $0x1  }
.Ltmp5:
0x293: {  	_ = 	snop;
	(pc) =	sbr.rel @!p3 .LBB2_8-.Ltmp5, $3  }
0x294: {  	_ =	sdelay $0x1  }
0x295: {  	[tilespmem:s22+$0x10220] =	vst v0  }
0x296: {  	p2 =	por $0x1, $0x1;
	s23 =	simm.s32 $0x10;
	s25 =	simm.s32 $0x20;
	v0 =	vld [tilespmem:s28+$0x13250]  }
.LBB2_9:
0x297: {  	_ =	sdelay $0x2  }
0x298: {  	p3 =	sne.s32 s25, $0xC0  }
0x299: {  	s26 =	smin.u32 s23, $0xB8;
	s23 =	smov.u32 s25;
	s25 =	sadd.s32 $0x10, s25;
	[tilespmem:s22+$0x10230] =	vst v0  }
0x29a: {  	v0 =	vld [tilespmem:s26+$0x4B0];
	_ =	sdelay $0x4  }
0x29b: {  	v0 =	vshll.u32 v0, $0x7  }
0x29c: {  	v0 =	vshra.s32 v0, $0x2  }
0x29d: {  	(v2sf) =	vpush v0, $0x0;
	_ =	sdelay $0xb  }
0x29e: {  	(v2sf) =	vpush v0, $0x1;
	_ =	sdelay $0x2  }
0x29f: {  	s28 =	spop (v2sf)  }
0x2a0: {  	v1 =	vld [tilespmem:s28+$0x13240];
	_ =	sdelay $0x3  }
0x2a1: {  	s22 =	sshll.u32 s26, $0x5  }
0x2a2: {  	[tilespmem:s22+$0x10040] =	vst v1  }
0x2a3: {  	v1 =	vld [tilespmem:s28+$0x13250];
	_ =	sdelay $0x1  }
0x2a4: {  	(v2sf) =	vpush v0, $0x2;
	_ =	sdelay $0x2  }
0x2a5: {  	[tilespmem:s22+$0x10050] =	vst v1;
	s26 =	spop (v2sf)  }
0x2a6: {  	v1 =	vld [tilespmem:s26+$0x13240];
	_ =	sdelay $0x4  }
0x2a7: {  	[tilespmem:s22+$0x10060] =	vst v1  }
0x2a8: {  	v1 =	vld [tilespmem:s26+$0x13250];
	_ =	sdelay $0x1  }
0x2a9: {  	(v2sf) =	vpush v0, $0x3;
	_ =	sdelay $0x2  }
0x2aa: {  	[tilespmem:s22+$0x10070] =	vst v1;
	s26 =	spop (v2sf)  }
0x2ab: {  	v1 =	vld [tilespmem:s26+$0x13240];
	_ =	sdelay $0x4  }
0x2ac: {  	[tilespmem:s22+$0x10080] =	vst v1  }
0x2ad: {  	v1 =	vld [tilespmem:s26+$0x13250];
	_ =	sdelay $0x1  }
0x2ae: {  	(v2sf) =	vpush v0, $0x4;
	_ =	sdelay $0x2  }
0x2af: {  	[tilespmem:s22+$0x10090] =	vst v1;
	s26 =	spop (v2sf)  }
0x2b0: {  	v1 =	vld [tilespmem:s26+$0x13240];
	_ =	sdelay $0x4  }
0x2b1: {  	[tilespmem:s22+$0x100A0] =	vst v1  }
0x2b2: {  	v1 =	vld [tilespmem:s26+$0x13250];
	_ =	sdelay $0x1  }
0x2b3: {  	(v2sf) =	vpush v0, $0x5;
	_ =	sdelay $0x2  }
0x2b4: {  	[tilespmem:s22+$0x100B0] =	vst v1;
	s26 =	spop (v2sf)  }
0x2b5: {  	v1 =	vld [tilespmem:s26+$0x13240];
	_ =	sdelay $0x4  }
0x2b6: {  	[tilespmem:s22+$0x100C0] =	vst v1  }
0x2b7: {  	v1 =	vld [tilespmem:s26+$0x13250];
	_ =	sdelay $0x1  }
0x2b8: {  	(v2sf) =	vpush v0, $0x6;
	_ =	sdelay $0x2  }
0x2b9: {  	[tilespmem:s22+$0x100D0] =	vst v1;
	s26 =	spop (v2sf)  }
0x2ba: {  	v1 =	vld [tilespmem:s26+$0x13240];
	_ =	sdelay $0x4  }
0x2bb: {  	[tilespmem:s22+$0x100E0] =	vst v1  }
0x2bc: {  	v1 =	vld [tilespmem:s26+$0x13250];
	_ =	sdelay $0x1  }
0x2bd: {  	(v2sf) =	vpush v0, $0x7;
	_ =	sdelay $0x2  }
0x2be: {  	[tilespmem:s22+$0x100F0] =	vst v1;
	s26 =	spop (v2sf)  }
0x2bf: {  	v1 =	vld [tilespmem:s26+$0x13240];
	_ =	sdelay $0x4  }
0x2c0: {  	[tilespmem:s22+$0x10100] =	vst v1  }
0x2c1: {  	v1 =	vld [tilespmem:s26+$0x13250];
	_ =	sdelay $0x1  }
0x2c2: {  	(v2sf) =	vpush v0, $0x8;
	_ =	sdelay $0x2  }
0x2c3: {  	[tilespmem:s22+$0x10110] =	vst v1;
	s26 =	spop (v2sf)  }
0x2c4: {  	v1 =	vld [tilespmem:s26+$0x13240];
	_ =	sdelay $0x4  }
0x2c5: {  	[tilespmem:s22+$0x10120] =	vst v1  }
0x2c6: {  	v1 =	vld [tilespmem:s26+$0x13250];
	_ =	sdelay $0x1  }
0x2c7: {  	(v2sf) =	vpush v0, $0x9;
	_ =	sdelay $0x2  }
0x2c8: {  	[tilespmem:s22+$0x10130] =	vst v1;
	s26 =	spop (v2sf)  }
0x2c9: {  	v1 =	vld [tilespmem:s26+$0x13240];
	_ =	sdelay $0x4  }
0x2ca: {  	[tilespmem:s22+$0x10140] =	vst v1  }
0x2cb: {  	v1 =	vld [tilespmem:s26+$0x13250];
	_ =	sdelay $0x1  }
0x2cc: {  	(v2sf) =	vpush v0, $0xA;
	_ =	sdelay $0x2  }
0x2cd: {  	[tilespmem:s22+$0x10150] =	vst v1;
	s26 =	spop (v2sf)  }
0x2ce: {  	v1 =	vld [tilespmem:s26+$0x13240];
	_ =	sdelay $0x4  }
0x2cf: {  	[tilespmem:s22+$0x10160] =	vst v1  }
0x2d0: {  	v1 =	vld [tilespmem:s26+$0x13250];
	_ =	sdelay $0x1  }
0x2d1: {  	(v2sf) =	vpush v0, $0xB;
	_ =	sdelay $0x2  }
0x2d2: {  	[tilespmem:s22+$0x10170] =	vst v1;
	s26 =	spop (v2sf)  }
0x2d3: {  	v1 =	vld [tilespmem:s26+$0x13240];
	_ =	sdelay $0x4  }
0x2d4: {  	[tilespmem:s22+$0x10180] =	vst v1  }
0x2d5: {  	v1 =	vld [tilespmem:s26+$0x13250];
	_ =	sdelay $0x1  }
0x2d6: {  	(v2sf) =	vpush v0, $0xC;
	_ =	sdelay $0x2  }
0x2d7: {  	[tilespmem:s22+$0x10190] =	vst v1;
	s26 =	spop (v2sf)  }
0x2d8: {  	v1 =	vld [tilespmem:s26+$0x13240];
	_ =	sdelay $0x4  }
0x2d9: {  	[tilespmem:s22+$0x101A0] =	vst v1  }
0x2da: {  	v1 =	vld [tilespmem:s26+$0x13250];
	_ =	sdelay $0x1  }
0x2db: {  	(v2sf) =	vpush v0, $0xD;
	_ =	sdelay $0x2  }
0x2dc: {  	[tilespmem:s22+$0x101B0] =	vst v1;
	s26 =	spop (v2sf)  }
0x2dd: {  	v1 =	vld [tilespmem:s26+$0x13240];
	_ =	sdelay $0x4  }
0x2de: {  	[tilespmem:s22+$0x101C0] =	vst v1  }
0x2df: {  	v1 =	vld [tilespmem:s26+$0x13250];
	_ =	sdelay $0x1  }
0x2e0: {  	(v2sf) =	vpush v0, $0xE;
	_ =	sdelay $0x2  }
0x2e1: {  	[tilespmem:s22+$0x101D0] =	vst v1;
	s26 =	spop (v2sf)  }
0x2e2: {  	v1 =	vld [tilespmem:s26+$0x13240];
	_ =	sdelay $0x4  }
0x2e3: {  	[tilespmem:s22+$0x101E0] =	vst v1  }
0x2e4: {  	v1 =	vld [tilespmem:s26+$0x13250];
	_ =	sdelay $0x1  }
0x2e5: {  	(v2sf) =	vpush v0, $0xF;
	_ =	sdelay $0x2  }
0x2e6: {  	[tilespmem:s22+$0x101F0] =	vst v1;
	s26 =	spop (v2sf)  }
0x2e7: {  	v0 =	vld [tilespmem:s26+$0x13240];
	_ =	sdelay $0x4  }
0x2e8: {  	[tilespmem:s22+$0x10200] =	vst v0  }
0x2e9: {  	v0 =	vld [tilespmem:s26+$0x13250];
	_ =	sdelay $0x4  }
0x2ea: {  	[tilespmem:s22+$0x10210] =	vst v0;
	s26 =	spop (v2sf)  }
0x2eb: {  	v0 =	vld [tilespmem:s26+$0x13240];
	_ =	sdelay $0x1  }
.Ltmp6:
0x2ec: {  	(pc) =	sbr.rel @p3 .LBB2_9-.Ltmp6, $3  }
0x2ed: {  	_ =	sdelay $0x1  }
0x2ee: {  	[tilespmem:s22+$0x10220] =	vst v0  }
0x2ef: {  	v0 =	vld [tilespmem:s26+$0x13250]  }
.LBB2_10:
0x2f0: {  	_ =	sdelay $0x3  }
0x2f1: {  	s23 =	smin.u32 s23, $0xB8;
	[tilespmem:s22+$0x10230] =	vst @p2 v0  }
0x2f2: {  	v0 =	vld [tilespmem:s23+$0x4B0];
	_ =	sdelay $0x4  }
0x2f3: {  	v0 =	vshll.u32 v0, $0x7  }
0x2f4: {  	v0 =	vshra.s32 v0, $0x2  }
0x2f5: {  	(v2sf) =	vpush v0, $0x0;
	_ =	sdelay $0xb  }
0x2f6: {  	(v2sf) =	vpush v0, $0x1;
	_ =	sdelay $0x2  }
0x2f7: {  	s25 =	spop (v2sf)  }
0x2f8: {  	v1 =	vld [tilespmem:s25+$0x13240];
	_ =	sdelay $0x3  }
0x2f9: {  	s22 =	sshll.u32 s23, $0x5  }
0x2fa: {  	[tilespmem:s22+$0x10040] =	vst v1  }
0x2fb: {  	v1 =	vld [tilespmem:s25+$0x13250];
	_ =	sdelay $0x1  }
0x2fc: {  	(v2sf) =	vpush v0, $0x2;
	_ =	sdelay $0x2  }
0x2fd: {  	s25 =	spop (v2sf);
	[tilespmem:s22+$0x10050] =	vst v1  }
0x2fe: {  	v1 =	vld [tilespmem:s25+$0x13240];
	_ =	sdelay $0x4  }
0x2ff: {  	[tilespmem:s22+$0x10060] =	vst v1  }
0x300: {  	v1 =	vld [tilespmem:s25+$0x13250];
	_ =	sdelay $0x1  }
0x301: {  	(v2sf) =	vpush v0, $0x3;
	_ =	sdelay $0x2  }
0x302: {  	s26 =	spop (v2sf);
	[tilespmem:s22+$0x10070] =	vst v1  }
0x303: {  	v1 =	vld [tilespmem:s26+$0x13240];
	_ =	sdelay $0x4  }
0x304: {  	[tilespmem:s22+$0x10080] =	vst v1  }
0x305: {  	v1 =	vld [tilespmem:s26+$0x13250];
	_ =	sdelay $0x1  }
0x306: {  	(v2sf) =	vpush v0, $0x4;
	_ =	sdelay $0x2  }
0x307: {  	s28 =	spop (v2sf);
	[tilespmem:s22+$0x10090] =	vst v1  }
0x308: {  	v1 =	vld [tilespmem:s28+$0x13240];
	_ =	sdelay $0x4  }
0x309: {  	[tilespmem:s22+$0x100A0] =	vst v1  }
0x30a: {  	v1 =	vld [tilespmem:s28+$0x13250];
	_ =	sdelay $0x1  }
0x30b: {  	(v2sf) =	vpush v0, $0x5;
	_ =	sdelay $0x2  }
0x30c: {  	s25 =	spop (v2sf);
	[tilespmem:s22+$0x100B0] =	vst v1  }
0x30d: {  	v1 =	vld [tilespmem:s25+$0x13240];
	_ =	sdelay $0x4  }
0x30e: {  	[tilespmem:s22+$0x100C0] =	vst v1  }
0x30f: {  	v1 =	vld [tilespmem:s25+$0x13250];
	_ =	sdelay $0x1  }
0x310: {  	(v2sf) =	vpush v0, $0x6;
	_ =	sdelay $0x2  }
0x311: {  	s26 =	spop (v2sf);
	[tilespmem:s22+$0x100D0] =	vst v1  }
0x312: {  	v1 =	vld [tilespmem:s26+$0x13240];
	_ =	sdelay $0x4  }
0x313: {  	[tilespmem:s22+$0x100E0] =	vst v1  }
0x314: {  	v1 =	vld [tilespmem:s26+$0x13250];
	_ =	sdelay $0x1  }
0x315: {  	(v2sf) =	vpush v0, $0x7;
	_ =	sdelay $0x2  }
0x316: {  	s28 =	spop (v2sf);
	[tilespmem:s22+$0x100F0] =	vst v1  }
0x317: {  	v1 =	vld [tilespmem:s28+$0x13240];
	_ =	sdelay $0x4  }
0x318: {  	[tilespmem:s22+$0x10100] =	vst v1  }
0x319: {  	v1 =	vld [tilespmem:s28+$0x13250];
	_ =	sdelay $0x1  }
0x31a: {  	(v2sf) =	vpush v0, $0x8;
	_ =	sdelay $0x2  }
0x31b: {  	s25 =	spop (v2sf);
	[tilespmem:s22+$0x10110] =	vst v1  }
0x31c: {  	v1 =	vld [tilespmem:s25+$0x13240];
	_ =	sdelay $0x4  }
0x31d: {  	[tilespmem:s22+$0x10120] =	vst v1  }
0x31e: {  	v1 =	vld [tilespmem:s25+$0x13250];
	_ =	sdelay $0x1  }
0x31f: {  	(v2sf) =	vpush v0, $0x9;
	_ =	sdelay $0x2  }
0x320: {  	s26 =	spop (v2sf);
	[tilespmem:s22+$0x10130] =	vst v1  }
0x321: {  	v1 =	vld [tilespmem:s26+$0x13240];
	_ =	sdelay $0x4  }
0x322: {  	[tilespmem:s22+$0x10140] =	vst v1  }
0x323: {  	v1 =	vld [tilespmem:s26+$0x13250];
	_ =	sdelay $0x1  }
0x324: {  	(v2sf) =	vpush v0, $0xA;
	_ =	sdelay $0x2  }
0x325: {  	s28 =	spop (v2sf);
	[tilespmem:s22+$0x10150] =	vst v1  }
0x326: {  	v1 =	vld [tilespmem:s28+$0x13240];
	_ =	sdelay $0x4  }
0x327: {  	[tilespmem:s22+$0x10160] =	vst v1  }
0x328: {  	v1 =	vld [tilespmem:s28+$0x13250];
	_ =	sdelay $0x1  }
0x329: {  	(v2sf) =	vpush v0, $0xB;
	_ =	sdelay $0x2  }
0x32a: {  	s25 =	spop (v2sf);
	[tilespmem:s22+$0x10170] =	vst v1  }
0x32b: {  	v1 =	vld [tilespmem:s25+$0x13240];
	_ =	sdelay $0x4  }
0x32c: {  	[tilespmem:s22+$0x10180] =	vst v1  }
0x32d: {  	v1 =	vld [tilespmem:s25+$0x13250];
	_ =	sdelay $0x1  }
0x32e: {  	(v2sf) =	vpush v0, $0xC;
	_ =	sdelay $0x2  }
0x32f: {  	s26 =	spop (v2sf);
	[tilespmem:s22+$0x10190] =	vst v1  }
0x330: {  	v1 =	vld [tilespmem:s26+$0x13240];
	_ =	sdelay $0x4  }
0x331: {  	[tilespmem:s22+$0x101A0] =	vst v1  }
0x332: {  	v1 =	vld [tilespmem:s26+$0x13250];
	_ =	sdelay $0x1  }
0x333: {  	(v2sf) =	vpush v0, $0xD;
	_ =	sdelay $0x2  }
0x334: {  	s28 =	spop (v2sf);
	[tilespmem:s22+$0x101B0] =	vst v1  }
0x335: {  	v1 =	vld [tilespmem:s28+$0x13240];
	_ =	sdelay $0x4  }
0x336: {  	[tilespmem:s22+$0x101C0] =	vst v1  }
0x337: {  	v1 =	vld [tilespmem:s28+$0x13250];
	_ =	sdelay $0x1  }
0x338: {  	(v2sf) =	vpush v0, $0xE;
	_ =	sdelay $0x2  }
0x339: {  	s25 =	spop (v2sf);
	[tilespmem:s22+$0x101D0] =	vst v1  }
0x33a: {  	v1 =	vld [tilespmem:s25+$0x13240];
	_ =	sdelay $0x4  }
0x33b: {  	[tilespmem:s22+$0x101E0] =	vst v1  }
0x33c: {  	v1 =	vld [tilespmem:s25+$0x13250];
	_ =	sdelay $0x1  }
0x33d: {  	(v2sf) =	vpush v0, $0xF;
	_ =	sdelay $0x2  }
0x33e: {  	s26 =	spop (v2sf);
	[tilespmem:s22+$0x101F0] =	vst v1  }
0x33f: {  	v63 =	vld [tilespmem:s26+$0x13240];
	_ =	sdelay $0x4  }
0x340: {  	[tilespmem:s22+$0x10200] =	vst v63  }
0x341: {  	v0 =	vld [tilespmem:s26+$0x13250];
	_ =	sdelay $0x4  }
0x342: {  	s28 =	spop (v2sf);
	[tilespmem:s22+$0x10210] =	vst v0  }
0x343: {  	v0 =	vld [tilespmem:s28+$0x13240];
	_ =	sdelay $0x4  }
0x344: {  	[tilespmem:s22+$0x10220] =	vst v0  }
0x345: {  	v0 =	vld [tilespmem:s28+$0x13250]  }
.Ltmp7:
0x346: {  	_ = 	snop;
	(pc) =	sbr.rel @!p1 .LBB2_11-.Ltmp7, $2  }
0x347: {  	_ =	sdelay $0x2  }
0x348: {  	[tilespmem:s22+$0x10230] =	vst v0  }
0x349: {  	s21 =	smin.u32 s21, $0xB8  }
0x34a: {  	v0 =	vld [tilespmem:s21+$0x578];
	_ =	sdelay $0x4  }
0x34b: {  	v0 =	vshll.u32 v0, $0x7  }
0x34c: {  	v0 =	vshra.s32 v0, $0x2  }
0x34d: {  	(v2sf) =	vpush v0, $0x0;
	_ =	sdelay $0xb  }
0x34e: {  	(v2sf) =	vpush v0, $0x1;
	_ =	sdelay $0x2  }
0x34f: {  	s23 =	spop (v2sf)  }
0x350: {  	v1 =	vld [tilespmem:s23+$0x13240];
	_ =	sdelay $0x3  }
0x351: {  	s22 =	sshll.u32 s21, $0x5  }
0x352: {  	[tilespmem:s22+$0x11940] =	vst v1  }
0x353: {  	v1 =	vld [tilespmem:s23+$0x13250];
	_ =	sdelay $0x1  }
0x354: {  	(v2sf) =	vpush v0, $0x2;
	_ =	sdelay $0x2  }
0x355: {  	s25 =	spop (v2sf);
	[tilespmem:s22+$0x11950] =	vst v1  }
0x356: {  	v1 =	vld [tilespmem:s25+$0x13240];
	_ =	sdelay $0x4  }
0x357: {  	[tilespmem:s22+$0x11960] =	vst v1  }
0x358: {  	v1 =	vld [tilespmem:s25+$0x13250];
	_ =	sdelay $0x1  }
0x359: {  	(v2sf) =	vpush v0, $0x3;
	_ =	sdelay $0x2  }
0x35a: {  	s26 =	spop (v2sf);
	[tilespmem:s22+$0x11970] =	vst v1  }
0x35b: {  	v1 =	vld [tilespmem:s26+$0x13240];
	_ =	sdelay $0x4  }
0x35c: {  	[tilespmem:s22+$0x11980] =	vst v1  }
0x35d: {  	v1 =	vld [tilespmem:s26+$0x13250];
	_ =	sdelay $0x1  }
0x35e: {  	(v2sf) =	vpush v0, $0x4;
	_ =	sdelay $0x2  }
0x35f: {  	s28 =	spop (v2sf);
	[tilespmem:s22+$0x11990] =	vst v1  }
0x360: {  	v1 =	vld [tilespmem:s28+$0x13240];
	_ =	sdelay $0x4  }
0x361: {  	[tilespmem:s22+$0x119A0] =	vst v1  }
0x362: {  	v1 =	vld [tilespmem:s28+$0x13250];
	_ =	sdelay $0x1  }
0x363: {  	(v2sf) =	vpush v0, $0x5;
	_ =	sdelay $0x2  }
0x364: {  	s23 =	spop (v2sf);
	[tilespmem:s22+$0x119B0] =	vst v1  }
0x365: {  	v1 =	vld [tilespmem:s23+$0x13240];
	_ =	sdelay $0x4  }
0x366: {  	[tilespmem:s22+$0x119C0] =	vst v1  }
0x367: {  	v1 =	vld [tilespmem:s23+$0x13250];
	_ =	sdelay $0x1  }
0x368: {  	(v2sf) =	vpush v0, $0x6;
	_ =	sdelay $0x2  }
0x369: {  	s25 =	spop (v2sf);
	[tilespmem:s22+$0x119D0] =	vst v1  }
0x36a: {  	v1 =	vld [tilespmem:s25+$0x13240];
	_ =	sdelay $0x4  }
0x36b: {  	[tilespmem:s22+$0x119E0] =	vst v1  }
0x36c: {  	v1 =	vld [tilespmem:s25+$0x13250];
	_ =	sdelay $0x1  }
0x36d: {  	(v2sf) =	vpush v0, $0x7;
	_ =	sdelay $0x2  }
0x36e: {  	s26 =	spop (v2sf);
	[tilespmem:s22+$0x119F0] =	vst v1  }
0x36f: {  	v1 =	vld [tilespmem:s26+$0x13240];
	_ =	sdelay $0x4  }
0x370: {  	[tilespmem:s22+$0x11A00] =	vst v1  }
0x371: {  	v1 =	vld [tilespmem:s26+$0x13250];
	_ =	sdelay $0x1  }
0x372: {  	(v2sf) =	vpush v0, $0x8;
	_ =	sdelay $0x2  }
0x373: {  	s28 =	spop (v2sf);
	[tilespmem:s22+$0x11A10] =	vst v1  }
0x374: {  	v1 =	vld [tilespmem:s28+$0x13240];
	_ =	sdelay $0x4  }
0x375: {  	[tilespmem:s22+$0x11A20] =	vst v1  }
0x376: {  	v1 =	vld [tilespmem:s28+$0x13250];
	_ =	sdelay $0x1  }
0x377: {  	(v2sf) =	vpush v0, $0x9;
	_ =	sdelay $0x2  }
0x378: {  	s23 =	spop (v2sf);
	[tilespmem:s22+$0x11A30] =	vst v1  }
0x379: {  	v1 =	vld [tilespmem:s23+$0x13240];
	_ =	sdelay $0x4  }
0x37a: {  	[tilespmem:s22+$0x11A40] =	vst v1  }
0x37b: {  	v1 =	vld [tilespmem:s23+$0x13250];
	_ =	sdelay $0x1  }
0x37c: {  	(v2sf) =	vpush v0, $0xA;
	_ =	sdelay $0x2  }
0x37d: {  	s25 =	spop (v2sf);
	[tilespmem:s22+$0x11A50] =	vst v1  }
0x37e: {  	v1 =	vld [tilespmem:s25+$0x13240];
	_ =	sdelay $0x4  }
0x37f: {  	[tilespmem:s22+$0x11A60] =	vst v1  }
0x380: {  	v1 =	vld [tilespmem:s25+$0x13250];
	_ =	sdelay $0x1  }
0x381: {  	(v2sf) =	vpush v0, $0xB;
	_ =	sdelay $0x2  }
0x382: {  	s26 =	spop (v2sf);
	[tilespmem:s22+$0x11A70] =	vst v1  }
0x383: {  	v1 =	vld [tilespmem:s26+$0x13240];
	_ =	sdelay $0x4  }
0x384: {  	[tilespmem:s22+$0x11A80] =	vst v1  }
0x385: {  	v1 =	vld [tilespmem:s26+$0x13250];
	_ =	sdelay $0x1  }
0x386: {  	(v2sf) =	vpush v0, $0xC;
	_ =	sdelay $0x2  }
0x387: {  	s28 =	spop (v2sf);
	[tilespmem:s22+$0x11A90] =	vst v1  }
0x388: {  	v1 =	vld [tilespmem:s28+$0x13240];
	_ =	sdelay $0x4  }
0x389: {  	[tilespmem:s22+$0x11AA0] =	vst v1  }
0x38a: {  	v1 =	vld [tilespmem:s28+$0x13250];
	_ =	sdelay $0x1  }
0x38b: {  	(v2sf) =	vpush v0, $0xD;
	_ =	sdelay $0x2  }
0x38c: {  	s23 =	spop (v2sf);
	[tilespmem:s22+$0x11AB0] =	vst v1  }
0x38d: {  	v1 =	vld [tilespmem:s23+$0x13240];
	_ =	sdelay $0x4  }
0x38e: {  	[tilespmem:s22+$0x11AC0] =	vst v1  }
0x38f: {  	v1 =	vld [tilespmem:s23+$0x13250];
	_ =	sdelay $0x1  }
0x390: {  	(v2sf) =	vpush v0, $0xE;
	_ =	sdelay $0x2  }
0x391: {  	s25 =	spop (v2sf);
	[tilespmem:s22+$0x11AD0] =	vst v1  }
0x392: {  	v1 =	vld [tilespmem:s25+$0x13240];
	_ =	sdelay $0x4  }
0x393: {  	[tilespmem:s22+$0x11AE0] =	vst v1  }
0x394: {  	v1 =	vld [tilespmem:s25+$0x13250];
	_ =	sdelay $0x1  }
0x395: {  	(v2sf) =	vpush v0, $0xF;
	_ =	sdelay $0x2  }
0x396: {  	s26 =	spop (v2sf);
	[tilespmem:s22+$0x11AF0] =	vst v1  }
0x397: {  	v0 =	vld [tilespmem:s26+$0x13240];
	_ =	sdelay $0x4  }
0x398: {  	[tilespmem:s22+$0x11B00] =	vst v0  }
0x399: {  	v0 =	vld [tilespmem:s26+$0x13250];
	_ =	sdelay $0x4  }
0x39a: {  	s28 =	spop (v2sf);
	[tilespmem:s22+$0x11B10] =	vst v0  }
0x39b: {  	v0 =	vld [tilespmem:s28+$0x13240]  }
0x39c: {  	p1 =	por $0x1, $0x1  }
.Ltmp8:
0x39d: {  	_ = 	snop;
	(pc) =	sbr.rel @!p1 .LBB2_13-.Ltmp8, $3  }
0x39e: {  	_ =	sdelay $0x1  }
0x39f: {  	[tilespmem:s22+$0x11B20] =	vst v0  }
0x3a0: {  	p0 =	por $0x1, $0x1;
	s21 =	simm.s32 $0x20;
	v0 =	vld [tilespmem:s28+$0x13250]  }
.LBB2_14:
0x3a1: {  	_ =	sdelay $0x2  }
0x3a2: {  	p1 =	sne.s32 s21, $0xC0  }
0x3a3: {  	s23 =	smin.u32 s20, $0xB8;
	s20 =	smov.u32 s21;
	s21 =	sadd.s32 $0x10, s21;
	[tilespmem:s22+$0x11B30] =	vst v0  }
0x3a4: {  	v0 =	vld [tilespmem:s23+$0x578];
	_ =	sdelay $0x4  }
0x3a5: {  	v0 =	vshll.u32 v0, $0x7  }
0x3a6: {  	v0 =	vshra.s32 v0, $0x2  }
0x3a7: {  	(v2sf) =	vpush v0, $0x0;
	_ =	sdelay $0xb  }
0x3a8: {  	(v2sf) =	vpush v0, $0x1;
	_ =	sdelay $0x2  }
0x3a9: {  	s25 =	spop (v2sf)  }
0x3aa: {  	v1 =	vld [tilespmem:s25+$0x13240];
	_ =	sdelay $0x3  }
0x3ab: {  	s22 =	sshll.u32 s23, $0x5  }
0x3ac: {  	[tilespmem:s22+$0x11940] =	vst v1  }
0x3ad: {  	v1 =	vld [tilespmem:s25+$0x13250];
	_ =	sdelay $0x1  }
0x3ae: {  	(v2sf) =	vpush v0, $0x2;
	_ =	sdelay $0x2  }
0x3af: {  	[tilespmem:s22+$0x11950] =	vst v1;
	s23 =	spop (v2sf)  }
0x3b0: {  	v1 =	vld [tilespmem:s23+$0x13240];
	_ =	sdelay $0x4  }
0x3b1: {  	[tilespmem:s22+$0x11960] =	vst v1  }
0x3b2: {  	v1 =	vld [tilespmem:s23+$0x13250];
	_ =	sdelay $0x1  }
0x3b3: {  	(v2sf) =	vpush v0, $0x3;
	_ =	sdelay $0x2  }
0x3b4: {  	[tilespmem:s22+$0x11970] =	vst v1;
	s23 =	spop (v2sf)  }
0x3b5: {  	v1 =	vld [tilespmem:s23+$0x13240];
	_ =	sdelay $0x4  }
0x3b6: {  	[tilespmem:s22+$0x11980] =	vst v1  }
0x3b7: {  	v1 =	vld [tilespmem:s23+$0x13250];
	_ =	sdelay $0x1  }
0x3b8: {  	(v2sf) =	vpush v0, $0x4;
	_ =	sdelay $0x2  }
0x3b9: {  	[tilespmem:s22+$0x11990] =	vst v1;
	s23 =	spop (v2sf)  }
0x3ba: {  	v1 =	vld [tilespmem:s23+$0x13240];
	_ =	sdelay $0x4  }
0x3bb: {  	[tilespmem:s22+$0x119A0] =	vst v1  }
0x3bc: {  	v1 =	vld [tilespmem:s23+$0x13250];
	_ =	sdelay $0x1  }
0x3bd: {  	(v2sf) =	vpush v0, $0x5;
	_ =	sdelay $0x2  }
0x3be: {  	[tilespmem:s22+$0x119B0] =	vst v1;
	s23 =	spop (v2sf)  }
0x3bf: {  	v1 =	vld [tilespmem:s23+$0x13240];
	_ =	sdelay $0x4  }
0x3c0: {  	[tilespmem:s22+$0x119C0] =	vst v1  }
0x3c1: {  	v1 =	vld [tilespmem:s23+$0x13250];
	_ =	sdelay $0x1  }
0x3c2: {  	(v2sf) =	vpush v0, $0x6;
	_ =	sdelay $0x2  }
0x3c3: {  	[tilespmem:s22+$0x119D0] =	vst v1;
	s23 =	spop (v2sf)  }
0x3c4: {  	v1 =	vld [tilespmem:s23+$0x13240];
	_ =	sdelay $0x4  }
0x3c5: {  	[tilespmem:s22+$0x119E0] =	vst v1  }
0x3c6: {  	v1 =	vld [tilespmem:s23+$0x13250];
	_ =	sdelay $0x1  }
0x3c7: {  	(v2sf) =	vpush v0, $0x7;
	_ =	sdelay $0x2  }
0x3c8: {  	[tilespmem:s22+$0x119F0] =	vst v1;
	s23 =	spop (v2sf)  }
0x3c9: {  	v1 =	vld [tilespmem:s23+$0x13240];
	_ =	sdelay $0x4  }
0x3ca: {  	[tilespmem:s22+$0x11A00] =	vst v1  }
0x3cb: {  	v1 =	vld [tilespmem:s23+$0x13250];
	_ =	sdelay $0x1  }
0x3cc: {  	(v2sf) =	vpush v0, $0x8;
	_ =	sdelay $0x2  }
0x3cd: {  	[tilespmem:s22+$0x11A10] =	vst v1;
	s23 =	spop (v2sf)  }
0x3ce: {  	v1 =	vld [tilespmem:s23+$0x13240];
	_ =	sdelay $0x4  }
0x3cf: {  	[tilespmem:s22+$0x11A20] =	vst v1  }
0x3d0: {  	v1 =	vld [tilespmem:s23+$0x13250];
	_ =	sdelay $0x1  }
0x3d1: {  	(v2sf) =	vpush v0, $0x9;
	_ =	sdelay $0x2  }
0x3d2: {  	[tilespmem:s22+$0x11A30] =	vst v1;
	s23 =	spop (v2sf)  }
0x3d3: {  	v1 =	vld [tilespmem:s23+$0x13240];
	_ =	sdelay $0x4  }
0x3d4: {  	[tilespmem:s22+$0x11A40] =	vst v1  }
0x3d5: {  	v1 =	vld [tilespmem:s23+$0x13250];
	_ =	sdelay $0x1  }
0x3d6: {  	(v2sf) =	vpush v0, $0xA;
	_ =	sdelay $0x2  }
0x3d7: {  	[tilespmem:s22+$0x11A50] =	vst v1;
	s23 =	spop (v2sf)  }
0x3d8: {  	v1 =	vld [tilespmem:s23+$0x13240];
	_ =	sdelay $0x4  }
0x3d9: {  	[tilespmem:s22+$0x11A60] =	vst v1  }
0x3da: {  	v1 =	vld [tilespmem:s23+$0x13250];
	_ =	sdelay $0x1  }
0x3db: {  	(v2sf) =	vpush v0, $0xB;
	_ =	sdelay $0x2  }
0x3dc: {  	[tilespmem:s22+$0x11A70] =	vst v1;
	s23 =	spop (v2sf)  }
0x3dd: {  	v1 =	vld [tilespmem:s23+$0x13240];
	_ =	sdelay $0x4  }
0x3de: {  	[tilespmem:s22+$0x11A80] =	vst v1  }
0x3df: {  	v1 =	vld [tilespmem:s23+$0x13250];
	_ =	sdelay $0x1  }
0x3e0: {  	(v2sf) =	vpush v0, $0xC;
	_ =	sdelay $0x2  }
0x3e1: {  	[tilespmem:s22+$0x11A90] =	vst v1;
	s23 =	spop (v2sf)  }
0x3e2: {  	v1 =	vld [tilespmem:s23+$0x13240];
	_ =	sdelay $0x4  }
0x3e3: {  	[tilespmem:s22+$0x11AA0] =	vst v1  }
0x3e4: {  	v1 =	vld [tilespmem:s23+$0x13250];
	_ =	sdelay $0x1  }
0x3e5: {  	(v2sf) =	vpush v0, $0xD;
	_ =	sdelay $0x2  }
0x3e6: {  	[tilespmem:s22+$0x11AB0] =	vst v1;
	s23 =	spop (v2sf)  }
0x3e7: {  	v1 =	vld [tilespmem:s23+$0x13240];
	_ =	sdelay $0x4  }
0x3e8: {  	[tilespmem:s22+$0x11AC0] =	vst v1  }
0x3e9: {  	v1 =	vld [tilespmem:s23+$0x13250];
	_ =	sdelay $0x1  }
0x3ea: {  	(v2sf) =	vpush v0, $0xE;
	_ =	sdelay $0x2  }
0x3eb: {  	[tilespmem:s22+$0x11AD0] =	vst v1;
	s23 =	spop (v2sf)  }
0x3ec: {  	v1 =	vld [tilespmem:s23+$0x13240];
	_ =	sdelay $0x4  }
0x3ed: {  	[tilespmem:s22+$0x11AE0] =	vst v1  }
0x3ee: {  	v1 =	vld [tilespmem:s23+$0x13250];
	_ =	sdelay $0x1  }
0x3ef: {  	(v2sf) =	vpush v0, $0xF;
	_ =	sdelay $0x2  }
0x3f0: {  	[tilespmem:s22+$0x11AF0] =	vst v1;
	s23 =	spop (v2sf)  }
0x3f1: {  	v0 =	vld [tilespmem:s23+$0x13240];
	_ =	sdelay $0x4  }
0x3f2: {  	[tilespmem:s22+$0x11B00] =	vst v0  }
0x3f3: {  	v0 =	vld [tilespmem:s23+$0x13250];
	_ =	sdelay $0x4  }
0x3f4: {  	[tilespmem:s22+$0x11B10] =	vst v0;
	s23 =	spop (v2sf)  }
0x3f5: {  	v0 =	vld [tilespmem:s23+$0x13240];
	_ =	sdelay $0x1  }
.Ltmp9:
0x3f6: {  	(pc) =	sbr.rel @p1 .LBB2_14-.Ltmp9, $3  }
0x3f7: {  	_ =	sdelay $0x1  }
0x3f8: {  	[tilespmem:s22+$0x11B20] =	vst v0  }
0x3f9: {  	v0 =	vld [tilespmem:s23+$0x13250]  }
0x3fa: {  	s21 =	smov.u32 s20  }
.LBB2_16:
0x3fb: {  	_ =	sdelay $0x2  }
0x3fc: {  	s20 =	smin.u32 s21, $0xB8;
	[tilespmem:s22+$0x11B30] =	vst @p0 v0  }
0x3fd: {  	v0 =	vld [tilespmem:s20+$0x578];
	_ =	sdelay $0x4  }
0x3fe: {  	v0 =	vshll.u32 v0, $0x7  }
0x3ff: {  	v0 =	vshra.s32 v0, $0x2  }
0x400: {  	(v2sf) =	vpush v0, $0x0;
	_ =	sdelay $0xb  }
0x401: {  	(v2sf) =	vpush v0, $0x1;
	_ =	sdelay $0x2  }
0x402: {  	s23 =	spop (v2sf)  }
0x403: {  	v1 =	vld [tilespmem:s23+$0x13240];
	_ =	sdelay $0x3  }
0x404: {  	s20 =	sshll.u32 s20, $0x5  }
0x405: {  	[tilespmem:s20+$0x11940] =	vst v1  }
0x406: {  	v1 =	vld [tilespmem:s23+$0x13250];
	_ =	sdelay $0x1  }
0x407: {  	(v2sf) =	vpush v0, $0x2;
	_ =	sdelay $0x2  }
0x408: {  	s25 =	spop (v2sf);
	[tilespmem:s20+$0x11950] =	vst v1  }
0x409: {  	v1 =	vld [tilespmem:s25+$0x13240];
	_ =	sdelay $0x4  }
0x40a: {  	[tilespmem:s20+$0x11960] =	vst v1  }
0x40b: {  	v1 =	vld [tilespmem:s25+$0x13250];
	_ =	sdelay $0x1  }
0x40c: {  	(v2sf) =	vpush v0, $0x3;
	_ =	sdelay $0x2  }
0x40d: {  	s26 =	spop (v2sf);
	[tilespmem:s20+$0x11970] =	vst v1  }
0x40e: {  	v1 =	vld [tilespmem:s26+$0x13240];
	_ =	sdelay $0x4  }
0x40f: {  	[tilespmem:s20+$0x11980] =	vst v1  }
0x410: {  	v1 =	vld [tilespmem:s26+$0x13250];
	_ =	sdelay $0x1  }
0x411: {  	(v2sf) =	vpush v0, $0x4;
	_ =	sdelay $0x2  }
0x412: {  	s28 =	spop (v2sf);
	[tilespmem:s20+$0x11990] =	vst v1  }
0x413: {  	v1 =	vld [tilespmem:s28+$0x13240];
	_ =	sdelay $0x4  }
0x414: {  	[tilespmem:s20+$0x119A0] =	vst v1  }
0x415: {  	v1 =	vld [tilespmem:s28+$0x13250];
	_ =	sdelay $0x1  }
0x416: {  	(v2sf) =	vpush v0, $0x5;
	_ =	sdelay $0x2  }
0x417: {  	s22 =	spop (v2sf);
	[tilespmem:s20+$0x119B0] =	vst v1  }
0x418: {  	v1 =	vld [tilespmem:s22+$0x13240];
	_ =	sdelay $0x4  }
0x419: {  	[tilespmem:s20+$0x119C0] =	vst v1  }
0x41a: {  	v1 =	vld [tilespmem:s22+$0x13250];
	_ =	sdelay $0x1  }
0x41b: {  	(v2sf) =	vpush v0, $0x6;
	_ =	sdelay $0x2  }
0x41c: {  	s23 =	spop (v2sf);
	[tilespmem:s20+$0x119D0] =	vst v1  }
0x41d: {  	v1 =	vld [tilespmem:s23+$0x13240];
	_ =	sdelay $0x4  }
0x41e: {  	[tilespmem:s20+$0x119E0] =	vst v1  }
0x41f: {  	v1 =	vld [tilespmem:s23+$0x13250];
	_ =	sdelay $0x1  }
0x420: {  	(v2sf) =	vpush v0, $0x7;
	_ =	sdelay $0x2  }
0x421: {  	s25 =	spop (v2sf);
	[tilespmem:s20+$0x119F0] =	vst v1  }
0x422: {  	v1 =	vld [tilespmem:s25+$0x13240];
	_ =	sdelay $0x4  }
0x423: {  	[tilespmem:s20+$0x11A00] =	vst v1  }
0x424: {  	v1 =	vld [tilespmem:s25+$0x13250];
	_ =	sdelay $0x1  }
0x425: {  	(v2sf) =	vpush v0, $0x8;
	_ =	sdelay $0x2  }
0x426: {  	s26 =	spop (v2sf);
	[tilespmem:s20+$0x11A10] =	vst v1  }
0x427: {  	v1 =	vld [tilespmem:s26+$0x13240];
	_ =	sdelay $0x4  }
0x428: {  	[tilespmem:s20+$0x11A20] =	vst v1  }
0x429: {  	v1 =	vld [tilespmem:s26+$0x13250];
	_ =	sdelay $0x1  }
0x42a: {  	(v2sf) =	vpush v0, $0x9;
	_ =	sdelay $0x2  }
0x42b: {  	s28 =	spop (v2sf);
	[tilespmem:s20+$0x11A30] =	vst v1  }
0x42c: {  	v1 =	vld [tilespmem:s28+$0x13240];
	_ =	sdelay $0x4  }
0x42d: {  	[tilespmem:s20+$0x11A40] =	vst v1  }
0x42e: {  	v1 =	vld [tilespmem:s28+$0x13250];
	_ =	sdelay $0x1  }
0x42f: {  	(v2sf) =	vpush v0, $0xA;
	_ =	sdelay $0x2  }
0x430: {  	s22 =	spop (v2sf);
	[tilespmem:s20+$0x11A50] =	vst v1  }
0x431: {  	v1 =	vld [tilespmem:s22+$0x13240];
	_ =	sdelay $0x4  }
0x432: {  	[tilespmem:s20+$0x11A60] =	vst v1  }
0x433: {  	v1 =	vld [tilespmem:s22+$0x13250];
	_ =	sdelay $0x1  }
0x434: {  	(v2sf) =	vpush v0, $0xB;
	_ =	sdelay $0x2  }
0x435: {  	s23 =	spop (v2sf);
	[tilespmem:s20+$0x11A70] =	vst v1  }
0x436: {  	v1 =	vld [tilespmem:s23+$0x13240];
	_ =	sdelay $0x4  }
0x437: {  	[tilespmem:s20+$0x11A80] =	vst v1  }
0x438: {  	v1 =	vld [tilespmem:s23+$0x13250];
	_ =	sdelay $0x1  }
0x439: {  	(v2sf) =	vpush v0, $0xC;
	_ =	sdelay $0x2  }
0x43a: {  	s25 =	spop (v2sf);
	[tilespmem:s20+$0x11A90] =	vst v1  }
0x43b: {  	v1 =	vld [tilespmem:s25+$0x13240];
	_ =	sdelay $0x4  }
0x43c: {  	[tilespmem:s20+$0x11AA0] =	vst v1  }
0x43d: {  	v1 =	vld [tilespmem:s25+$0x13250];
	_ =	sdelay $0x1  }
0x43e: {  	(v2sf) =	vpush v0, $0xD;
	_ =	sdelay $0x2  }
0x43f: {  	s26 =	spop (v2sf);
	[tilespmem:s20+$0x11AB0] =	vst v1  }
0x440: {  	v1 =	vld [tilespmem:s26+$0x13240];
	_ =	sdelay $0x4  }
0x441: {  	[tilespmem:s20+$0x11AC0] =	vst v1  }
0x442: {  	v1 =	vld [tilespmem:s26+$0x13250];
	_ =	sdelay $0x1  }
0x443: {  	(v2sf) =	vpush v0, $0xE;
	_ =	sdelay $0x2  }
0x444: {  	s28 =	spop (v2sf);
	[tilespmem:s20+$0x11AD0] =	vst v1  }
0x445: {  	v1 =	vld [tilespmem:s28+$0x13240];
	_ =	sdelay $0x4  }
0x446: {  	[tilespmem:s20+$0x11AE0] =	vst v1  }
0x447: {  	v1 =	vld [tilespmem:s28+$0x13250];
	_ =	sdelay $0x1  }
0x448: {  	(v2sf) =	vpush v0, $0xF;
	_ =	sdelay $0x2  }
0x449: {  	s22 =	spop (v2sf);
	[tilespmem:s20+$0x11AF0] =	vst v1  }
0x44a: {  	v63 =	vld [tilespmem:s22+$0x13240];
	_ =	sdelay $0x4  }
0x44b: {  	[tilespmem:s20+$0x11B00] =	vst v63  }
0x44c: {  	v0 =	vld [tilespmem:s22+$0x13250];
	_ =	sdelay $0x4  }
0x44d: {  	s23 =	spop (v2sf);
	[tilespmem:s20+$0x11B10] =	vst v0  }
0x44e: {  	v0 =	vld [tilespmem:s23+$0x13240];
	_ =	sdelay $0x4  }
0x44f: {  	[tilespmem:s20+$0x11B20] =	vst v0  }
0x450: {  	v0 =	vld [tilespmem:s23+$0x13250];
	_ =	sdelay $0x4  }
0x451: {  	[tilespmem:s20+$0x11B30] =	vst v0  }
0x452: {  	_ =	swait.ge [sflag:s14], $0x2000  }
0x453: {  	[sflag:s14] =	ssyncset.done $0x0  }
0x454: {  	[sflag:s14] =	ssyncadd.s32 $0xFFFFE000  }
0x455: {  	_ =	swait.ge [sflag:s14], $0x1200  }
0x456: {  	[sflag:s14] =	ssyncset.done $0x0  }
0x457: {  	[sflag:s14] =	ssyncadd.s32 $0xFFFFEE00  }
0x458: {  	_ =	swait.ge [sflag:s14], $0x2000  }
0x459: {  	[sflag:s14] =	ssyncset.done $0x0  }
0x45a: {  	[sflag:s14] =	ssyncadd.s32 $0xFFFFE000  }
0x45b: {  	s19 =	smul.u32 $0x960, s19;
	_ =	swait.ge [sflag:s14], $0x1200  }
0x45c: {  	[sflag:s14] =	ssyncset.done $0x0  }
0x45d: {  	s25 =	sadd.s32 s1, s19;
	[sflag:s14] =	ssyncadd.s32 $0xFFFFEE00  }
0x45e: {  	[hbm4b:s25+s0] =	stream.strided.scatter [tilespmem:s16], [sflag:$0x3], $0x6400, s4, s0, $0x38;
	[tilespmem:$0x13A40] =	vst v63  }
0x45f: {  	s26 =	sadd.s32 s19, s9  }
0x460: {  	[hbm4b:s26+s11] =	stream.strided.scatter [tilespmem:s2], [sflag:$0x3], $0x3200, s4, s11, $0x38;
	[tilespmem:$0x13A40] =	vst v63  }
0x461: {  	_ =	swait.ge [sflag:s7], $0x2000  }
0x462: {  	[sflag:s7] =	ssyncset.done $0x0  }
0x463: {  	[sflag:s7] =	ssyncadd.s32 $0xFFFFE000  }
0x464: {  	_ =	swait.ge [sflag:s7], $0x1200  }
0x465: {  	[sflag:s7] =	ssyncset.done $0x0  }
0x466: {  	[sflag:s7] =	ssyncadd.s32 $0xFFFFEE00  }
0x467: {  	_ =	swait.ge [sflag:s7], $0x2000  }
0x468: {  	[sflag:s7] =	ssyncset.done $0x0  }
0x469: {  	[sflag:s7] =	ssyncadd.s32 $0xFFFFE000  }
0x46a: {  	_ =	swait.ge [sflag:s7], $0x1200  }
0x46b: {  	s19 =	sadd.s32 $0x12C0, s19;
	[sflag:s7] =	ssyncset.done $0x0  }
0x46c: {  	s28 =	sadd.s32 s1, s19;
	[sflag:s7] =	ssyncadd.s32 $0xFFFFEE00  }
0x46d: {  	[hbm4b:s28+s0] =	stream.strided.scatter [tilespmem:s24], [sflag:$0x4], $0x6400, s4, s0, $0x38;
	[tilespmem:$0x13A40] =	vst v63  }
0x46e: {  	s19 =	sadd.s32 s19, s9  }
0x46f: {  	[hbm4b:s19+s11] =	stream.strided.scatter [tilespmem:s10], [sflag:$0x4], $0x3200, s4, s11, $0x38;
	[tilespmem:$0x13A40] =	vst v63  }
0x470: {  	_ =	swait.ge [sflag:s12], $0x6400  }
0x471: {  	[sflag:s12] =	ssyncset.done $0x0  }
0x472: {  	[sflag:s12] =	ssyncadd.s32 $0xFFFF9C00  }
0x473: {  	_ =	swait.ge [sflag:s12], $0x3200  }
0x474: {  	[sflag:s12] =	ssyncset.done $0x0  }
0x475: {  	s18 =	sadd.s32 $0x1, s18;
	[sflag:s12] =	ssyncadd.s32 $0xFFFFCE00  }
0x476: {  	p0 =	sne.s32 s18, $0x20;
	_ =	swait.ge [sflag:s13], $0x6400  }
.Ltmp10:
0x477: {  	[sflag:s13] =	ssyncset.done $0x0;
	(pc) =	sbr.rel @p0 .LBB2_2-.Ltmp10, $4  }
.Ltmp11:
0x478: {  	[sflag:s13] =	ssyncadd.s32 $0xFFFF9C00;
	(pc) =	sbr.rel @!p0 .LBB2_17-.Ltmp11, $4  }
0x479: {  	_ =	swait.ge [sflag:s13], $0x3200  }
0x47a: {  	[sflag:s13] =	ssyncset.done $0x0  }
0x47b: {  	[sflag:s13] =	ssyncadd.s32 $0xFFFFCE00  }
0x47c: {  	_ = 	snop  }
.LBB2_11:
.Ltmp12:
0x47d: {  	(pc) =	sbr.rel .LBB2_16-.Ltmp12, $2  }
0x47e: {  	_ =	sdelay $0x2  }
0x47f: {  	_ = 	snop  }
.LBB2_8:
.Ltmp13:
0x480: {  	(pc) =	sbr.rel .LBB2_10-.Ltmp13, $2  }
0x481: {  	_ =	sdelay $0x2  }
0x482: {  	s23 =	simm.s32 $0x10  }
.LBB2_13:
.Ltmp14:
0x483: {  	(pc) =	sbr.rel .LBB2_16-.Ltmp14, $2  }
0x484: {  	_ =	sdelay $0x2  }
0x485: {  	s21 =	simm.s32 $0x10  }
.LBB2_18:
0x486: {  	_ =	sfence.sel $0x180000  }
0x487: {  	[bflag:$0x0] =	sbarrier.arrive $0xFFFF  }
0x488: {  	_ =	strace $0x90000047  }
0x489: {  	s0 =	stileid.u32;
	[bflag:$0x2] =	sbarrier.arrive $0xFFFF  }
0x48a: {  	p0 =	sne.s32 s0, $0x0;
	s0 =	rddreg [dreg:$0x2]  }
0x48b: {  	s0 =	sadd.s32 @!p0 $0x100000, s0  }
0x48c: {  	[sflag:s0] =	ssyncadd.tile.s32 @!p0 $0x1;
	_ =	shalt  }
.Lfunc_end2:
_tile_overlayer_lowered:
.L_overlay_start_2:
0x48d: {  	(tag) =	ssettag $0x2  }
0x48e: {  	s0 =	rddreg [dreg:$0x0];
	s2 =	stileid.u32  }
0x48f: {  	s1 =	rddreg [dreg:$0x1];
	p0 =	sne.s32 s2, $0x0  }
0x490: {  	s3 =	rddreg [dreg:$0x2];
	[bflag:$0x3] =	sbarrier.arrive $0xFFFF;
	s2 =	simm.s32 @!p0 $0x1C05  }
0x491: {  	[timem:s3], [sflag:s2] =	dma.local @!p0 [hbm:s0], s1  }
0x492: {  	s0 =	simm.s32 @!p0 $0x5  }
0x493: {  	_ =	swait.ge @!p0 [sflag:s0], s1  }
0x494: {  	s1 =	ssub.s32 @!p0 $0x0, s1;
	[sflag:s0] =	ssyncset.done @!p0 $0x0  }
0x495: {  	[sflag:s0] =	ssyncadd.s32 @!p0 s1  }
0x496: {  	[bflag:$0x3] =	sbarrier.arrive $0xFFFF  }
0x497: {  	_ =	shalt  }

// kernel: sparse-core-data-format-call.cloned.1.call-start
scs
called_computation_lowered:
.L_overlay_start_0:
0x0: {  	s2 =	sld [smem:$0x3FD9]  }
0x1: {  	s3 =	sld [smem:$0x3FFE];
	_ =	sdelay $0x1  }
0x2: {  	s1 =	srdreg.scid  }
0x3: {  	s0 =	sand.u32 $0x1, s1  }
0x4: {  	s18 =	sshll.u32 s0, $0xA;
	s2 =	sadd.s32 s3, s2  }
0x5: {  	s2 =	sadd.s32 s2, s18  }
0x6: {  	[smem:$0x3FC4] =	sst s2  }
0x7: {  	_ = 	snop  }
0x8: {  	s2 =	sld [smem:$0x3FD0];
	(tm) =	ssettm $0x1  }
0x9: {  	s19 =	sld [smem:$0x3FFB];
	_ =	sdelay $0x3  }
0xa: {  	_ =	strace s19  }
0xb: {  	s3 =	sld [smem:$0x3FFC];
	_ =	sdelay $0x3  }
0xc: {  	_ =	strace s3  }
0xd: {  	s3 =	sld [smem:$0x3FFD];
	_ =	sdelay $0x3  }
0xe: {  	_ =	strace s3  }
0xf: {  	_ =	strace $0x8FFFFFFF  }
0x10: {  	s20 =	sld [smem:$0x3FDB];
	_ =	sdelay $0x1  }
0x11: {  	s4 =	simm.s32 $_scs_section_size  }
0x12: {  	s5 =	simm.s32 $_size__tile_overlayer_lowered;
	s6 =	simm.s32 $_tile_overlayer_lowered  }
0x13: {  	s23 =	simm.s32 $0x1BFF;
	s22 =	sshll.u32 s6, $0x1;
	s3 =	sadd.s32 s4, s20  }
0x14: {  	s7 =	simm.s32 $0x0;
	s21 =	sshll.u32 s5, $0x1;
	s5 =	sadd.s32 s22, s3  }
0x15: {  	[timem:s7], [sflag:s23] =	dma.local [hbm:s5], s21  }
0x16: {  	_ =	swait.ge [sflag:s23], s21  }
0x17: {  	s4 =	ssub.s32 $0x0, s21;
	[sflag:s23] =	ssyncset.done $0x0  }
0x18: {  	[sflag:s23] =	ssyncadd.s32 s4;
	_ =	sdelay $0x1  }
0x19: {  	s24 =	simm.s32 $0x1B8B  }
0x1a: {  	_ =	swait.ge [sflag:s24], $0x1  }
0x1b: {  	[sflag:s24] =	ssyncset.done $0x0  }
0x1c: {  	s26 =	simm.s32 $0x1B8E;
	s25 =	sld [smem:$0x3FFE];
	[sflag:s24] =	ssyncadd.s32 $0xFFFFFFFF  }
0x1d: {  	s27 =	simm.s32 $execute0_lowered;
	[smem:$0x3FD2] =	sst s26  }
0x1e: {  	s5 =	sshll.u32 s27, $0x1;
	_ =	strace $0x80000049;
	[dreg:$0x1] =	wrdreg $0xFFFFFFFF  }
0x1f: {  	s28 =	simm.s32 $_size_execute0_lowered;
	s3 =	sadd.s32 s3, s5;
	[dreg:$0x0] =	wrdreg $0x0  }
0x20: {  	s5 =	sshll.u32 s28, $0x1;
	[dreg:$0x2] =	wrdreg s3  }
0x21: {  	[dreg:$0x3] =	wrdreg s5  }
0x22: {  	[dreg:$0x4] =	wrdreg $0xC0  }
0x23: {  	_ =	task [dreg:s7], $0x5FFFF  }
0x24: {  	[dreg:$0x1] =	wrdreg $0xFFFFFFFF  }
0x25: {  	[dreg:$0x0] =	wrdreg $0x60  }
0x26: {  	[dreg:$0x2] =	wrdreg s25  }
0x27: {  	[dreg:$0x3] =	wrdreg s2  }
0x28: {  	[dreg:$0x4] =	wrdreg $0x9  }
0x29: {  	_ =	task.clear_ibuf [dreg:s7], $0x5FFFF;
	_ =	strace $0x90000049  }
0x2a: {  	s29 =	simm.s32 $0x9;
	_ =	strace $0x8000004B  }
0x2b: {  	_ =	swait.ge [sflag:s29], $0x1  }
0x2c: {  	[sflag:s29] =	ssyncadd.s32 $0xFFFFFFFF  }
0x2d: {  	_ =	strace $0x9000004B  }
0x2e: {  	_ =	sfence  }
0x2f: {  	s30 =	sld [smem:$0x0];
	_ =	sdelay $0x2  }
0x30: {  	s31 =	sshll.u32 s1, $0xD;
	s1 =	sshrl.u32 s1, $0x2  }
0x31: {  	s3 =	sand.u32 $0x4000, s31;
	s1 =	sadd.s32 s1, s30  }
0x32: {  	s0 =	sor.u32 s3, s0;
	s1 =	sshll.u32 s1, $0x11  }
0x33: {  	s0 =	sor.u32 s1, s0  }
0x34: {  	s0 =	sadd.s32 $0x8F2B, s0  }
0x35: {  	[sflag:s0] =	ssyncadd.remote.s32 $0x1  }
0x36: {  	_ =	sfence.sel $0xFFFF  }
0x37: {  	[dreg:$0x0] =	wrdreg $0xFFFFFFFF;
	(pc) =	sbr.abs _section_cstart, $3  }
0x38: {  	[dreg:$0x1] =	wrdreg $0xFFFFFFFF  }
0x39: {  	_ =	task.clear_ibuf [dreg:s7], $0x2FFFF;
	_ =	strace $0x9FFFFFFF  }
0x3a: {  	(tm) =	ssettm $0x7FFFFFFF  }
0x3b: {  	_ =	shalt  }
tec
execute0_lowered:
.L_overlay_start_1:
0x0: {  	(tag) =	ssettag $0x1  }
0x1: {  	s0 =	srdreg.scid  }
0x2: {  	s1 =	sshll.u32 s0, $0x4  }
0x3: {  	s6 =	rddreg [dreg:$0x0];
	s0 =	stileid.u32;
	s1 =	sand.u32 $0x10, s1  }
0x4: {  	s3 =	rddreg [dreg:$0x1];
	s1 =	sor.u32 s0, s1  }
0x5: {  	s5 =	simm.s32 $0x1;
	s31 =	simm.s32 $0x2;
	s2 =	sshll.u32 s1, $0x7  }
0x6: {  	s15 =	simm.s32 $0x0;
	s8 =	simm.s32 $0x8000;
	s4 =	ssub.s32 $0x1000, s2  }
0x7: {  	s14 =	simm.s32 $0x0;
	s9 =	simm.s32 $0x0;
	s30 =	sand.u32 $0xF80, s4  }
0x8: {  	s10 =	simm.s32 $0x0;
	s11 =	simm.s32 $0x0;
	p0 =	sne.s32 s30, $0x0  }
.Ltmp0:
0x9: {  	s7 =	sshrl.u32 s4, $0xC;
	s5 =	simm.s32 @!p0 $0x0;
	(pc) =	sbr.rel .LBB1_1-.Ltmp0, $4  }
0xa: {  	s13 =	simm.s32 $0x0;
	s1 =	rddreg [dreg:$0x2];
	s5 =	sadd.s32 s5, s7  }
0xb: {  	_ =	strace $0x8000004A;
	s4 =	simm.s32 $0x1;
	s5 =	smul.u32 $0xC8, s5  }
0xc: {  	s6 =	sadd.s32 $0xA00, s6;
	s12 =	smov.u32 s2;
	[sflag:s4] =	ssyncpa.u1 $0x0  }
0xd: {  	[sflag:s31] =	ssyncpa.u1 $0x0;
	p0 =	por $0x0, $0x0;
	s7 =	sor.u32 $0x1, s5  }
.LBB1_4:
0xe: {  	s20 =	sshra.s32 s20, $0x2;
	s28 =	sshll.u32 s10, $0x3;
	p1 =	sgt.s32 s9, $0xC7  }
0xf: {  	s21 =	smov.u32 s9;
	s23 =	sshra.s32 s9, $0x1F;
	s24 =	smov.u32 s10  }
0x10: {  	v5 =	vld [tilespmem:s17+$0xFFFFFFD0];
	[tilespmem:s18+$0x2040 ss:$0x81] =	vst.msk $0xffff, v4;
	s25 =	sshra.s32 s10, $0x1F;
	s26 =	sand.u32 $0x78, s10;
	s19 =	sadd.s32 s20, s19  }
0x11: {  	v58 =	vld [tilespmem:s17+$0xFFFFFFE0];
	[tilespmem:s18+$0x2850 ss:$0x81] =	vst.msk $0xffff, v3;
	s22 =	sshrl.u32 s28, $0xC;
	s21 =	simm.s32 @!p1 $0xC7;
	s23 =	sand.u32 s23, s9  }
0x12: {  	v59 =	vld [tilespmem:s17+$0xFFFFFFF0];
	[tilespmem:s18+$0x3060 ss:$0x81] =	vst.msk $0xffff, v2;
	p1 =	sgt.s32 s10, $0xF80;
	s29 =	sand.u32 s25, s10;
	s20 =	sand.u32 $0xC00, s28  }
0x13: {  	v60 =	vld [tilespmem:s17+$0x0];
	[tilespmem:s18+$0x0 ss:$0x81] =	vst.msk $0xffff, v0;
	s28 =	smul.u32 $0xC000, s9;
	s21 =	ssub.s32 s21, s23;
	s24 =	simm.s32 @!p1 $0xF80  }
0x14: {  	v61 =	vld [tilespmem:s17+$0x10];
	s30 =	smulhi.u32 $0x2AAAAAB, s22;
	[tilespmem:s19+$0x3870 ss:$0x81] =	vst.msk $0xffff, v1;
	s20 =	sor.u32 s26, s20;
	s31 =	ssub.s32 $0xC8, s21  }
0x15: {  	v62 =	vld [tilespmem:s17+$0x20];
	s23 =	ssub.s32 s24, s29;
	s21 =	sadd.s32 $0xFFFFFF39, s21;
	s25 =	smul.u32 $0x60, s31;
	[tilespmem:s19+$0x810 ss:$0x81] =	vst.msk $0xffff, v5  }
0x16: {  	v63 =	vld [tilespmem:s17+$0xFFFFFFC0];
	s18 =	smul.u32 $0x60, s30;
	p1 =	sgt.s32 s21, $0x0;
	s27 =	sadd.s32 $0xFFFFF080, s23;
	[tilespmem:s19+$0x1020 ss:$0x81] =	vst.msk $0xffff, v58  }
0x17: {  	s17 =	ssub.s32 $0x1000, s23;
	[tilespmem:s19+$0x1830 ss:$0x81] =	vst.msk $0xffff, v59;
	s25 =	simm.s32 @p1 $0x0;
	p1 =	sgt.s32 s27, $0x7F  }
0x18: {  	s29 =	sand.u32 $0x7, s10;
	[tilespmem:s19+$0x2040 ss:$0x81] =	vst.msk $0xffff, v60;
	s18 =	ssub.s32 s22, s18;
	s17 =	simm.s32 @p1 $0x0  }
0x19: {  	s21 =	sadd.s32 s3, s28;
	[tilespmem:s19+$0x2850 ss:$0x81] =	vst.msk $0xffff, v61;
	s18 =	sshll.u32 s18, $0x9;
	s17 =	smul.u32 s17, s25  }
0x1a: {  	s20 =	sshrl.u32 s20, $0x3;
	s30 =	sshll.u32 s29, $0x12;
	[tilespmem:s19+$0x3060 ss:$0x81] =	vst.msk $0xffff, v62;
	s18 =	sadd.s32 s18, s21  }
0x1b: {  	[tilespmem:s19+$0x0 ss:$0x81] =	vst.msk $0xffff, v63;
	s31 =	sor.u32 $0x400, s30;
	s18 =	sadd.s32 s20, s18;
	s17 =	sand.u32 $0x3FFFFFE0, s17  }
0x1c: {  	[hbm4b:s18+s31] =	stream.strided.scatter [tilespmem:s16], [sflag:$0x2], s17, s8, s31, $0x20;
	[tilespmem:$0x10100] =	vst v63  }
.LBB1_5:
0x1d: {  	p1 =	slt.u32 s13, $0x2  }
0x1e: {  	s17 =	smov.u32 s15;
	p2 =	sgt.s32 @!p1 s15, $0xC7;
	s16 =	sshra.s32 @!p1 s15, $0x1F  }
0x1f: {  	p3 =	sgt.s32 @!p1 s14, $0xF80;
	s18 =	sshra.s32 @!p1 s14, $0x1F;
	p2 =	por !p2, p1  }
0x20: {  	s15 =	sand.u32 @!p1 s16, s15;
	p3 =	por !p3, p1;
	s16 =	smov.u32 s14  }
0x21: {  	s14 =	sand.u32 @!p1 s18, s14;
	s17 =	simm.s32 @p2 $0xC7;
	s16 =	simm.s32 @p3 $0xF80  }
0x22: {  	s18 =	smov.u32 s12;
	s15 =	ssub.s32 @!p1 s17, s15;
	s14 =	ssub.s32 @!p1 s16, s14  }
0x23: {  	s16 =	sadd.s32 @!p1 $0xFFFFFF39, s15;
	s15 =	ssub.s32 @!p1 $0xC8, s15;
	s17 =	sadd.s32 @!p1 $0xFFFFF080, s14  }
0x24: {  	p2 =	sgt.s32 @!p1 s16, $0x0;
	s15 =	smul.u32 @!p1 $0x60, s15;
	p3 =	sgt.s32 @!p1 s17, $0x7F  }
0x25: {  	s14 =	ssub.s32 @!p1 $0x1000, s14;
	p2 =	por !p2, p1;
	p3 =	por !p3, p1  }
0x26: {  	s16 =	sadd.s32 $0x1, s11;
	s15 =	simm.s32 @!p2 $0x0;
	s14 =	simm.s32 @!p3 $0x0  }
0x27: {  	p2 =	sgt.s32 s16, $0xC7;
	s14 =	smul.u32 @!p1 s14, s15;
	s15 =	sadd.s32 $0x1000, s12  }
0x28: {  	s18 =	smov.u32 @p2 s15  }
0x29: {  	s16 =	simm.s32 @p2 $0x0;
	p2 =	sgt.s32 s18, $0xFFF  }
0x2a: {  	s18 =	smov.u32 @p2 s2;
	p2 =	sne.s32 s13, s7  }
.Ltmp1:
0x2b: {  	p0 =	por !p0, !p0;
	s17 =	simm.s32 @!p1 $0x2;
	(pc) =	sbr.rel @!p2 .LBB1_6-.Ltmp1, $4  }
0x2c: {  	s15 =	smov.u32 s9;
	s9 =	smov.u32 s11;
	s14 =	sand.u32 @!p1 $0x3FFFFFE0, s14  }
0x2d: {  	s11 =	smov.u32 s16;
	_ =	swait.ge @!p1 [sflag:s17], s14;
	s19 =	ssub.s32 @!p1 $0x0, s14  }
0x2e: {  	s14 =	smov.u32 s10;
	s13 =	sadd.s32 $0x1, s13;
	[sflag:s17] =	ssyncset.done @!p1 $0x0  }
0x2f: {  	s10 =	smov.u32 s12;
	s12 =	smov.u32 s18;
	[sflag:s17] =	ssyncadd.s32 @!p1 s19  }
.LBB1_1:
0x30: {  	p1 =	sge.u32 s13, s5  }
0x31: {  	s16 =	sand.u32 @!p1 $0x1FFFFFF, s11  }
0x32: {  	s17 =	smulhi.u32 @!p1 $0x147AE15, s16;
	_ =	sdelay $0x1  }
0x33: {  	s17 =	smul.u32 @!p1 $0xC8, s17  }
0x34: {  	s18 =	sxor.u32 @!p1 $0xFFFFFFFF, s13;
	s19 =	smul.u32 @!p1 $0xC80, s12  }
0x35: {  	s31 =	sadd.s32 $0xFFFFFFFF, s13;
	s18 =	sshll.u32 @!p1 s18, $0xE;
	s16 =	ssub.s32 @!p1 s16, s17  }
0x36: {  	s17 =	sand.u32 @!p1 $0x4000, s18;
	s18 =	sadd.s32 @!p1 s6, s19;
	s16 =	sshll.u32 @!p1 s16, $0x4  }
0x37: {  	s19 =	simm.s32 @!p1 $0x6400;
	s16 =	sadd.s32 @!p1 s16, s18;
	s18 =	simm.s32 @!p1 $0x80  }
0x38: {  	[tilespmem:s17], [sflag:$0x1] =	stream.strided.gather @!p1 [hbm4b:s16+s18], $0x4000, s19, s18, $0x38;
	[tilespmem:$0x10100] =	vst v63  }
0x39: {  	p1 =	sge.u32 s31, s5  }
.Ltmp2:
0x3a: {  	_ = 	snop;
	(pc) =	sbr.rel @p1 .LBB1_5-.Ltmp2, $1  }
0x3b: {  	_ =	sdelay $0x3  }
0x3c: {  	s16 =	simm.s32 $0x1  }
0x3d: {  	_ =	swait.ge [sflag:s4], $0x4000;
	s16 =	simm.s32 @!p0 $0x0  }
0x3e: {  	[sflag:s4] =	ssyncset.done $0x0;
	s17 =	sshll.u32 s16, $0xE  }
0x3f: {  	[sflag:s4] =	ssyncadd.s32 $0xFFFFC000;
	s17 =	sor.u32 $0x40, s17  }
0x40: {  	s16 =	smul.u32 $0x10200, s16;
	v0 =	vld [tilespmem:s17+$0x30]  }
0x41: {  	v1 =	vld [tilespmem:s17+$0xFFFFFFD0]  }
0x42: {  	s16 =	sshrl.u32 s16, $0x2;
	v5 =	vld [tilespmem:s17+$0xFFFFFFE0]  }
0x43: {  	v6 =	vld [tilespmem:s17+$0xFFFFFFF0];
	s19 =	sor.u32 $0x8000, s16  }
0x44: {  	s31 =	sand.u32 $0x1, s13;
	v4 =	vld [tilespmem:s17+$0x0];
	s18 =	sadd.s32 $0x0, s19  }
0x45: {  	v3 =	vld [tilespmem:s17+$0x10];
	s16 =	smul.u32 $0x10200, s31;
	[tilespmem:s18+$0x3870 ss:$0x81] =	vst.msk $0xffff, v0  }
0x46: {  	v2 =	vld [tilespmem:s17+$0x20];
	[tilespmem:s18+$0x810 ss:$0x81] =	vst.msk $0xffff, v1  }
0x47: {  	s16 =	sshrl.u32 s16, $0x2;
	v0 =	vld [tilespmem:s17+$0xFFFFFFC0];
	[tilespmem:s18+$0x1020 ss:$0x81] =	vst.msk $0xffff, v5;
	s17 =	sadd.s32 $0x80, s17  }
0x48: {  	s20 =	simm.s32 $0x4;
	s21 =	simm.s32 $0x8;
	s16 =	sor.u32 $0x8000, s16;
	[tilespmem:s18+$0x1830 ss:$0x81] =	vst.msk $0xffff, v6;
	v1 =	vld [tilespmem:s17+$0x30]  }
.LBB1_3:
0x49: {  	p1 =	sne.s32 s21, $0x1FC;
	v5 =	vld [tilespmem:s17+$0xFFFFFFD0];
	[tilespmem:s18+$0x2040 ss:$0x81] =	vst.msk $0xffff, v4  }
0x4a: {  	v6 =	vld [tilespmem:s17+$0xFFFFFFE0];
	[tilespmem:s18+$0x2850 ss:$0x81] =	vst.msk $0xffff, v3  }
0x4b: {  	s22 =	sshra.s32 s20, $0x2;
	s20 =	smov.u32 s21;
	v7 =	vld [tilespmem:s17+$0xFFFFFFF0];
	[tilespmem:s18+$0x3060 ss:$0x81] =	vst.msk $0xffff, v2  }
.Ltmp3:
0x4c: {  	v4 =	vld [tilespmem:s17+$0x0];
	[tilespmem:s18+$0x0 ss:$0x81] =	vst.msk $0xffff, v0;
	s18 =	sadd.s32 s22, s19;
	(pc) =	sbr.rel @p1 .LBB1_3-.Ltmp3, $4  }
0x4d: {  	v3 =	vld [tilespmem:s17+$0x10];
	[tilespmem:s18+$0x3870 ss:$0x81] =	vst.msk $0xffff, v1  }
0x4e: {  	[tilespmem:s18+$0x810 ss:$0x81] =	vst.msk $0xffff, v5;
	v2 =	vld [tilespmem:s17+$0x20]  }
0x4f: {  	v0 =	vld [tilespmem:s17+$0xFFFFFFC0];
	[tilespmem:s18+$0x1020 ss:$0x81] =	vst.msk $0xffff, v6;
	s17 =	sadd.s32 $0x80, s17  }
0x50: {  	s21 =	sadd.s32 $0x4, s21;
	v1 =	vld [tilespmem:s17+$0x30];
	[tilespmem:s18+$0x1830 ss:$0x81] =	vst.msk $0xffff, v7  }
.Ltmp4:
0x51: {  	_ = 	snop;
	(pc) =	sbr.rel .LBB1_4-.Ltmp4, $1  }
0x52: {  	_ =	sdelay $0x3  }
.LBB1_6:
0x53: {  	_ =	sfence.sel $0x180000  }
0x54: {  	s2 =	simm.s32 $0x1;
	[bflag:$0x0] =	sbarrier.arrive $0xFFFF  }
0x55: {  	s31 =	simm.s32 $0x2;
	[sflag:s2] =	ssyncpa.u1 $0x1  }
0x56: {  	[sflag:s31] =	ssyncpa.u1 $0x1  }
0x57: {  	p0 =	sne.s32 s0, $0x0;
	_ =	strace $0x9000004A  }
0x58: {  	s0 =	sadd.s32 @!p0 $0x100000, s1;
	[bflag:$0x2] =	sbarrier.arrive $0xFFFF  }
0x59: {  	[sflag:s0] =	ssyncadd.tile.s32 @!p0 $0x1;
	_ =	shalt  }
.Lfunc_end1:
_tile_overlayer_lowered:
.L_overlay_start_2:
0x5a: {  	(tag) =	ssettag $0x2  }
0x5b: {  	s0 =	rddreg [dreg:$0x0];
	s2 =	stileid.u32  }
0x5c: {  	s1 =	rddreg [dreg:$0x1];
	p0 =	sne.s32 s2, $0x0  }
0x5d: {  	s3 =	rddreg [dreg:$0x2];
	[bflag:$0x3] =	sbarrier.arrive $0xFFFF;
	s2 =	simm.s32 @!p0 $0x1C01  }
0x5e: {  	[timem:s3], [sflag:s2] =	dma.local @!p0 [hbm:s0], s1  }
0x5f: {  	s0 =	simm.s32 @!p0 $0x1  }
0x60: {  	_ =	swait.ge @!p0 [sflag:s0], s1  }
0x61: {  	s1 =	ssub.s32 @!p0 $0x0, s1;
	[sflag:s0] =	ssyncset.done @!p0 $0x0  }
0x62: {  	[sflag:s0] =	ssyncadd.s32 @!p0 s1  }
0x63: {  	[bflag:$0x3] =	sbarrier.arrive $0xFFFF  }
0x64: {  	_ =	shalt  }

</sc_bundles>
